<compile_context>
chip_gen: v7x
topology: tpu7x:2x2x1
jax: 0.10.2.dev20260603
libtpu: 0.0.44.dev20260713+nightly
codegen_flags: <defaults>
</compile_context>

<pallas_src>
import functools

import jax
import jax.numpy as jnp
from jax.experimental import pallas as pl
from jax.experimental.pallas import tpu as pltpu
from jax.experimental.pallas import tpu_sc as plsc

_K = 20
_KP = 24
_B = 8
_N = 4096
_Q = 256
_P = 256
_NW = 32


def _mish(x):
    sp = jnp.maximum(x, 0.0) + jnp.log1p(jnp.exp(-jnp.abs(x)))
    return x * jnp.tanh(sp)


def _bf(x):
    return x.astype(jnp.bfloat16)



def _knn_kernel(xq_ref, xa_ref, xxq_ref, xxa_ref, out_ref, work_ref,
                ids_ref, *, n, q, kp1):
    xq = xq_ref[0]
    xa = xa_ref[0]
    inner = jax.lax.dot_general(
        _bf(xq), _bf(xa), (((1,), (1,)), ((), ())),
        preferred_element_type=jnp.float32)
    qq = xxq_ref[0][:, 0:1]
    aa = xxa_ref[0][0:1, :]
    work_ref[...] = qq - 2.0 * inner + aa
    lane = jax.lax.broadcasted_iota(jnp.int32, (q, n), 1)
    col = jax.lax.broadcasted_iota(jnp.int32, (q, ids_ref.shape[1]), 1)

    def body(j, _):
        w = work_ref[...]
        m = jnp.min(w, axis=1, keepdims=True)
        cand = jnp.where(w == m, lane, jnp.int32(n))
        i = jnp.min(cand, axis=1, keepdims=True)
        ids_ref[...] = jnp.where(col == j, i, ids_ref[...])
        work_ref[...] = jnp.where(lane == i, jnp.float32(jnp.inf), w)
        return 0

    jax.lax.fori_loop(0, kp1, body, 0, unroll=True)
    base = pl.program_id(0) * n
    colk = jax.lax.broadcasted_iota(jnp.int32, (q, _KP), 1)
    shifted = ids_ref[:, 1:1 + _KP]
    out_ref[0] = jnp.where(colk < kp1 - 1, shifted + base, 0)


def _topk_gids(xr, xx, kp1):
    b, n, d = xr.shape
    q = _Q
    kern = functools.partial(_knn_kernel, n=n, q=q, kp1=kp1)
    xxq = xx.reshape(b, n, 1)
    xxa = xx.reshape(b, 1, n)
    return pl.pallas_call(
        kern,
        grid=(b, n // q),
        in_specs=[pl.BlockSpec((1, q, d), lambda i, j: (i, j, 0)),
                  pl.BlockSpec((1, n, d), lambda i, j: (i, 0, 0)),
                  pl.BlockSpec((1, q, 1), lambda i, j: (i, j, 0)),
                  pl.BlockSpec((1, 1, n), lambda i, j: (i, 0, 0))],
        out_specs=pl.BlockSpec((1, q, _KP), lambda i, j: (i, j, 0)),
        out_shape=jax.ShapeDtypeStruct((b, n, _KP), jnp.int32),
        scratch_shapes=[pltpu.VMEM((q, n), jnp.float32),
                        pltpu.VMEM((q, 32), jnp.int32)],
    )(xr, xr, xxq, xxa)



def _sc_gather(table, gid, dp):
    rows = gid.shape[0]
    per_w = rows // _NW
    ch = 128
    iters = per_w // ch
    mesh = plsc.VectorSubcoreMesh(core_axis_name="c", subcore_axis_name="s")

    @functools.partial(
        pl.kernel, mesh=mesh,
        out_type=jax.ShapeDtypeStruct((rows, dp), jnp.float32),
        scratch_types=[pltpu.VMEM((ch,), jnp.int32),
                       pltpu.VMEM((ch, dp), jnp.float32),
                       pltpu.SemaphoreType.DMA],
        compiler_params=pltpu.CompilerParams(use_tc_tiling_on_sc=False),
    )
    def k(table_hbm, gid_hbm, out_hbm, idx_v, rows_v, sem):
        wid = jax.lax.axis_index("s") * 2 + jax.lax.axis_index("c")
        w0 = wid * per_w

        def body(it, _):
            base = w0 + it * ch
            pltpu.sync_copy(gid_hbm.at[pl.ds(base, ch)], idx_v)
            pltpu.async_copy(table_hbm.at[idx_v], rows_v, sem).wait()
            pltpu.sync_copy(rows_v, out_hbm.at[pl.ds(base, ch)])
            return 0

        jax.lax.fori_loop(0, iters, body, 0)

    return k(table, gid)



def _z1_block(zg_ref, xr_ref, wt_ref, p, dp, d):
    xc = xr_ref[...]
    zg = zg_ref[...].reshape(p, _KP, dp)
    xcr = jnp.broadcast_to(xc[:, None, :], (p, _KP, dp))
    fsub = (zg - xcr).reshape(p * _KP, dp)
    f = jnp.concatenate(
        [fsub[:, :d], xcr.reshape(p * _KP, dp)[:, :d]], axis=1)
    z1 = jnp.dot(_bf(f), _bf(wt_ref[...]),
                 preferred_element_type=jnp.float32)
    return z1.reshape(p, _KP, 64)


def _bn_apply(z, st_ref, nval):
    m = st_ref[0:1, :]
    var = st_ref[1:2, :]
    return (z - m[None]) / jnp.sqrt(var + 1e-5)[None]


def _masked(z, p, fill):
    kio = jax.lax.broadcasted_iota(jnp.int32, (p, _KP, 1), 1)
    return jnp.where(kio < _K, z, fill)


def _block_sums(z, p):
    zf = z.reshape(p * _KP, 64)
    both = jnp.concatenate([zf, zf * zf], axis=1)
    ones = jnp.ones((1, p * _KP), jnp.float32)
    s = jax.lax.dot_general(ones, both, (((1,), (0,)), ((), ())),
                            precision=jax.lax.Precision.HIGHEST,
                            preferred_element_type=jnp.float32)
    return s.reshape(1, 2, 64)


def _tree_reduce_kernel(ps_ref, st_ref):
    a = ps_ref[...]
    m = a.shape[0]
    while m > 1:
        h = m // 2
        a = a[:h] + a[h:m]
        m = h
    st_ref[...] = a[0]


def _zwrite1_kernel(zg_ref, xr_ref, wt_ref, z_ref, *, p, dp, d):
    z1 = _z1_block(zg_ref, xr_ref, wt_ref, p, dp, d)
    z_ref[...] = z1.reshape(p * _KP, 64)


def _zwrite2_kernel(zg_ref, xr_ref, wt_ref, st1_ref, w2t_ref,
                    z_ref, *, p, dp, d, nval):
    z1 = _z1_block(zg_ref, xr_ref, wt_ref, p, dp, d)
    h1 = _mish(_bn_apply(z1, st1_ref, nval))
    z2 = jnp.dot(_bf(h1.reshape(p * _KP, 64)), _bf(w2t_ref[...]),
                 preferred_element_type=jnp.float32)
    z_ref[...] = z2


def _max2_kernel(zg_ref, xr_ref, wt_ref, st1_ref, w2t_ref,
                 st2_ref, out_ref, *, p, dp, d, nval):
    z1 = _z1_block(zg_ref, xr_ref, wt_ref, p, dp, d)
    h1 = _mish(_bn_apply(z1, st1_ref, nval))
    z2 = jnp.dot(_bf(h1.reshape(p * _KP, 64)), _bf(w2t_ref[...]),
                 preferred_element_type=jnp.float32).reshape(p, _KP, 64)
    h2 = _mish(_bn_apply(z2, st2_ref, nval))
    out_ref[...] = jnp.max(_masked(h2, p, -jnp.inf), axis=1)


def _max1_kernel(zg_ref, xr_ref, wt_ref, st1_ref, out_ref,
                 *, p, dp, d, nval):
    z1 = _z1_block(zg_ref, xr_ref, wt_ref, p, dp, d)
    h1 = _mish(_bn_apply(z1, st1_ref, nval))
    out_ref[...] = jnp.max(_masked(h1, p, -jnp.inf), axis=1)


def _stage(xr, wt, w2t, d, xx):
    bn, dp = xr.shape
    p = _P
    grid = (bn // p,)
    nval = float(bn * _K)
    gids = _topk_gids(xr.reshape(_B, _N, dp), xx, _K + 1)
    zg = _sc_gather(xr, gids.reshape(-1), dp)

    zspec = pl.BlockSpec((p * _KP, dp), lambda i: (i, 0))
    xspec = pl.BlockSpec((p, dp), lambda i: (i, 0))
    w_spec = pl.BlockSpec(wt.shape, lambda i: (0, 0))
    st_spec = pl.BlockSpec((2, 64), lambda i: (0, 0))
    zout_spec = pl.BlockSpec((p * _KP, 64), lambda i: (i, 0))
    zout_shape = jax.ShapeDtypeStruct((bn * _KP, 64), jnp.float32)

    def _xla_stats(zarr):
        zt = jnp.transpose(
            zarr.reshape(_B, _N, _KP, 64)[:, :, :_K, :], (0, 3, 1, 2))
        m = jnp.mean(zt, axis=(0, 2, 3))
        v = jnp.var(zt, axis=(0, 2, 3))
        return jnp.stack([m, v])

    z1arr = pl.pallas_call(
        functools.partial(_zwrite1_kernel, p=p, dp=dp, d=d),
        grid=grid,
        in_specs=[zspec, xspec, w_spec],
        out_specs=zout_spec, out_shape=zout_shape,
    )(zg, xr, wt)
    st1 = _xla_stats(z1arr)

    if w2t is None:
        return pl.pallas_call(
            functools.partial(_max1_kernel, p=p, dp=dp, d=d, nval=nval),
            grid=grid,
            in_specs=[zspec, xspec, w_spec, st_spec],
            out_specs=pl.BlockSpec((p, 64), lambda i: (i, 0)),
            out_shape=jax.ShapeDtypeStruct((bn, 64), jnp.float32),
        )(zg, xr, wt, st1)

    w2_spec = pl.BlockSpec((64, 64), lambda i: (0, 0))
    z2arr = pl.pallas_call(
        functools.partial(_zwrite2_kernel, p=p, dp=dp, d=d, nval=nval),
        grid=grid,
        in_specs=[zspec, xspec, w_spec, st_spec, w2_spec],
        out_specs=zout_spec, out_shape=zout_shape,
    )(zg, xr, wt, st1, w2t)
    st2 = _xla_stats(z2arr)

    return pl.pallas_call(
        functools.partial(_max2_kernel, p=p, dp=dp, d=d, nval=nval),
        grid=grid,
        in_specs=[zspec, xspec, w_spec, st_spec, w2_spec, st_spec],
        out_specs=pl.BlockSpec((p, 64), lambda i: (i, 0)),
        out_shape=jax.ShapeDtypeStruct((bn, 64), jnp.float32),
    )(zg, xr, wt, st1, w2t, st2)



def _moments_kernel(cat_ref, m_ref, s_ref):
    @pl.when(pl.program_id(0) == 0)
    def _init():
        m_ref[...] = jnp.zeros_like(m_ref)
        s_ref[...] = jnp.zeros_like(s_ref)

    c = cat_ref[...]
    cb = _bf(c)
    m_ref[...] += jax.lax.dot_general(
        cb, cb, (((0,), (0,)), ((), ())),
        preferred_element_type=jnp.float32)
    s_ref[...] += jnp.sum(c, axis=0)[None, :]


def _fold_kernel(m_ref, s_ref, w_ref, msc_ref, *, nval):
    w = w_ref[...]
    mean_c = s_ref[...] / nval
    mean_z = jax.lax.dot_general(
        w, mean_c, (((1,), (1,)), ((), ())),
        preferred_element_type=jnp.float32)
    wm = jax.lax.dot_general(
        w, m_ref[...], (((1,), (0,)), ((), ())),
        preferred_element_type=jnp.float32)
    ez2 = jnp.sum(wm * w, axis=1, keepdims=True) / nval
    var = ez2 - mean_z * mean_z
    r = 1.0 / jnp.sqrt(var + 1e-5)
    msc_ref[...] = jnp.concatenate([mean_z, r], axis=1)


def _final_conv_kernel(cat_ref, w_ref, msc_ref, out_ref):
    z = jax.lax.dot_general(
        _bf(w_ref[...]), _bf(cat_ref[...]), (((1,), (1,)), ((), ())),
        preferred_element_type=jnp.float32)
    m = msc_ref[:, 0:1]
    r = msc_ref[:, 1:2]
    out_ref[0] = _mish((z - m) * r)


def _final_conv(cat, W6):
    bn, c = cat.shape
    o = W6.shape[0]
    rp = min(2048, bn)
    m, s = pl.pallas_call(
        _moments_kernel,
        grid=(bn // rp,),
        in_specs=[pl.BlockSpec((rp, c), lambda i: (i, 0))],
        out_specs=[pl.BlockSpec((c, c), lambda i: (0, 0)),
                   pl.BlockSpec((1, c), lambda i: (0, 0))],
        out_shape=[jax.ShapeDtypeStruct((c, c), jnp.float32),
                   jax.ShapeDtypeStruct((1, c), jnp.float32)],
    )(cat)
    msc = pl.pallas_call(
        functools.partial(_fold_kernel, nval=float(bn)),
        out_shape=jax.ShapeDtypeStruct((o, 2), jnp.float32),
    )(m, s, W6)
    p4 = 512
    nb4 = _N // p4
    return pl.pallas_call(
        _final_conv_kernel,
        grid=(_B * nb4,),
        in_specs=[pl.BlockSpec((p4, c), lambda i: (i, 0)),
                  pl.BlockSpec((o, c), lambda i: (0, 0)),
                  pl.BlockSpec((o, 2), lambda i: (0, 0))],
        out_specs=pl.BlockSpec((1, o, p4), lambda i: (i // nb4, 0, i % nb4)),
        out_shape=jax.ShapeDtypeStruct((_B, o, _N), jnp.float32),
    )(cat, W6, msc)


def kernel(x, W1, W2, W3, W4, W5, W6):
    b, c, n = x.shape
    xr1 = jnp.transpose(x, (0, 2, 1)).reshape(b * n, c)
    xr1 = jnp.pad(xr1, ((0, 0), (0, 16 - c)))

    xx1 = jnp.sum(jnp.square(x), axis=1)
    x1 = _stage(xr1, W1.T, W2.T, c, xx1)
    x1_bdn = jnp.transpose(x1.reshape(b, n, 64), (0, 2, 1))
    xx2 = jnp.sum(jnp.square(x1_bdn), axis=1)
    x2 = _stage(x1, W3.T, W4.T, 64, xx2)
    x2_bdn = jnp.transpose(x2.reshape(b, n, 64), (0, 2, 1))
    xx3 = jnp.sum(jnp.square(x2_bdn), axis=1)
    x3 = _stage(x2, W5.T, None, 64, xx3)
    cat = jnp.concatenate([x1, x2, x3], axis=1)
    return _final_conv(cat, W6)

# --- scband reference (transcript-rebuilt; emitter-appended) ---
"""Pipeline reference for scband-model-sem-seg-35931696398579 (READ-ONLY COPY).

The authoritative reference and input builder live on the scoring server;
editing this copy changes nothing except your own understanding.
"""

import jax, jax.numpy as jnp
import numpy as np

RSIZE = 20

def _mish(x):
    return x * jnp.tanh(jax.nn.softplus(x))

def _bn(x, axes):
    m = jnp.mean(x, axis=axes, keepdims=True)
    v = jnp.var(x, axis=axes, keepdims=True)
    return (x - m) / jnp.sqrt(v + 1e-5)

def _knn(x, k):
    # x: (b, d, n); squared-euclidean pairwise distance, smallest k (excluding self)
    inner = jnp.einsum('bdi,bdj->bij', x, 2.0 * x)
    xx = jnp.sum(jnp.square(x), axis=1)  # (b, n)
    dist = xx[:, :, None] - inner + xx[:, None, :]
    _, idx = jax.lax.top_k(-dist, k + 1)
    return idx[:, :, 1:]

def _graph_feature(x, k):
    b, d, n = x.shape
    idx = _knn(x, k)                       # (b, n, k)
    bi = jnp.arange(b)[:, None, None]
    f = x[bi, :, idx]                      # (b, n, k, d) gather of neighbor features
    f = jnp.transpose(f, (0, 3, 1, 2))     # (b, d, n, k)
    xc = jnp.broadcast_to(x[:, :, :, None], (b, d, n, k))
    return jnp.concatenate([f - xc, xc], axis=1)  # (b, 2d, n, k)

def _conv2d(x, W):
    # 1x1 conv (no bias) + BatchNorm2d(affine=False, batch stats) + Mish
    return _mish(_bn(jnp.einsum('oc,bcnk->bonk', W, x), (0, 2, 3)))

def _conv1d(x, W):
    return _mish(_bn(jnp.einsum('oc,bcn->bon', W, x), (0, 2)))

def setup_inputs(seed: int = 0) -> dict:
    key = jax.random.key(seed)
    ks = jax.random.split(key, 7)
    b, c, n = 8, 9, 4096
    x = jax.random.normal(ks[0], (b, c, n), dtype=jnp.float32)
    def w(k, o, i):
        return jax.random.normal(k, (o, i), dtype=jnp.float32) * np.float32(np.sqrt(2.0 / i))
    W1 = w(ks[1], 64, 2 * c)
    W2 = w(ks[2], 64, 64)
    W3 = w(ks[3], 64, 128)
    W4 = w(ks[4], 64, 64)
    W5 = w(ks[5], 64, 128)
    W6 = w(ks[6], 1024, 192)
    return {"x": x, "W1": W1, "W2": W2, "W3": W3, "W4": W4, "W5": W5, "W6": W6}

def reference(x, W1, W2, W3, W4, W5, W6):
    f = _graph_feature(x, RSIZE)
    h = _conv2d(f, W1)
    h = _conv2d(h, W2)
    x1 = jnp.max(h, axis=-1)
    f = _graph_feature(x1, RSIZE)
    h = _conv2d(f, W3)
    h = _conv2d(h, W4)
    x2 = jnp.max(h, axis=-1)
    f = _graph_feature(x2, RSIZE)
    h = _conv2d(f, W5)
    x3 = jnp.max(h, axis=-1)
    cat = jnp.concatenate([x1, x2, x3], axis=1)  # (b, 192, n)
    return _conv1d(cat, W6)                      # (b, 1024, n)

if __name__ == "__main__":
    import jax
    _d = setup_inputs()
    print(jax.jit(kernel)(*tuple(_d.values())))

</pallas_src>

<mosaic_0001>
#map = affine_map<(d0, d1) -> (0, 0)>
#map1 = affine_map<(d0, d1) -> (0)>
module attributes {stable_mosaic.version = 14 : i64} {
  func.func @k(%arg0: i32, %arg1: i32, %arg2: memref<32768x16xf32, #tpu.memory_space<hbm>>, %arg3: memref<786432xi32, #tpu.memory_space<hbm>>, %arg4: memref<786432x16xf32, #tpu.memory_space<hbm>>, %arg5: memref<128xi32, #tpu.memory_space<vmem>>, %arg6: memref<128x16xf32, #tpu.memory_space<vmem>>, %arg7: memref<!tpu.dma_semaphore, #tpu.memory_space<semaphore_mem>>) attributes {dimension_semantics = [#tpu.dimension_semantics<core_parallel>, #tpu.dimension_semantics<subcore_parallel>], iteration_bounds = array<i64: 2, 16>, scalar_prefetch = 0 : i64, scratch_operands = 3 : i64, tpu.core_type = #tpu.core_type<sc_vector_subcore>, window_params = [{transform_indices = #map}, {transform_indices = #map1}, {transform_indices = #map}]} {
    %mul3A = arith.constant 2 : i32
    %mul3A_0 = arith.muli %arg1, %mul3A : i32
    %add3A = arith.addi %mul3A_0, %arg0 : i32
    %mul3A_1 = arith.constant 24576 : i32
    %mul3A_2 = arith.muli %add3A, %mul3A_1 : i32
    %scan3A = arith.constant 0 : i32
    %scan3A_3 = arith.constant 0 : i32
    %scan3A_4 = arith.constant 192 : i32
    %scan3A_5 = arith.addi %scan3A_3, %scan3A_4 : i32
    %scan3A_6 = arith.constant 1 : i32
    %scan3A_7 = scf.for %scan3A_9 = %scan3A_3 to %scan3A_5 step %scan3A_6 iter_args(%scan3A_10 = %scan3A) -> (i32)  : i32 {
      %mul3A_11 = arith.constant 128 : i32
      %mul3A_12 = arith.muli %scan3A_9, %mul3A_11 : i32
      %add3A_13 = arith.addi %mul3A_2, %mul3A_12 : i32
      "tpu.region"() ({
        %run_scoped3A = tpu.sem_alloc : memref<!tpu.dma_semaphore, #tpu.memory_space<semaphore_mem>>
        %dma_start3A_19 = tpu.memref_slice %arg3[%add3A_13] : memref<786432xi32, #tpu.memory_space<hbm>> -> memref<128xi32, #tpu.memory_space<hbm>>
        %dma_start3A_20 = tpu.memref_slice %arg3[%add3A_13] : memref<786432xi32, #tpu.memory_space<hbm>> -> memref<128xi32, #tpu.memory_space<hbm>>
        tpu.enqueue_dma source(%dma_start3A_20 : memref<128xi32, #tpu.memory_space<hbm>>) target(%arg5 : memref<128xi32, #tpu.memory_space<vmem>>) target_semaphore(%run_scoped3A : memref<!tpu.dma_semaphore, #tpu.memory_space<semaphore_mem>>)
        %dma_wait3A_21 = tpu.memref_slice %arg3[%add3A_13] : memref<786432xi32, #tpu.memory_space<hbm>> -> memref<128xi32, #tpu.memory_space<hbm>>
        %dma_wait3A_22 = tpu.memref_slice %arg3[%add3A_13] : memref<786432xi32, #tpu.memory_space<hbm>> -> memref<128xi32, #tpu.memory_space<hbm>>
        tpu.wait_dma2 semaphore(%run_scoped3A : memref<!tpu.dma_semaphore, #tpu.memory_space<semaphore_mem>>) src(%dma_wait3A_22 : memref<128xi32, #tpu.memory_space<hbm>>) dst(%arg5 : memref<128xi32, #tpu.memory_space<vmem>>)
        tpu.yield
      }) : () -> ()
      %dma_start3A = arith.constant 0 : i32
      %dma_start3A_14 = arith.constant 0 : i32
      %dma_start3A_15 = tpu.memref_slice %arg2[%dma_start3A, %dma_start3A_14] : memref<32768x16xf32, #tpu.memory_space<hbm>> -> memref<32768x16xf32, #tpu.memory_space<hbm>>
      tpu.enqueue_indirect_dma source(%dma_start3A_15 : memref<32768x16xf32, #tpu.memory_space<hbm>>) target(%arg6 : memref<128x16xf32, #tpu.memory_space<vmem>>) offsets(%arg5 : memref<128xi32, #tpu.memory_space<vmem>>) semaphore(%arg7 : memref<!tpu.dma_semaphore, #tpu.memory_space<semaphore_mem>>)
      %dma_wait3A = arith.constant 0 : i32
      %dma_wait3A_16 = arith.constant 0 : i32
      %dma_wait3A_17 = tpu.memref_slice %arg2[%dma_wait3A, %dma_wait3A_16] : memref<32768x16xf32, #tpu.memory_space<hbm>> -> memref<32768x16xf32, #tpu.memory_space<hbm>>
      tpu.wait_indirect_dma semaphore(%arg7 : memref<!tpu.dma_semaphore, #tpu.memory_space<semaphore_mem>>) src(%dma_wait3A_17 : memref<32768x16xf32, #tpu.memory_space<hbm>>) dst(%arg6 : memref<128x16xf32, #tpu.memory_space<vmem>>)
      "tpu.region"() ({
        %run_scoped3A = tpu.sem_alloc : memref<!tpu.dma_semaphore, #tpu.memory_space<semaphore_mem>>
        %dma_start3A_19 = arith.constant 0 : i32
        %dma_start3A_20 = tpu.memref_slice %arg4[%add3A_13, %dma_start3A_19] : memref<786432x16xf32, #tpu.memory_space<hbm>> -> memref<128x16xf32, #tpu.memory_space<hbm>>
        %dma_start3A_21 = arith.constant 0 : i32
        %dma_start3A_22 = tpu.memref_slice %arg4[%add3A_13, %dma_start3A_21] : memref<786432x16xf32, #tpu.memory_space<hbm>> -> memref<128x16xf32, #tpu.memory_space<hbm>>
        tpu.enqueue_dma source(%arg6 : memref<128x16xf32, #tpu.memory_space<vmem>>) target(%dma_start3A_22 : memref<128x16xf32, #tpu.memory_space<hbm>>) target_semaphore(%run_scoped3A : memref<!tpu.dma_semaphore, #tpu.memory_space<semaphore_mem>>)
        %dma_wait3A_23 = arith.constant 0 : i32
        %dma_wait3A_24 = tpu.memref_slice %arg4[%add3A_13, %dma_wait3A_23] : memref<786432x16xf32, #tpu.memory_space<hbm>> -> memref<128x16xf32, #tpu.memory_space<hbm>>
        %dma_wait3A_25 = arith.constant 0 : i32
        %dma_wait3A_26 = tpu.memref_slice %arg4[%add3A_13, %dma_wait3A_25] : memref<786432x16xf32, #tpu.memory_space<hbm>> -> memref<128x16xf32, #tpu.memory_space<hbm>>
        tpu.wait_dma2 semaphore(%run_scoped3A : memref<!tpu.dma_semaphore, #tpu.memory_space<semaphore_mem>>) src(%arg6 : memref<128x16xf32, #tpu.memory_space<vmem>>) dst(%dma_wait3A_26 : memref<128x16xf32, #tpu.memory_space<hbm>>)
        tpu.yield
      }) : () -> ()
      %scan3A_18 = arith.constant 0 : i32
      scf.yield %scan3A_18 : i32
    }
    %scan3A_8 = arith.constant 192 : i32
    return
  }
}

#map = affine_map<(d0, d1) -> (0, 0)>
#map1 = affine_map<(d0, d1) -> (0)>
module attributes {stable_mosaic.version = 14 : i64} {
  func.func @k(%arg0: i32, %arg1: i32, %arg2: memref<32768x64xf32, #tpu.memory_space<hbm>>, %arg3: memref<786432xi32, #tpu.memory_space<hbm>>, %arg4: memref<786432x64xf32, #tpu.memory_space<hbm>>, %arg5: memref<128xi32, #tpu.memory_space<vmem>>, %arg6: memref<128x64xf32, #tpu.memory_space<vmem>>, %arg7: memref<!tpu.dma_semaphore, #tpu.memory_space<semaphore_mem>>) attributes {dimension_semantics = [#tpu.dimension_semantics<core_parallel>, #tpu.dimension_semantics<subcore_parallel>], iteration_bounds = array<i64: 2, 16>, scalar_prefetch = 0 : i64, scratch_operands = 3 : i64, tpu.core_type = #tpu.core_type<sc_vector_subcore>, window_params = [{transform_indices = #map}, {transform_indices = #map1}, {transform_indices = #map}]} {
    %mul3A = arith.constant 2 : i32
    %mul3A_0 = arith.muli %arg1, %mul3A : i32
    %add3A = arith.addi %mul3A_0, %arg0 : i32
    %mul3A_1 = arith.constant 24576 : i32
    %mul3A_2 = arith.muli %add3A, %mul3A_1 : i32
    %scan3A = arith.constant 0 : i32
    %scan3A_3 = arith.constant 0 : i32
    %scan3A_4 = arith.constant 192 : i32
    %scan3A_5 = arith.addi %scan3A_3, %scan3A_4 : i32
    %scan3A_6 = arith.constant 1 : i32
    %scan3A_7 = scf.for %scan3A_9 = %scan3A_3 to %scan3A_5 step %scan3A_6 iter_args(%scan3A_10 = %scan3A) -> (i32)  : i32 {
      %mul3A_11 = arith.constant 128 : i32
      %mul3A_12 = arith.muli %scan3A_9, %mul3A_11 : i32
      %add3A_13 = arith.addi %mul3A_2, %mul3A_12 : i32
      "tpu.region"() ({
        %run_scoped3A = tpu.sem_alloc : memref<!tpu.dma_semaphore, #tpu.memory_space<semaphore_mem>>
        %dma_start3A_19 = tpu.memref_slice %arg3[%add3A_13] : memref<786432xi32, #tpu.memory_space<hbm>> -> memref<128xi32, #tpu.memory_space<hbm>>
        %dma_start3A_20 = tpu.memref_slice %arg3[%add3A_13] : memref<786432xi32, #tpu.memory_space<hbm>> -> memref<128xi32, #tpu.memory_space<hbm>>
        tpu.enqueue_dma source(%dma_start3A_20 : memref<128xi32, #tpu.memory_space<hbm>>) target(%arg5 : memref<128xi32, #tpu.memory_space<vmem>>) target_semaphore(%run_scoped3A : memref<!tpu.dma_semaphore, #tpu.memory_space<semaphore_mem>>)
        %dma_wait3A_21 = tpu.memref_slice %arg3[%add3A_13] : memref<786432xi32, #tpu.memory_space<hbm>> -> memref<128xi32, #tpu.memory_space<hbm>>
        %dma_wait3A_22 = tpu.memref_slice %arg3[%add3A_13] : memref<786432xi32, #tpu.memory_space<hbm>> -> memref<128xi32, #tpu.memory_space<hbm>>
        tpu.wait_dma2 semaphore(%run_scoped3A : memref<!tpu.dma_semaphore, #tpu.memory_space<semaphore_mem>>) src(%dma_wait3A_22 : memref<128xi32, #tpu.memory_space<hbm>>) dst(%arg5 : memref<128xi32, #tpu.memory_space<vmem>>)
        tpu.yield
      }) : () -> ()
      %dma_start3A = arith.constant 0 : i32
      %dma_start3A_14 = arith.constant 0 : i32
      %dma_start3A_15 = tpu.memref_slice %arg2[%dma_start3A, %dma_start3A_14] : memref<32768x64xf32, #tpu.memory_space<hbm>> -> memref<32768x64xf32, #tpu.memory_space<hbm>>
      tpu.enqueue_indirect_dma source(%dma_start3A_15 : memref<32768x64xf32, #tpu.memory_space<hbm>>) target(%arg6 : memref<128x64xf32, #tpu.memory_space<vmem>>) offsets(%arg5 : memref<128xi32, #tpu.memory_space<vmem>>) semaphore(%arg7 : memref<!tpu.dma_semaphore, #tpu.memory_space<semaphore_mem>>)
      %dma_wait3A = arith.constant 0 : i32
      %dma_wait3A_16 = arith.constant 0 : i32
      %dma_wait3A_17 = tpu.memref_slice %arg2[%dma_wait3A, %dma_wait3A_16] : memref<32768x64xf32, #tpu.memory_space<hbm>> -> memref<32768x64xf32, #tpu.memory_space<hbm>>
      tpu.wait_indirect_dma semaphore(%arg7 : memref<!tpu.dma_semaphore, #tpu.memory_space<semaphore_mem>>) src(%dma_wait3A_17 : memref<32768x64xf32, #tpu.memory_space<hbm>>) dst(%arg6 : memref<128x64xf32, #tpu.memory_space<vmem>>)
      "tpu.region"() ({
        %run_scoped3A = tpu.sem_alloc : memref<!tpu.dma_semaphore, #tpu.memory_space<semaphore_mem>>
        %dma_start3A_19 = arith.constant 0 : i32
        %dma_start3A_20 = tpu.memref_slice %arg4[%add3A_13, %dma_start3A_19] : memref<786432x64xf32, #tpu.memory_space<hbm>> -> memref<128x64xf32, #tpu.memory_space<hbm>>
        %dma_start3A_21 = arith.constant 0 : i32
        %dma_start3A_22 = tpu.memref_slice %arg4[%add3A_13, %dma_start3A_21] : memref<786432x64xf32, #tpu.memory_space<hbm>> -> memref<128x64xf32, #tpu.memory_space<hbm>>
        tpu.enqueue_dma source(%arg6 : memref<128x64xf32, #tpu.memory_space<vmem>>) target(%dma_start3A_22 : memref<128x64xf32, #tpu.memory_space<hbm>>) target_semaphore(%run_scoped3A : memref<!tpu.dma_semaphore, #tpu.memory_space<semaphore_mem>>)
        %dma_wait3A_23 = arith.constant 0 : i32
        %dma_wait3A_24 = tpu.memref_slice %arg4[%add3A_13, %dma_wait3A_23] : memref<786432x64xf32, #tpu.memory_space<hbm>> -> memref<128x64xf32, #tpu.memory_space<hbm>>
        %dma_wait3A_25 = arith.constant 0 : i32
        %dma_wait3A_26 = tpu.memref_slice %arg4[%add3A_13, %dma_wait3A_25] : memref<786432x64xf32, #tpu.memory_space<hbm>> -> memref<128x64xf32, #tpu.memory_space<hbm>>
        tpu.wait_dma2 semaphore(%run_scoped3A : memref<!tpu.dma_semaphore, #tpu.memory_space<semaphore_mem>>) src(%arg6 : memref<128x64xf32, #tpu.memory_space<vmem>>) dst(%dma_wait3A_26 : memref<128x64xf32, #tpu.memory_space<hbm>>)
        tpu.yield
      }) : () -> ()
      %scan3A_18 = arith.constant 0 : i32
      scf.yield %scan3A_18 : i32
    }
    %scan3A_8 = arith.constant 192 : i32
    return
  }
}

#map = affine_map<(d0, d1) -> (0, 0)>
#map1 = affine_map<(d0, d1) -> (0)>
module attributes {stable_mosaic.version = 14 : i64} {
  func.func @k(%arg0: i32, %arg1: i32, %arg2: memref<32768x64xf32, #tpu.memory_space<hbm>>, %arg3: memref<786432xi32, #tpu.memory_space<hbm>>, %arg4: memref<786432x64xf32, #tpu.memory_space<hbm>>, %arg5: memref<128xi32, #tpu.memory_space<vmem>>, %arg6: memref<128x64xf32, #tpu.memory_space<vmem>>, %arg7: memref<!tpu.dma_semaphore, #tpu.memory_space<semaphore_mem>>) attributes {dimension_semantics = [#tpu.dimension_semantics<core_parallel>, #tpu.dimension_semantics<subcore_parallel>], iteration_bounds = array<i64: 2, 16>, scalar_prefetch = 0 : i64, scratch_operands = 3 : i64, tpu.core_type = #tpu.core_type<sc_vector_subcore>, window_params = [{transform_indices = #map}, {transform_indices = #map1}, {transform_indices = #map}]} {
    %mul3A = arith.constant 2 : i32
    %mul3A_0 = arith.muli %arg1, %mul3A : i32
    %add3A = arith.addi %mul3A_0, %arg0 : i32
    %mul3A_1 = arith.constant 24576 : i32
    %mul3A_2 = arith.muli %add3A, %mul3A_1 : i32
    %scan3A = arith.constant 0 : i32
    %scan3A_3 = arith.constant 0 : i32
    %scan3A_4 = arith.constant 192 : i32
    %scan3A_5 = arith.addi %scan3A_3, %scan3A_4 : i32
    %scan3A_6 = arith.constant 1 : i32
    %scan3A_7 = scf.for %scan3A_9 = %scan3A_3 to %scan3A_5 step %scan3A_6 iter_args(%scan3A_10 = %scan3A) -> (i32)  : i32 {
      %mul3A_11 = arith.constant 128 : i32
      %mul3A_12 = arith.muli %scan3A_9, %mul3A_11 : i32
      %add3A_13 = arith.addi %mul3A_2, %mul3A_12 : i32
      "tpu.region"() ({
        %run_scoped3A = tpu.sem_alloc : memref<!tpu.dma_semaphore, #tpu.memory_space<semaphore_mem>>
        %dma_start3A_19 = tpu.memref_slice %arg3[%add3A_13] : memref<786432xi32, #tpu.memory_space<hbm>> -> memref<128xi32, #tpu.memory_space<hbm>>
        %dma_start3A_20 = tpu.memref_slice %arg3[%add3A_13] : memref<786432xi32, #tpu.memory_space<hbm>> -> memref<128xi32, #tpu.memory_space<hbm>>
        tpu.enqueue_dma source(%dma_start3A_20 : memref<128xi32, #tpu.memory_space<hbm>>) target(%arg5 : memref<128xi32, #tpu.memory_space<vmem>>) target_semaphore(%run_scoped3A : memref<!tpu.dma_semaphore, #tpu.memory_space<semaphore_mem>>)
        %dma_wait3A_21 = tpu.memref_slice %arg3[%add3A_13] : memref<786432xi32, #tpu.memory_space<hbm>> -> memref<128xi32, #tpu.memory_space<hbm>>
        %dma_wait3A_22 = tpu.memref_slice %arg3[%add3A_13] : memref<786432xi32, #tpu.memory_space<hbm>> -> memref<128xi32, #tpu.memory_space<hbm>>
        tpu.wait_dma2 semaphore(%run_scoped3A : memref<!tpu.dma_semaphore, #tpu.memory_space<semaphore_mem>>) src(%dma_wait3A_22 : memref<128xi32, #tpu.memory_space<hbm>>) dst(%arg5 : memref<128xi32, #tpu.memory_space<vmem>>)
        tpu.yield
      }) : () -> ()
      %dma_start3A = arith.constant 0 : i32
      %dma_start3A_14 = arith.constant 0 : i32
      %dma_start3A_15 = tpu.memref_slice %arg2[%dma_start3A, %dma_start3A_14] : memref<32768x64xf32, #tpu.memory_space<hbm>> -> memref<32768x64xf32, #tpu.memory_space<hbm>>
      tpu.enqueue_indirect_dma source(%dma_start3A_15 : memref<32768x64xf32, #tpu.memory_space<hbm>>) target(%arg6 : memref<128x64xf32, #tpu.memory_space<vmem>>) offsets(%arg5 : memref<128xi32, #tpu.memory_space<vmem>>) semaphore(%arg7 : memref<!tpu.dma_semaphore, #tpu.memory_space<semaphore_mem>>)
      %dma_wait3A = arith.constant 0 : i32
      %dma_wait3A_16 = arith.constant 0 : i32
      %dma_wait3A_17 = tpu.memref_slice %arg2[%dma_wait3A, %dma_wait3A_16] : memref<32768x64xf32, #tpu.memory_space<hbm>> -> memref<32768x64xf32, #tpu.memory_space<hbm>>
      tpu.wait_indirect_dma semaphore(%arg7 : memref<!tpu.dma_semaphore, #tpu.memory_space<semaphore_mem>>) src(%dma_wait3A_17 : memref<32768x64xf32, #tpu.memory_space<hbm>>) dst(%arg6 : memref<128x64xf32, #tpu.memory_space<vmem>>)
      "tpu.region"() ({
        %run_scoped3A = tpu.sem_alloc : memref<!tpu.dma_semaphore, #tpu.memory_space<semaphore_mem>>
        %dma_start3A_19 = arith.constant 0 : i32
        %dma_start3A_20 = tpu.memref_slice %arg4[%add3A_13, %dma_start3A_19] : memref<786432x64xf32, #tpu.memory_space<hbm>> -> memref<128x64xf32, #tpu.memory_space<hbm>>
        %dma_start3A_21 = arith.constant 0 : i32
        %dma_start3A_22 = tpu.memref_slice %arg4[%add3A_13, %dma_start3A_21] : memref<786432x64xf32, #tpu.memory_space<hbm>> -> memref<128x64xf32, #tpu.memory_space<hbm>>
        tpu.enqueue_dma source(%arg6 : memref<128x64xf32, #tpu.memory_space<vmem>>) target(%dma_start3A_22 : memref<128x64xf32, #tpu.memory_space<hbm>>) target_semaphore(%run_scoped3A : memref<!tpu.dma_semaphore, #tpu.memory_space<semaphore_mem>>)
        %dma_wait3A_23 = arith.constant 0 : i32
        %dma_wait3A_24 = tpu.memref_slice %arg4[%add3A_13, %dma_wait3A_23] : memref<786432x64xf32, #tpu.memory_space<hbm>> -> memref<128x64xf32, #tpu.memory_space<hbm>>
        %dma_wait3A_25 = arith.constant 0 : i32
        %dma_wait3A_26 = tpu.memref_slice %arg4[%add3A_13, %dma_wait3A_25] : memref<786432x64xf32, #tpu.memory_space<hbm>> -> memref<128x64xf32, #tpu.memory_space<hbm>>
        tpu.wait_dma2 semaphore(%run_scoped3A : memref<!tpu.dma_semaphore, #tpu.memory_space<semaphore_mem>>) src(%arg6 : memref<128x64xf32, #tpu.memory_space<vmem>>) dst(%dma_wait3A_26 : memref<128x64xf32, #tpu.memory_space<hbm>>)
        tpu.yield
      }) : () -> ()
      %scan3A_18 = arith.constant 0 : i32
      scf.yield %scan3A_18 : i32
    }
    %scan3A_8 = arith.constant 192 : i32
    return
  }
}

module attributes {stable_mosaic.version = 14 : i64} {
  func.func @_knn_kernel(%arg0: i32, %arg1: i32, %arg2: memref<1x256x16xf32, #tpu.memory_space<vmem>>, %arg3: memref<1x4096x16xf32, #tpu.memory_space<vmem>>, %arg4: memref<1x256x1xf32, #tpu.memory_space<vmem>>, %arg5: memref<1x1x4096xf32, #tpu.memory_space<vmem>>, %arg6: memref<1x256x24xi32, #tpu.memory_space<vmem>>, %arg7: memref<256x4096xf32, #tpu.memory_space<vmem>>, %arg8: memref<256x32xi32, #tpu.memory_space<vmem>>) attributes {dimension_semantics = [#tpu.dimension_semantics<arbitrary>, #tpu.dimension_semantics<arbitrary>], iteration_bounds = array<i64: 8, 16>, scalar_prefetch = 0 : i64, scratch_operands = 2 : i64, tpu.core_type = #tpu.core_type<tc>, window_params = [{transform_indices = @transform_0, window_bounds = array<i64: 1, 256, 16>}, {transform_indices = @transform_1, window_bounds = array<i64: 1, 4096, 16>}, {transform_indices = @transform_2, window_bounds = array<i64: 1, 256, 1>}, {transform_indices = @transform_3, window_bounds = array<i64: 1, 1, 4096>}, {transform_indices = @transform_4, window_bounds = array<i64: 1, 256, 24>}]} {
    %get3A = arith.constant 0 : index
    %get3A_0 = arith.constant 0 : index
    %get3A_1 = arith.constant 0 : index
    %get3A_2 = vector.load %arg2[%get3A, %get3A_0, %get3A_1] : memref<1x256x16xf32, #tpu.memory_space<vmem>>, vector<1x256x16xf32>
    %get3A_3 = vector.shape_cast %get3A_2 : vector<1x256x16xf32> to vector<256x16xf32>
    %get3A_4 = arith.constant 0 : index
    %get3A_5 = arith.constant 0 : index
    %get3A_6 = arith.constant 0 : index
    %get3A_7 = vector.load %arg3[%get3A_4, %get3A_5, %get3A_6] : memref<1x4096x16xf32, #tpu.memory_space<vmem>>, vector<1x4096x16xf32>
    %get3A_8 = vector.shape_cast %get3A_7 : vector<1x4096x16xf32> to vector<4096x16xf32>
    %convert_element_type3A = arith.truncf %get3A_3 : vector<256x16xf32> to vector<256x16xbf16>
    %convert_element_type3A_9 = arith.truncf %get3A_8 : vector<4096x16xf32> to vector<4096x16xbf16>
    %dot_general3A = arith.constant dense<0.000000e+00> : vector<256x4096xf32>
    %dot_general3A_10 = tpu.matmul %convert_element_type3A, %convert_element_type3A_9, %dot_general3A {dimension_numbers = #tpu.dot_dimension_numbers<[1], [1], [0], [0], [0, 0, 1, 0], [], []>, transpose_lhs_hint = false} : vector<256x16xbf16>, vector<4096x16xbf16>, vector<256x4096xf32> -> vector<256x4096xf32>
    %get3A_11 = arith.constant 0 : index
    %get3A_12 = arith.constant 0 : index
    %get3A_13 = arith.constant 0 : index
    %get3A_14 = vector.load %arg4[%get3A_11, %get3A_12, %get3A_13] : memref<1x256x1xf32, #tpu.memory_space<vmem>>, vector<1x256x1xf32>
    %get3A_15 = vector.shape_cast %get3A_14 : vector<1x256x1xf32> to vector<256x1xf32>
    %get3A_16 = arith.constant 0 : index
    %get3A_17 = arith.constant 0 : index
    %get3A_18 = arith.constant 0 : index
    %get3A_19 = vector.load %arg5[%get3A_16, %get3A_17, %get3A_18] : memref<1x1x4096xf32, #tpu.memory_space<vmem>>, vector<1x1x4096xf32>
    %get3A_20 = vector.shape_cast %get3A_19 : vector<1x1x4096xf32> to vector<1x4096xf32>
    %mul3A = arith.constant 2.000000e+00 : f32
    %mul3A_21 = vector.broadcast %mul3A : f32 to vector<256x4096xf32>
    %mul3A_22 = arith.mulf %mul3A_21, %dot_general3A_10 : vector<256x4096xf32>
    %sub3A = vector.broadcast %get3A_15 : vector<256x1xf32> to vector<256x4096xf32>
    %sub3A_23 = arith.subf %sub3A, %mul3A_22 : vector<256x4096xf32>
    %add3A = vector.broadcast %get3A_20 : vector<1x4096xf32> to vector<256x4096xf32>
    %add3A_24 = arith.addf %sub3A_23, %add3A : vector<256x4096xf32>
    %swap3A = arith.constant 0 : index
    %swap3A_25 = arith.constant 0 : index
    %swap3A_26 = vector.load %arg7[%swap3A, %swap3A_25] : memref<256x4096xf32, #tpu.memory_space<vmem>>, vector<256x4096xf32>
    tpu.vector_store %arg7[%swap3A, %swap3A_25], %add3A_24 {strides = array<i32>} : memref<256x4096xf32, #tpu.memory_space<vmem>>, vector<256x4096xf32>,
    %iota3A = tpu.iota {dimensions = array<i32: 1>} : vector<256x4096xi32>
    %iota3A_27 = tpu.iota {dimensions = array<i32: 1>} : vector<256x32xi32>
    %scan3A = arith.constant 0 : i32
    %get3A_28 = arith.constant 0 : index
    %get3A_29 = arith.constant 0 : index
    %get3A_30 = vector.load %arg7[%get3A_28, %get3A_29] : memref<256x4096xf32, #tpu.memory_space<vmem>>, vector<256x4096xf32>
    %reduce_min3A = arith.constant dense<0x7F800000> : vector<256xf32>
    %reduce_min3A_31 = vector.multi_reduction <minimumf>, %get3A_30, %reduce_min3A [1] : vector<256x4096xf32> to vector<256xf32>
    %broadcast_in_dim3A = vector.shape_cast %reduce_min3A_31 : vector<256xf32> to vector<256x1xf32>
    %eq3A = vector.broadcast %broadcast_in_dim3A : vector<256x1xf32> to vector<256x4096xf32>
    %eq3A_32 = arith.cmpf oeq, %get3A_30, %eq3A : vector<256x4096xf32>
    %jit3A = arith.constant 4096 : i32
    %broadcast_in_dim3A_33 = vector.broadcast %jit3A : i32 to vector<256x4096xi32>
    %select_n3A = arith.select %eq3A_32, %iota3A, %broadcast_in_dim3A_33 : vector<256x4096xi1>, vector<256x4096xi32>
    %reduce_min3A_34 = arith.constant dense<2147483647> : vector<256xi32>
    %reduce_min3A_35 = vector.multi_reduction <minsi>, %select_n3A, %reduce_min3A_34 [1] : vector<256x4096xi32> to vector<256xi32>
    %broadcast_in_dim3A_36 = vector.shape_cast %reduce_min3A_35 : vector<256xi32> to vector<256x1xi32>
    %eq3A_37 = vector.broadcast %scan3A : i32 to vector<256x32xi32>
    %eq3A_38 = arith.cmpi eq, %iota3A_27, %eq3A_37 : vector<256x32xi32>
    %get3A_39 = arith.constant 0 : index
    %get3A_40 = arith.constant 0 : index
    %get3A_41 = vector.load %arg8[%get3A_39, %get3A_40] : memref<256x32xi32, #tpu.memory_space<vmem>>, vector<256x32xi32>
    %broadcast_in_dim3A_42 = vector.shape_cast %broadcast_in_dim3A_36 : vector<256x1xi32> to vector<256x1xi32>
    %broadcast_in_dim3A_43 = vector.broadcast %broadcast_in_dim3A_42 : vector<256x1xi32> to vector<256x32xi32>
    %select_n3A_44 = arith.select %eq3A_38, %broadcast_in_dim3A_43, %get3A_41 : vector<256x32xi1>, vector<256x32xi32>
    %swap3A_45 = arith.constant 0 : index
    %swap3A_46 = arith.constant 0 : index
    %swap3A_47 = vector.load %arg8[%swap3A_45, %swap3A_46] : memref<256x32xi32, #tpu.memory_space<vmem>>, vector<256x32xi32>
    tpu.vector_store %arg8[%swap3A_45, %swap3A_46], %select_n3A_44 {strides = array<i32>} : memref<256x32xi32, #tpu.memory_space<vmem>>, vector<256x32xi32>,
    %eq3A_48 = vector.broadcast %broadcast_in_dim3A_36 : vector<256x1xi32> to vector<256x4096xi32>
    %eq3A_49 = arith.cmpi eq, %iota3A, %eq3A_48 : vector<256x4096xi32>
    %jit3A_50 = arith.constant 0x7F800000 : f32
    %broadcast_in_dim3A_51 = vector.broadcast %jit3A_50 : f32 to vector<256x4096xf32>
    %select_n3A_52 = arith.select %eq3A_49, %broadcast_in_dim3A_51, %get3A_30 : vector<256x4096xi1>, vector<256x4096xf32>
    %swap3A_53 = arith.constant 0 : index
    %swap3A_54 = arith.constant 0 : index
    %swap3A_55 = vector.load %arg7[%swap3A_53, %swap3A_54] : memref<256x4096xf32, #tpu.memory_space<vmem>>, vector<256x4096xf32>
    tpu.vector_store %arg7[%swap3A_53, %swap3A_54], %select_n3A_52 {strides = array<i32>} : memref<256x4096xf32, #tpu.memory_space<vmem>>, vector<256x4096xf32>,
    %scan3A_56 = arith.constant 1 : i32
    %get3A_57 = arith.constant 0 : index
    %get3A_58 = arith.constant 0 : index
    %get3A_59 = vector.load %arg7[%get3A_57, %get3A_58] : memref<256x4096xf32, #tpu.memory_space<vmem>>, vector<256x4096xf32>
    %reduce_min3A_60 = arith.constant dense<0x7F800000> : vector<256xf32>
    %reduce_min3A_61 = vector.multi_reduction <minimumf>, %get3A_59, %reduce_min3A_60 [1] : vector<256x4096xf32> to vector<256xf32>
    %broadcast_in_dim3A_62 = vector.shape_cast %reduce_min3A_61 : vector<256xf32> to vector<256x1xf32>
    %eq3A_63 = vector.broadcast %broadcast_in_dim3A_62 : vector<256x1xf32> to vector<256x4096xf32>
    %eq3A_64 = arith.cmpf oeq, %get3A_59, %eq3A_63 : vector<256x4096xf32>
    %jit3A_65 = arith.constant 4096 : i32
    %broadcast_in_dim3A_66 = vector.broadcast %jit3A_65 : i32 to vector<256x4096xi32>
    %select_n3A_67 = arith.select %eq3A_64, %iota3A, %broadcast_in_dim3A_66 : vector<256x4096xi1>, vector<256x4096xi32>
    %reduce_min3A_68 = arith.constant dense<2147483647> : vector<256xi32>
    %reduce_min3A_69 = vector.multi_reduction <minsi>, %select_n3A_67, %reduce_min3A_68 [1] : vector<256x4096xi32> to vector<256xi32>
    %broadcast_in_dim3A_70 = vector.shape_cast %reduce_min3A_69 : vector<256xi32> to vector<256x1xi32>
    %eq3A_71 = vector.broadcast %scan3A_56 : i32 to vector<256x32xi32>
    %eq3A_72 = arith.cmpi eq, %iota3A_27, %eq3A_71 : vector<256x32xi32>
    %get3A_73 = arith.constant 0 : index
    %get3A_74 = arith.constant 0 : index
    %get3A_75 = vector.load %arg8[%get3A_73, %get3A_74] : memref<256x32xi32, #tpu.memory_space<vmem>>, vector<256x32xi32>
    %broadcast_in_dim3A_76 = vector.shape_cast %broadcast_in_dim3A_70 : vector<256x1xi32> to vector<256x1xi32>
    %broadcast_in_dim3A_77 = vector.broadcast %broadcast_in_dim3A_76 : vector<256x1xi32> to vector<256x32xi32>
    %select_n3A_78 = arith.select %eq3A_72, %broadcast_in_dim3A_77, %get3A_75 : vector<256x32xi1>, vector<256x32xi32>
    %swap3A_79 = arith.constant 0 : index
    %swap3A_80 = arith.constant 0 : index
    %swap3A_81 = vector.load %arg8[%swap3A_79, %swap3A_80] : memref<256x32xi32, #tpu.memory_space<vmem>>, vector<256x32xi32>
    tpu.vector_store %arg8[%swap3A_79, %swap3A_80], %select_n3A_78 {strides = array<i32>} : memref<256x32xi32, #tpu.memory_space<vmem>>, vector<256x32xi32>,
    %eq3A_82 = vector.broadcast %broadcast_in_dim3A_70 : vector<256x1xi32> to vector<256x4096xi32>
    %eq3A_83 = arith.cmpi eq, %iota3A, %eq3A_82 : vector<256x4096xi32>
    %jit3A_84 = arith.constant 0x7F800000 : f32
    %broadcast_in_dim3A_85 = vector.broadcast %jit3A_84 : f32 to vector<256x4096xf32>
    %select_n3A_86 = arith.select %eq3A_83, %broadcast_in_dim3A_85, %get3A_59 : vector<256x4096xi1>, vector<256x4096xf32>
    %swap3A_87 = arith.constant 0 : index
    %swap3A_88 = arith.constant 0 : index
    %swap3A_89 = vector.load %arg7[%swap3A_87, %swap3A_88] : memref<256x4096xf32, #tpu.memory_space<vmem>>, vector<256x4096xf32>
    tpu.vector_store %arg7[%swap3A_87, %swap3A_88], %select_n3A_86 {strides = array<i32>} : memref<256x4096xf32, #tpu.memory_space<vmem>>, vector<256x4096xf32>,
    %scan3A_90 = arith.constant 2 : i32
    %get3A_91 = arith.constant 0 : index
    %get3A_92 = arith.constant 0 : index
    %get3A_93 = vector.load %arg7[%get3A_91, %get3A_92] : memref<256x4096xf32, #tpu.memory_space<vmem>>, vector<256x4096xf32>
    %reduce_min3A_94 = arith.constant dense<0x7F800000> : vector<256xf32>
    %reduce_min3A_95 = vector.multi_reduction <minimumf>, %get3A_93, %reduce_min3A_94 [1] : vector<256x4096xf32> to vector<256xf32>
    %broadcast_in_dim3A_96 = vector.shape_cast %reduce_min3A_95 : vector<256xf32> to vector<256x1xf32>
    %eq3A_97 = vector.broadcast %broadcast_in_dim3A_96 : vector<256x1xf32> to vector<256x4096xf32>
    %eq3A_98 = arith.cmpf oeq, %get3A_93, %eq3A_97 : vector<256x4096xf32>
    %jit3A_99 = arith.constant 4096 : i32
    %broadcast_in_dim3A_100 = vector.broadcast %jit3A_99 : i32 to vector<256x4096xi32>
    %select_n3A_101 = arith.select %eq3A_98, %iota3A, %broadcast_in_dim3A_100 : vector<256x4096xi1>, vector<256x4096xi32>
    %reduce_min3A_102 = arith.constant dense<2147483647> : vector<256xi32>
    %reduce_min3A_103 = vector.multi_reduction <minsi>, %select_n3A_101, %reduce_min3A_102 [1] : vector<256x4096xi32> to vector<256xi32>
    %broadcast_in_dim3A_104 = vector.shape_cast %reduce_min3A_103 : vector<256xi32> to vector<256x1xi32>
    %eq3A_105 = vector.broadcast %scan3A_90 : i32 to vector<256x32xi32>
    %eq3A_106 = arith.cmpi eq, %iota3A_27, %eq3A_105 : vector<256x32xi32>
    %get3A_107 = arith.constant 0 : index
    %get3A_108 = arith.constant 0 : index
    %get3A_109 = vector.load %arg8[%get3A_107, %get3A_108] : memref<256x32xi32, #tpu.memory_space<vmem>>, vector<256x32xi32>
    %broadcast_in_dim3A_110 = vector.shape_cast %broadcast_in_dim3A_104 : vector<256x1xi32> to vector<256x1xi32>
    %broadcast_in_dim3A_111 = vector.broadcast %broadcast_in_dim3A_110 : vector<256x1xi32> to vector<256x32xi32>
    %select_n3A_112 = arith.select %eq3A_106, %broadcast_in_dim3A_111, %get3A_109 : vector<256x32xi1>, vector<256x32xi32>
    %swap3A_113 = arith.constant 0 : index
    %swap3A_114 = arith.constant 0 : index
    %swap3A_115 = vector.load %arg8[%swap3A_113, %swap3A_114] : memref<256x32xi32, #tpu.memory_space<vmem>>, vector<256x32xi32>
    tpu.vector_store %arg8[%swap3A_113, %swap3A_114], %select_n3A_112 {strides = array<i32>} : memref<256x32xi32, #tpu.memory_space<vmem>>, vector<256x32xi32>,
    %eq3A_116 = vector.broadcast %broadcast_in_dim3A_104 : vector<256x1xi32> to vector<256x4096xi32>
    %eq3A_117 = arith.cmpi eq, %iota3A, %eq3A_116 : vector<256x4096xi32>
    %jit3A_118 = arith.constant 0x7F800000 : f32
    %broadcast_in_dim3A_119 = vector.broadcast %jit3A_118 : f32 to vector<256x4096xf32>
    %select_n3A_120 = arith.select %eq3A_117, %broadcast_in_dim3A_119, %get3A_93 : vector<256x4096xi1>, vector<256x4096xf32>
    %swap3A_121 = arith.constant 0 : index
    %swap3A_122 = arith.constant 0 : index
    %swap3A_123 = vector.load %arg7[%swap3A_121, %swap3A_122] : memref<256x4096xf32, #tpu.memory_space<vmem>>, vector<256x4096xf32>
    tpu.vector_store %arg7[%swap3A_121, %swap3A_122], %select_n3A_120 {strides = array<i32>} : memref<256x4096xf32, #tpu.memory_space<vmem>>, vector<256x4096xf32>,
    %scan3A_124 = arith.constant 3 : i32
    %get3A_125 = arith.constant 0 : index
    %get3A_126 = arith.constant 0 : index
    %get3A_127 = vector.load %arg7[%get3A_125, %get3A_126] : memref<256x4096xf32, #tpu.memory_space<vmem>>, vector<256x4096xf32>
    %reduce_min3A_128 = arith.constant dense<0x7F800000> : vector<256xf32>
    %reduce_min3A_129 = vector.multi_reduction <minimumf>, %get3A_127, %reduce_min3A_128 [1] : vector<256x4096xf32> to vector<256xf32>
    %broadcast_in_dim3A_130 = vector.shape_cast %reduce_min3A_129 : vector<256xf32> to vector<256x1xf32>
    %eq3A_131 = vector.broadcast %broadcast_in_dim3A_130 : vector<256x1xf32> to vector<256x4096xf32>
    %eq3A_132 = arith.cmpf oeq, %get3A_127, %eq3A_131 : vector<256x4096xf32>
    %jit3A_133 = arith.constant 4096 : i32
    %broadcast_in_dim3A_134 = vector.broadcast %jit3A_133 : i32 to vector<256x4096xi32>
    %select_n3A_135 = arith.select %eq3A_132, %iota3A, %broadcast_in_dim3A_134 : vector<256x4096xi1>, vector<256x4096xi32>
    %reduce_min3A_136 = arith.constant dense<2147483647> : vector<256xi32>
    %reduce_min3A_137 = vector.multi_reduction <minsi>, %select_n3A_135, %reduce_min3A_136 [1] : vector<256x4096xi32> to vector<256xi32>
    %broadcast_in_dim3A_138 = vector.shape_cast %reduce_min3A_137 : vector<256xi32> to vector<256x1xi32>
    %eq3A_139 = vector.broadcast %scan3A_124 : i32 to vector<256x32xi32>
    %eq3A_140 = arith.cmpi eq, %iota3A_27, %eq3A_139 : vector<256x32xi32>
    %get3A_141 = arith.constant 0 : index
    %get3A_142 = arith.constant 0 : index
    %get3A_143 = vector.load %arg8[%get3A_141, %get3A_142] : memref<256x32xi32, #tpu.memory_space<vmem>>, vector<256x32xi32>
    %broadcast_in_dim3A_144 = vector.shape_cast %broadcast_in_dim3A_138 : vector<256x1xi32> to vector<256x1xi32>
    %broadcast_in_dim3A_145 = vector.broadcast %broadcast_in_dim3A_144 : vector<256x1xi32> to vector<256x32xi32>
    %select_n3A_146 = arith.select %eq3A_140, %broadcast_in_dim3A_145, %get3A_143 : vector<256x32xi1>, vector<256x32xi32>
    %swap3A_147 = arith.constant 0 : index
    %swap3A_148 = arith.constant 0 : index
    %swap3A_149 = vector.load %arg8[%swap3A_147, %swap3A_148] : memref<256x32xi32, #tpu.memory_space<vmem>>, vector<256x32xi32>
    tpu.vector_store %arg8[%swap3A_147, %swap3A_148], %select_n3A_146 {strides = array<i32>} : memref<256x32xi32, #tpu.memory_space<vmem>>, vector<256x32xi32>,
    %eq3A_150 = vector.broadcast %broadcast_in_dim3A_138 : vector<256x1xi32> to vector<256x4096xi32>
    %eq3A_151 = arith.cmpi eq, %iota3A, %eq3A_150 : vector<256x4096xi32>
    %jit3A_152 = arith.constant 0x7F800000 : f32
    %broadcast_in_dim3A_153 = vector.broadcast %jit3A_152 : f32 to vector<256x4096xf32>
    %select_n3A_154 = arith.select %eq3A_151, %broadcast_in_dim3A_153, %get3A_127 : vector<256x4096xi1>, vector<256x4096xf32>
    %swap3A_155 = arith.constant 0 : index
    %swap3A_156 = arith.constant 0 : index
    %swap3A_157 = vector.load %arg7[%swap3A_155, %swap3A_156] : memref<256x4096xf32, #tpu.memory_space<vmem>>, vector<256x4096xf32>
    tpu.vector_store %arg7[%swap3A_155, %swap3A_156], %select_n3A_154 {strides = array<i32>} : memref<256x4096xf32, #tpu.memory_space<vmem>>, vector<256x4096xf32>,
    %scan3A_158 = arith.constant 4 : i32
    %get3A_159 = arith.constant 0 : index
    %get3A_160 = arith.constant 0 : index
    %get3A_161 = vector.load %arg7[%get3A_159, %get3A_160] : memref<256x4096xf32, #tpu.memory_space<vmem>>, vector<256x4096xf32>
    %reduce_min3A_162 = arith.constant dense<0x7F800000> : vector<256xf32>
    %reduce_min3A_163 = vector.multi_reduction <minimumf>, %get3A_161, %reduce_min3A_162 [1] : vector<256x4096xf32> to vector<256xf32>
    %broadcast_in_dim3A_164 = vector.shape_cast %reduce_min3A_163 : vector<256xf32> to vector<256x1xf32>
    %eq3A_165 = vector.broadcast %broadcast_in_dim3A_164 : vector<256x1xf32> to vector<256x4096xf32>
    %eq3A_166 = arith.cmpf oeq, %get3A_161, %eq3A_165 : vector<256x4096xf32>
    %jit3A_167 = arith.constant 4096 : i32
    %broadcast_in_dim3A_168 = vector.broadcast %jit3A_167 : i32 to vector<256x4096xi32>
    %select_n3A_169 = arith.select %eq3A_166, %iota3A, %broadcast_in_dim3A_168 : vector<256x4096xi1>, vector<256x4096xi32>
    %reduce_min3A_170 = arith.constant dense<2147483647> : vector<256xi32>
    %reduce_min3A_171 = vector.multi_reduction <minsi>, %select_n3A_169, %reduce_min3A_170 [1] : vector<256x4096xi32> to vector<256xi32>
    %broadcast_in_dim3A_172 = vector.shape_cast %reduce_min3A_171 : vector<256xi32> to vector<256x1xi32>
    %eq3A_173 = vector.broadcast %scan3A_158 : i32 to vector<256x32xi32>
    %eq3A_174 = arith.cmpi eq, %iota3A_27, %eq3A_173 : vector<256x32xi32>
    %get3A_175 = arith.constant 0 : index
    %get3A_176 = arith.constant 0 : index
    %get3A_177 = vector.load %arg8[%get3A_175, %get3A_176] : memref<256x32xi32, #tpu.memory_space<vmem>>, vector<256x32xi32>
    %broadcast_in_dim3A_178 = vector.shape_cast %broadcast_in_dim3A_172 : vector<256x1xi32> to vector<256x1xi32>
    %broadcast_in_dim3A_179 = vector.broadcast %broadcast_in_dim3A_178 : vector<256x1xi32> to vector<256x32xi32>
    %select_n3A_180 = arith.select %eq3A_174, %broadcast_in_dim3A_179, %get3A_177 : vector<256x32xi1>, vector<256x32xi32>
    %swap3A_181 = arith.constant 0 : index
    %swap3A_182 = arith.constant 0 : index
    %swap3A_183 = vector.load %arg8[%swap3A_181, %swap3A_182] : memref<256x32xi32, #tpu.memory_space<vmem>>, vector<256x32xi32>
    tpu.vector_store %arg8[%swap3A_181, %swap3A_182], %select_n3A_180 {strides = array<i32>} : memref<256x32xi32, #tpu.memory_space<vmem>>, vector<256x32xi32>,
    %eq3A_184 = vector.broadcast %broadcast_in_dim3A_172 : vector<256x1xi32> to vector<256x4096xi32>
    %eq3A_185 = arith.cmpi eq, %iota3A, %eq3A_184 : vector<256x4096xi32>
    %jit3A_186 = arith.constant 0x7F800000 : f32
    %broadcast_in_dim3A_187 = vector.broadcast %jit3A_186 : f32 to vector<256x4096xf32>
    %select_n3A_188 = arith.select %eq3A_185, %broadcast_in_dim3A_187, %get3A_161 : vector<256x4096xi1>, vector<256x4096xf32>
    %swap3A_189 = arith.constant 0 : index
    %swap3A_190 = arith.constant 0 : index
    %swap3A_191 = vector.load %arg7[%swap3A_189, %swap3A_190] : memref<256x4096xf32, #tpu.memory_space<vmem>>, vector<256x4096xf32>
    tpu.vector_store %arg7[%swap3A_189, %swap3A_190], %select_n3A_188 {strides = array<i32>} : memref<256x4096xf32, #tpu.memory_space<vmem>>, vector<256x4096xf32>,
    %scan3A_192 = arith.constant 5 : i32
    %get3A_193 = arith.constant 0 : index
    %get3A_194 = arith.constant 0 : index
    %get3A_195 = vector.load %arg7[%get3A_193, %get3A_194] : memref<256x4096xf32, #tpu.memory_space<vmem>>, vector<256x4096xf32>
    %reduce_min3A_196 = arith.constant dense<0x7F800000> : vector<256xf32>
    %reduce_min3A_197 = vector.multi_reduction <minimumf>, %get3A_195, %reduce_min3A_196 [1] : vector<256x4096xf32> to vector<256xf32>
    %broadcast_in_dim3A_198 = vector.shape_cast %reduce_min3A_197 : vector<256xf32> to vector<256x1xf32>
    %eq3A_199 = vector.broadcast %broadcast_in_dim3A_198 : vector<256x1xf32> to vector<256x4096xf32>
    %eq3A_200 = arith.cmpf oeq, %get3A_195, %eq3A_199 : vector<256x4096xf32>
    %jit3A_201 = arith.constant 4096 : i32
    %broadcast_in_dim3A_202 = vector.broadcast %jit3A_201 : i32 to vector<256x4096xi32>
    %select_n3A_203 = arith.select %eq3A_200, %iota3A, %broadcast_in_dim3A_202 : vector<256x4096xi1>, vector<256x4096xi32>
    %reduce_min3A_204 = arith.constant dense<2147483647> : vector<256xi32>
    %reduce_min3A_205 = vector.multi_reduction <minsi>, %select_n3A_203, %reduce_min3A_204 [1] : vector<256x4096xi32> to vector<256xi32>
    %broadcast_in_dim3A_206 = vector.shape_cast %reduce_min3A_205 : vector<256xi32> to vector<256x1xi32>
    %eq3A_207 = vector.broadcast %scan3A_192 : i32 to vector<256x32xi32>
    %eq3A_208 = arith.cmpi eq, %iota3A_27, %eq3A_207 : vector<256x32xi32>
    %get3A_209 = arith.constant 0 : index
    %get3A_210 = arith.constant 0 : index
    %get3A_211 = vector.load %arg8[%get3A_209, %get3A_210] : memref<256x32xi32, #tpu.memory_space<vmem>>, vector<256x32xi32>
    %broadcast_in_dim3A_212 = vector.shape_cast %broadcast_in_dim3A_206 : vector<256x1xi32> to vector<256x1xi32>
    %broadcast_in_dim3A_213 = vector.broadcast %broadcast_in_dim3A_212 : vector<256x1xi32> to vector<256x32xi32>
    %select_n3A_214 = arith.select %eq3A_208, %broadcast_in_dim3A_213, %get3A_211 : vector<256x32xi1>, vector<256x32xi32>
    %swap3A_215 = arith.constant 0 : index
    %swap3A_216 = arith.constant 0 : index
    %swap3A_217 = vector.load %arg8[%swap3A_215, %swap3A_216] : memref<256x32xi32, #tpu.memory_space<vmem>>, vector<256x32xi32>
    tpu.vector_store %arg8[%swap3A_215, %swap3A_216], %select_n3A_214 {strides = array<i32>} : memref<256x32xi32, #tpu.memory_space<vmem>>, vector<256x32xi32>,
    %eq3A_218 = vector.broadcast %broadcast_in_dim3A_206 : vector<256x1xi32> to vector<256x4096xi32>
    %eq3A_219 = arith.cmpi eq, %iota3A, %eq3A_218 : vector<256x4096xi32>
    %jit3A_220 = arith.constant 0x7F800000 : f32
    %broadcast_in_dim3A_221 = vector.broadcast %jit3A_220 : f32 to vector<256x4096xf32>
    %select_n3A_222 = arith.select %eq3A_219, %broadcast_in_dim3A_221, %get3A_195 : vector<256x4096xi1>, vector<256x4096xf32>
    %swap3A_223 = arith.constant 0 : index
    %swap3A_224 = arith.constant 0 : index
    %swap3A_225 = vector.load %arg7[%swap3A_223, %swap3A_224] : memref<256x4096xf32, #tpu.memory_space<vmem>>, vector<256x4096xf32>
    tpu.vector_store %arg7[%swap3A_223, %swap3A_224], %select_n3A_222 {strides = array<i32>} : memref<256x4096xf32, #tpu.memory_space<vmem>>, vector<256x4096xf32>,
    %scan3A_226 = arith.constant 6 : i32
    %get3A_227 = arith.constant 0 : index
    %get3A_228 = arith.constant 0 : index
    %get3A_229 = vector.load %arg7[%get3A_227, %get3A_228] : memref<256x4096xf32, #tpu.memory_space<vmem>>, vector<256x4096xf32>
    %reduce_min3A_230 = arith.constant dense<0x7F800000> : vector<256xf32>
    %reduce_min3A_231 = vector.multi_reduction <minimumf>, %get3A_229, %reduce_min3A_230 [1] : vector<256x4096xf32> to vector<256xf32>
    %broadcast_in_dim3A_232 = vector.shape_cast %reduce_min3A_231 : vector<256xf32> to vector<256x1xf32>
    %eq3A_233 = vector.broadcast %broadcast_in_dim3A_232 : vector<256x1xf32> to vector<256x4096xf32>
    %eq3A_234 = arith.cmpf oeq, %get3A_229, %eq3A_233 : vector<256x4096xf32>
    %jit3A_235 = arith.constant 4096 : i32
    %broadcast_in_dim3A_236 = vector.broadcast %jit3A_235 : i32 to vector<256x4096xi32>
    %select_n3A_237 = arith.select %eq3A_234, %iota3A, %broadcast_in_dim3A_236 : vector<256x4096xi1>, vector<256x4096xi32>
    %reduce_min3A_238 = arith.constant dense<2147483647> : vector<256xi32>
    %reduce_min3A_239 = vector.multi_reduction <minsi>, %select_n3A_237, %reduce_min3A_238 [1] : vector<256x4096xi32> to vector<256xi32>
    %broadcast_in_dim3A_240 = vector.shape_cast %reduce_min3A_239 : vector<256xi32> to vector<256x1xi32>
    %eq3A_241 = vector.broadcast %scan3A_226 : i32 to vector<256x32xi32>
    %eq3A_242 = arith.cmpi eq, %iota3A_27, %eq3A_241 : vector<256x32xi32>
    %get3A_243 = arith.constant 0 : index
    %get3A_244 = arith.constant 0 : index
    %get3A_245 = vector.load %arg8[%get3A_243, %get3A_244] : memref<256x32xi32, #tpu.memory_space<vmem>>, vector<256x32xi32>
    %broadcast_in_dim3A_246 = vector.shape_cast %broadcast_in_dim3A_240 : vector<256x1xi32> to vector<256x1xi32>
    %broadcast_in_dim3A_247 = vector.broadcast %broadcast_in_dim3A_246 : vector<256x1xi32> to vector<256x32xi32>
    %select_n3A_248 = arith.select %eq3A_242, %broadcast_in_dim3A_247, %get3A_245 : vector<256x32xi1>, vector<256x32xi32>
    %swap3A_249 = arith.constant 0 : index
    %swap3A_250 = arith.constant 0 : index
    %swap3A_251 = vector.load %arg8[%swap3A_249, %swap3A_250] : memref<256x32xi32, #tpu.memory_space<vmem>>, vector<256x32xi32>
    tpu.vector_store %arg8[%swap3A_249, %swap3A_250], %select_n3A_248 {strides = array<i32>} : memref<256x32xi32, #tpu.memory_space<vmem>>, vector<256x32xi32>,
    %eq3A_252 = vector.broadcast %broadcast_in_dim3A_240 : vector<256x1xi32> to vector<256x4096xi32>
    %eq3A_253 = arith.cmpi eq, %iota3A, %eq3A_252 : vector<256x4096xi32>
    %jit3A_254 = arith.constant 0x7F800000 : f32
    %broadcast_in_dim3A_255 = vector.broadcast %jit3A_254 : f32 to vector<256x4096xf32>
    %select_n3A_256 = arith.select %eq3A_253, %broadcast_in_dim3A_255, %get3A_229 : vector<256x4096xi1>, vector<256x4096xf32>
    %swap3A_257 = arith.constant 0 : index
    %swap3A_258 = arith.constant 0 : index
    %swap3A_259 = vector.load %arg7[%swap3A_257, %swap3A_258] : memref<256x4096xf32, #tpu.memory_space<vmem>>, vector<256x4096xf32>
    tpu.vector_store %arg7[%swap3A_257, %swap3A_258], %select_n3A_256 {strides = array<i32>} : memref<256x4096xf32, #tpu.memory_space<vmem>>, vector<256x4096xf32>,
    %scan3A_260 = arith.constant 7 : i32
    %get3A_261 = arith.constant 0 : index
    %get3A_262 = arith.constant 0 : index
    %get3A_263 = vector.load %arg7[%get3A_261, %get3A_262] : memref<256x4096xf32, #tpu.memory_space<vmem>>, vector<256x4096xf32>
    %reduce_min3A_264 = arith.constant dense<0x7F800000> : vector<256xf32>
    %reduce_min3A_265 = vector.multi_reduction <minimumf>, %get3A_263, %reduce_min3A_264 [1] : vector<256x4096xf32> to vector<256xf32>
    %broadcast_in_dim3A_266 = vector.shape_cast %reduce_min3A_265 : vector<256xf32> to vector<256x1xf32>
    %eq3A_267 = vector.broadcast %broadcast_in_dim3A_266 : vector<256x1xf32> to vector<256x4096xf32>
    %eq3A_268 = arith.cmpf oeq, %get3A_263, %eq3A_267 : vector<256x4096xf32>
    %jit3A_269 = arith.constant 4096 : i32
    %broadcast_in_dim3A_270 = vector.broadcast %jit3A_269 : i32 to vector<256x4096xi32>
    %select_n3A_271 = arith.select %eq3A_268, %iota3A, %broadcast_in_dim3A_270 : vector<256x4096xi1>, vector<256x4096xi32>
    %reduce_min3A_272 = arith.constant dense<2147483647> : vector<256xi32>
    %reduce_min3A_273 = vector.multi_reduction <minsi>, %select_n3A_271, %reduce_min3A_272 [1] : vector<256x4096xi32> to vector<256xi32>
    %broadcast_in_dim3A_274 = vector.shape_cast %reduce_min3A_273 : vector<256xi32> to vector<256x1xi32>
    %eq3A_275 = vector.broadcast %scan3A_260 : i32 to vector<256x32xi32>
    %eq3A_276 = arith.cmpi eq, %iota3A_27, %eq3A_275 : vector<256x32xi32>
    %get3A_277 = arith.constant 0 : index
    %get3A_278 = arith.constant 0 : index
    %get3A_279 = vector.load %arg8[%get3A_277, %get3A_278] : memref<256x32xi32, #tpu.memory_space<vmem>>, vector<256x32xi32>
    %broadcast_in_dim3A_280 = vector.shape_cast %broadcast_in_dim3A_274 : vector<256x1xi32> to vector<256x1xi32>
    %broadcast_in_dim3A_281 = vector.broadcast %broadcast_in_dim3A_280 : vector<256x1xi32> to vector<256x32xi32>
    %select_n3A_282 = arith.select %eq3A_276, %broadcast_in_dim3A_281, %get3A_279 : vector<256x32xi1>, vector<256x32xi32>
    %swap3A_283 = arith.constant 0 : index
    %swap3A_284 = arith.constant 0 : index
    %swap3A_285 = vector.load %arg8[%swap3A_283, %swap3A_284] : memref<256x32xi32, #tpu.memory_space<vmem>>, vector<256x32xi32>
    tpu.vector_store %arg8[%swap3A_283, %swap3A_284], %select_n3A_282 {strides = array<i32>} : memref<256x32xi32, #tpu.memory_space<vmem>>, vector<256x32xi32>,
    %eq3A_286 = vector.broadcast %broadcast_in_dim3A_274 : vector<256x1xi32> to vector<256x4096xi32>
    %eq3A_287 = arith.cmpi eq, %iota3A, %eq3A_286 : vector<256x4096xi32>
    %jit3A_288 = arith.constant 0x7F800000 : f32
    %broadcast_in_dim3A_289 = vector.broadcast %jit3A_288 : f32 to vector<256x4096xf32>
    %select_n3A_290 = arith.select %eq3A_287, %broadcast_in_dim3A_289, %get3A_263 : vector<256x4096xi1>, vector<256x4096xf32>
    %swap3A_291 = arith.constant 0 : index
    %swap3A_292 = arith.constant 0 : index
    %swap3A_293 = vector.load %arg7[%swap3A_291, %swap3A_292] : memref<256x4096xf32, #tpu.memory_space<vmem>>, vector<256x4096xf32>
    tpu.vector_store %arg7[%swap3A_291, %swap3A_292], %select_n3A_290 {strides = array<i32>} : memref<256x4096xf32, #tpu.memory_space<vmem>>, vector<256x4096xf32>,
    %scan3A_294 = arith.constant 8 : i32
    %get3A_295 = arith.constant 0 : index
    %get3A_296 = arith.constant 0 : index
    %get3A_297 = vector.load %arg7[%get3A_295, %get3A_296] : memref<256x4096xf32, #tpu.memory_space<vmem>>, vector<256x4096xf32>
    %reduce_min3A_298 = arith.constant dense<0x7F800000> : vector<256xf32>
    %reduce_min3A_299 = vector.multi_reduction <minimumf>, %get3A_297, %reduce_min3A_298 [1] : vector<256x4096xf32> to vector<256xf32>
    %broadcast_in_dim3A_300 = vector.shape_cast %reduce_min3A_299 : vector<256xf32> to vector<256x1xf32>
    %eq3A_301 = vector.broadcast %broadcast_in_dim3A_300 : vector<256x1xf32> to vector<256x4096xf32>
    %eq3A_302 = arith.cmpf oeq, %get3A_297, %eq3A_301 : vector<256x4096xf32>
    %jit3A_303 = arith.constant 4096 : i32
    %broadcast_in_dim3A_304 = vector.broadcast %jit3A_303 : i32 to vector<256x4096xi32>
    %select_n3A_305 = arith.select %eq3A_302, %iota3A, %broadcast_in_dim3A_304 : vector<256x4096xi1>, vector<256x4096xi32>
    %reduce_min3A_306 = arith.constant dense<2147483647> : vector<256xi32>
    %reduce_min3A_307 = vector.multi_reduction <minsi>, %select_n3A_305, %reduce_min3A_306 [1] : vector<256x4096xi32> to vector<256xi32>
    %broadcast_in_dim3A_308 = vector.shape_cast %reduce_min3A_307 : vector<256xi32> to vector<256x1xi32>
    %eq3A_309 = vector.broadcast %scan3A_294 : i32 to vector<256x32xi32>
    %eq3A_310 = arith.cmpi eq, %iota3A_27, %eq3A_309 : vector<256x32xi32>
    %get3A_311 = arith.constant 0 : index
    %get3A_312 = arith.constant 0 : index
    %get3A_313 = vector.load %arg8[%get3A_311, %get3A_312] : memref<256x32xi32, #tpu.memory_space<vmem>>, vector<256x32xi32>
    %broadcast_in_dim3A_314 = vector.shape_cast %broadcast_in_dim3A_308 : vector<256x1xi32> to vector<256x1xi32>
    %broadcast_in_dim3A_315 = vector.broadcast %broadcast_in_dim3A_314 : vector<256x1xi32> to vector<256x32xi32>
    %select_n3A_316 = arith.select %eq3A_310, %broadcast_in_dim3A_315, %get3A_313 : vector<256x32xi1>, vector<256x32xi32>
    %swap3A_317 = arith.constant 0 : index
    %swap3A_318 = arith.constant 0 : index
    %swap3A_319 = vector.load %arg8[%swap3A_317, %swap3A_318] : memref<256x32xi32, #tpu.memory_space<vmem>>, vector<256x32xi32>
    tpu.vector_store %arg8[%swap3A_317, %swap3A_318], %select_n3A_316 {strides = array<i32>} : memref<256x32xi32, #tpu.memory_space<vmem>>, vector<256x32xi32>,
    %eq3A_320 = vector.broadcast %broadcast_in_dim3A_308 : vector<256x1xi32> to vector<256x4096xi32>
    %eq3A_321 = arith.cmpi eq, %iota3A, %eq3A_320 : vector<256x4096xi32>
    %jit3A_322 = arith.constant 0x7F800000 : f32
    %broadcast_in_dim3A_323 = vector.broadcast %jit3A_322 : f32 to vector<256x4096xf32>
    %select_n3A_324 = arith.select %eq3A_321, %broadcast_in_dim3A_323, %get3A_297 : vector<256x4096xi1>, vector<256x4096xf32>
    %swap3A_325 = arith.constant 0 : index
    %swap3A_326 = arith.constant 0 : index
    %swap3A_327 = vector.load %arg7[%swap3A_325, %swap3A_326] : memref<256x4096xf32, #tpu.memory_space<vmem>>, vector<256x4096xf32>
    tpu.vector_store %arg7[%swap3A_325, %swap3A_326], %select_n3A_324 {strides = array<i32>} : memref<256x4096xf32, #tpu.memory_space<vmem>>, vector<256x4096xf32>,
    %scan3A_328 = arith.constant 9 : i32
    %get3A_329 = arith.constant 0 : index
    %get3A_330 = arith.constant 0 : index
    %get3A_331 = vector.load %arg7[%get3A_329, %get3A_330] : memref<256x4096xf32, #tpu.memory_space<vmem>>, vector<256x4096xf32>
    %reduce_min3A_332 = arith.constant dense<0x7F800000> : vector<256xf32>
    %reduce_min3A_333 = vector.multi_reduction <minimumf>, %get3A_331, %reduce_min3A_332 [1] : vector<256x4096xf32> to vector<256xf32>
    %broadcast_in_dim3A_334 = vector.shape_cast %reduce_min3A_333 : vector<256xf32> to vector<256x1xf32>
    %eq3A_335 = vector.broadcast %broadcast_in_dim3A_334 : vector<256x1xf32> to vector<256x4096xf32>
    %eq3A_336 = arith.cmpf oeq, %get3A_331, %eq3A_335 : vector<256x4096xf32>
    %jit3A_337 = arith.constant 4096 : i32
    %broadcast_in_dim3A_338 = vector.broadcast %jit3A_337 : i32 to vector<256x4096xi32>
    %select_n3A_339 = arith.select %eq3A_336, %iota3A, %broadcast_in_dim3A_338 : vector<256x4096xi1>, vector<256x4096xi32>
    %reduce_min3A_340 = arith.constant dense<2147483647> : vector<256xi32>
    %reduce_min3A_341 = vector.multi_reduction <minsi>, %select_n3A_339, %reduce_min3A_340 [1] : vector<256x4096xi32> to vector<256xi32>
    %broadcast_in_dim3A_342 = vector.shape_cast %reduce_min3A_341 : vector<256xi32> to vector<256x1xi32>
    %eq3A_343 = vector.broadcast %scan3A_328 : i32 to vector<256x32xi32>
    %eq3A_344 = arith.cmpi eq, %iota3A_27, %eq3A_343 : vector<256x32xi32>
    %get3A_345 = arith.constant 0 : index
    %get3A_346 = arith.constant 0 : index
    %get3A_347 = vector.load %arg8[%get3A_345, %get3A_346] : memref<256x32xi32, #tpu.memory_space<vmem>>, vector<256x32xi32>
    %broadcast_in_dim3A_348 = vector.shape_cast %broadcast_in_dim3A_342 : vector<256x1xi32> to vector<256x1xi32>
    %broadcast_in_dim3A_349 = vector.broadcast %broadcast_in_dim3A_348 : vector<256x1xi32> to vector<256x32xi32>
    %select_n3A_350 = arith.select %eq3A_344, %broadcast_in_dim3A_349, %get3A_347 : vector<256x32xi1>, vector<256x32xi32>
    %swap3A_351 = arith.constant 0 : index
    %swap3A_352 = arith.constant 0 : index
    %swap3A_353 = vector.load %arg8[%swap3A_351, %swap3A_352] : memref<256x32xi32, #tpu.memory_space<vmem>>, vector<256x32xi32>
    tpu.vector_store %arg8[%swap3A_351, %swap3A_352], %select_n3A_350 {strides = array<i32>} : memref<256x32xi32, #tpu.memory_space<vmem>>, vector<256x32xi32>,
    %eq3A_354 = vector.broadcast %broadcast_in_dim3A_342 : vector<256x1xi32> to vector<256x4096xi32>
    %eq3A_355 = arith.cmpi eq, %iota3A, %eq3A_354 : vector<256x4096xi32>
    %jit3A_356 = arith.constant 0x7F800000 : f32
    %broadcast_in_dim3A_357 = vector.broadcast %jit3A_356 : f32 to vector<256x4096xf32>
    %select_n3A_358 = arith.select %eq3A_355, %broadcast_in_dim3A_357, %get3A_331 : vector<256x4096xi1>, vector<256x4096xf32>
    %swap3A_359 = arith.constant 0 : index
    %swap3A_360 = arith.constant 0 : index
    %swap3A_361 = vector.load %arg7[%swap3A_359, %swap3A_360] : memref<256x4096xf32, #tpu.memory_space<vmem>>, vector<256x4096xf32>
    tpu.vector_store %arg7[%swap3A_359, %swap3A_360], %select_n3A_358 {strides = array<i32>} : memref<256x4096xf32, #tpu.memory_space<vmem>>, vector<256x4096xf32>,
    %scan3A_362 = arith.constant 10 : i32
    %get3A_363 = arith.constant 0 : index
    %get3A_364 = arith.constant 0 : index
    %get3A_365 = vector.load %arg7[%get3A_363, %get3A_364] : memref<256x4096xf32, #tpu.memory_space<vmem>>, vector<256x4096xf32>
    %reduce_min3A_366 = arith.constant dense<0x7F800000> : vector<256xf32>
    %reduce_min3A_367 = vector.multi_reduction <minimumf>, %get3A_365, %reduce_min3A_366 [1] : vector<256x4096xf32> to vector<256xf32>
    %broadcast_in_dim3A_368 = vector.shape_cast %reduce_min3A_367 : vector<256xf32> to vector<256x1xf32>
    %eq3A_369 = vector.broadcast %broadcast_in_dim3A_368 : vector<256x1xf32> to vector<256x4096xf32>
    %eq3A_370 = arith.cmpf oeq, %get3A_365, %eq3A_369 : vector<256x4096xf32>
    %jit3A_371 = arith.constant 4096 : i32
    %broadcast_in_dim3A_372 = vector.broadcast %jit3A_371 : i32 to vector<256x4096xi32>
    %select_n3A_373 = arith.select %eq3A_370, %iota3A, %broadcast_in_dim3A_372 : vector<256x4096xi1>, vector<256x4096xi32>
    %reduce_min3A_374 = arith.constant dense<2147483647> : vector<256xi32>
    %reduce_min3A_375 = vector.multi_reduction <minsi>, %select_n3A_373, %reduce_min3A_374 [1] : vector<256x4096xi32> to vector<256xi32>
    %broadcast_in_dim3A_376 = vector.shape_cast %reduce_min3A_375 : vector<256xi32> to vector<256x1xi32>
    %eq3A_377 = vector.broadcast %scan3A_362 : i32 to vector<256x32xi32>
    %eq3A_378 = arith.cmpi eq, %iota3A_27, %eq3A_377 : vector<256x32xi32>
    %get3A_379 = arith.constant 0 : index
    %get3A_380 = arith.constant 0 : index
    %get3A_381 = vector.load %arg8[%get3A_379, %get3A_380] : memref<256x32xi32, #tpu.memory_space<vmem>>, vector<256x32xi32>
    %broadcast_in_dim3A_382 = vector.shape_cast %broadcast_in_dim3A_376 : vector<256x1xi32> to vector<256x1xi32>
    %broadcast_in_dim3A_383 = vector.broadcast %broadcast_in_dim3A_382 : vector<256x1xi32> to vector<256x32xi32>
    %select_n3A_384 = arith.select %eq3A_378, %broadcast_in_dim3A_383, %get3A_381 : vector<256x32xi1>, vector<256x32xi32>
    %swap3A_385 = arith.constant 0 : index
    %swap3A_386 = arith.constant 0 : index
    %swap3A_387 = vector.load %arg8[%swap3A_385, %swap3A_386] : memref<256x32xi32, #tpu.memory_space<vmem>>, vector<256x32xi32>
    tpu.vector_store %arg8[%swap3A_385, %swap3A_386], %select_n3A_384 {strides = array<i32>} : memref<256x32xi32, #tpu.memory_space<vmem>>, vector<256x32xi32>,
    %eq3A_388 = vector.broadcast %broadcast_in_dim3A_376 : vector<256x1xi32> to vector<256x4096xi32>
    %eq3A_389 = arith.cmpi eq, %iota3A, %eq3A_388 : vector<256x4096xi32>
    %jit3A_390 = arith.constant 0x7F800000 : f32
    %broadcast_in_dim3A_391 = vector.broadcast %jit3A_390 : f32 to vector<256x4096xf32>
    %select_n3A_392 = arith.select %eq3A_389, %broadcast_in_dim3A_391, %get3A_365 : vector<256x4096xi1>, vector<256x4096xf32>
    %swap3A_393 = arith.constant 0 : index
    %swap3A_394 = arith.constant 0 : index
    %swap3A_395 = vector.load %arg7[%swap3A_393, %swap3A_394] : memref<256x4096xf32, #tpu.memory_space<vmem>>, vector<256x4096xf32>
    tpu.vector_store %arg7[%swap3A_393, %swap3A_394], %select_n3A_392 {strides = array<i32>} : memref<256x4096xf32, #tpu.memory_space<vmem>>, vector<256x4096xf32>,
    %scan3A_396 = arith.constant 11 : i32
    %get3A_397 = arith.constant 0 : index
    %get3A_398 = arith.constant 0 : index
    %get3A_399 = vector.load %arg7[%get3A_397, %get3A_398] : memref<256x4096xf32, #tpu.memory_space<vmem>>, vector<256x4096xf32>
    %reduce_min3A_400 = arith.constant dense<0x7F800000> : vector<256xf32>
    %reduce_min3A_401 = vector.multi_reduction <minimumf>, %get3A_399, %reduce_min3A_400 [1] : vector<256x4096xf32> to vector<256xf32>
    %broadcast_in_dim3A_402 = vector.shape_cast %reduce_min3A_401 : vector<256xf32> to vector<256x1xf32>
    %eq3A_403 = vector.broadcast %broadcast_in_dim3A_402 : vector<256x1xf32> to vector<256x4096xf32>
    %eq3A_404 = arith.cmpf oeq, %get3A_399, %eq3A_403 : vector<256x4096xf32>
    %jit3A_405 = arith.constant 4096 : i32
    %broadcast_in_dim3A_406 = vector.broadcast %jit3A_405 : i32 to vector<256x4096xi32>
    %select_n3A_407 = arith.select %eq3A_404, %iota3A, %broadcast_in_dim3A_406 : vector<256x4096xi1>, vector<256x4096xi32>
    %reduce_min3A_408 = arith.constant dense<2147483647> : vector<256xi32>
    %reduce_min3A_409 = vector.multi_reduction <minsi>, %select_n3A_407, %reduce_min3A_408 [1] : vector<256x4096xi32> to vector<256xi32>
    %broadcast_in_dim3A_410 = vector.shape_cast %reduce_min3A_409 : vector<256xi32> to vector<256x1xi32>
    %eq3A_411 = vector.broadcast %scan3A_396 : i32 to vector<256x32xi32>
    %eq3A_412 = arith.cmpi eq, %iota3A_27, %eq3A_411 : vector<256x32xi32>
    %get3A_413 = arith.constant 0 : index
    %get3A_414 = arith.constant 0 : index
    %get3A_415 = vector.load %arg8[%get3A_413, %get3A_414] : memref<256x32xi32, #tpu.memory_space<vmem>>, vector<256x32xi32>
    %broadcast_in_dim3A_416 = vector.shape_cast %broadcast_in_dim3A_410 : vector<256x1xi32> to vector<256x1xi32>
    %broadcast_in_dim3A_417 = vector.broadcast %broadcast_in_dim3A_416 : vector<256x1xi32> to vector<256x32xi32>
    %select_n3A_418 = arith.select %eq3A_412, %broadcast_in_dim3A_417, %get3A_415 : vector<256x32xi1>, vector<256x32xi32>
    %swap3A_419 = arith.constant 0 : index
    %swap3A_420 = arith.constant 0 : index
    %swap3A_421 = vector.load %arg8[%swap3A_419, %swap3A_420] : memref<256x32xi32, #tpu.memory_space<vmem>>, vector<256x32xi32>
    tpu.vector_store %arg8[%swap3A_419, %swap3A_420], %select_n3A_418 {strides = array<i32>} : memref<256x32xi32, #tpu.memory_space<vmem>>, vector<256x32xi32>,
    %eq3A_422 = vector.broadcast %broadcast_in_dim3A_410 : vector<256x1xi32> to vector<256x4096xi32>
    %eq3A_423 = arith.cmpi eq, %iota3A, %eq3A_422 : vector<256x4096xi32>
    %jit3A_424 = arith.constant 0x7F800000 : f32
    %broadcast_in_dim3A_425 = vector.broadcast %jit3A_424 : f32 to vector<256x4096xf32>
    %select_n3A_426 = arith.select %eq3A_423, %broadcast_in_dim3A_425, %get3A_399 : vector<256x4096xi1>, vector<256x4096xf32>
    %swap3A_427 = arith.constant 0 : index
    %swap3A_428 = arith.constant 0 : index
    %swap3A_429 = vector.load %arg7[%swap3A_427, %swap3A_428] : memref<256x4096xf32, #tpu.memory_space<vmem>>, vector<256x4096xf32>
    tpu.vector_store %arg7[%swap3A_427, %swap3A_428], %select_n3A_426 {strides = array<i32>} : memref<256x4096xf32, #tpu.memory_space<vmem>>, vector<256x4096xf32>,
    %scan3A_430 = arith.constant 12 : i32
    %get3A_431 = arith.constant 0 : index
    %get3A_432 = arith.constant 0 : index
    %get3A_433 = vector.load %arg7[%get3A_431, %get3A_432] : memref<256x4096xf32, #tpu.memory_space<vmem>>, vector<256x4096xf32>
    %reduce_min3A_434 = arith.constant dense<0x7F800000> : vector<256xf32>
    %reduce_min3A_435 = vector.multi_reduction <minimumf>, %get3A_433, %reduce_min3A_434 [1] : vector<256x4096xf32> to vector<256xf32>
    %broadcast_in_dim3A_436 = vector.shape_cast %reduce_min3A_435 : vector<256xf32> to vector<256x1xf32>
    %eq3A_437 = vector.broadcast %broadcast_in_dim3A_436 : vector<256x1xf32> to vector<256x4096xf32>
    %eq3A_438 = arith.cmpf oeq, %get3A_433, %eq3A_437 : vector<256x4096xf32>
    %jit3A_439 = arith.constant 4096 : i32
    %broadcast_in_dim3A_440 = vector.broadcast %jit3A_439 : i32 to vector<256x4096xi32>
    %select_n3A_441 = arith.select %eq3A_438, %iota3A, %broadcast_in_dim3A_440 : vector<256x4096xi1>, vector<256x4096xi32>
    %reduce_min3A_442 = arith.constant dense<2147483647> : vector<256xi32>
    %reduce_min3A_443 = vector.multi_reduction <minsi>, %select_n3A_441, %reduce_min3A_442 [1] : vector<256x4096xi32> to vector<256xi32>
    %broadcast_in_dim3A_444 = vector.shape_cast %reduce_min3A_443 : vector<256xi32> to vector<256x1xi32>
    %eq3A_445 = vector.broadcast %scan3A_430 : i32 to vector<256x32xi32>
    %eq3A_446 = arith.cmpi eq, %iota3A_27, %eq3A_445 : vector<256x32xi32>
    %get3A_447 = arith.constant 0 : index
    %get3A_448 = arith.constant 0 : index
    %get3A_449 = vector.load %arg8[%get3A_447, %get3A_448] : memref<256x32xi32, #tpu.memory_space<vmem>>, vector<256x32xi32>
    %broadcast_in_dim3A_450 = vector.shape_cast %broadcast_in_dim3A_444 : vector<256x1xi32> to vector<256x1xi32>
    %broadcast_in_dim3A_451 = vector.broadcast %broadcast_in_dim3A_450 : vector<256x1xi32> to vector<256x32xi32>
    %select_n3A_452 = arith.select %eq3A_446, %broadcast_in_dim3A_451, %get3A_449 : vector<256x32xi1>, vector<256x32xi32>
    %swap3A_453 = arith.constant 0 : index
    %swap3A_454 = arith.constant 0 : index
    %swap3A_455 = vector.load %arg8[%swap3A_453, %swap3A_454] : memref<256x32xi32, #tpu.memory_space<vmem>>, vector<256x32xi32>
    tpu.vector_store %arg8[%swap3A_453, %swap3A_454], %select_n3A_452 {strides = array<i32>} : memref<256x32xi32, #tpu.memory_space<vmem>>, vector<256x32xi32>,
    %eq3A_456 = vector.broadcast %broadcast_in_dim3A_444 : vector<256x1xi32> to vector<256x4096xi32>
    %eq3A_457 = arith.cmpi eq, %iota3A, %eq3A_456 : vector<256x4096xi32>
    %jit3A_458 = arith.constant 0x7F800000 : f32
    %broadcast_in_dim3A_459 = vector.broadcast %jit3A_458 : f32 to vector<256x4096xf32>
    %select_n3A_460 = arith.select %eq3A_457, %broadcast_in_dim3A_459, %get3A_433 : vector<256x4096xi1>, vector<256x4096xf32>
    %swap3A_461 = arith.constant 0 : index
    %swap3A_462 = arith.constant 0 : index
    %swap3A_463 = vector.load %arg7[%swap3A_461, %swap3A_462] : memref<256x4096xf32, #tpu.memory_space<vmem>>, vector<256x4096xf32>
    tpu.vector_store %arg7[%swap3A_461, %swap3A_462], %select_n3A_460 {strides = array<i32>} : memref<256x4096xf32, #tpu.memory_space<vmem>>, vector<256x4096xf32>,
    %scan3A_464 = arith.constant 13 : i32
    %get3A_465 = arith.constant 0 : index
    %get3A_466 = arith.constant 0 : index
    %get3A_467 = vector.load %arg7[%get3A_465, %get3A_466] : memref<256x4096xf32, #tpu.memory_space<vmem>>, vector<256x4096xf32>
    %reduce_min3A_468 = arith.constant dense<0x7F800000> : vector<256xf32>
    %reduce_min3A_469 = vector.multi_reduction <minimumf>, %get3A_467, %reduce_min3A_468 [1] : vector<256x4096xf32> to vector<256xf32>
    %broadcast_in_dim3A_470 = vector.shape_cast %reduce_min3A_469 : vector<256xf32> to vector<256x1xf32>
    %eq3A_471 = vector.broadcast %broadcast_in_dim3A_470 : vector<256x1xf32> to vector<256x4096xf32>
    %eq3A_472 = arith.cmpf oeq, %get3A_467, %eq3A_471 : vector<256x4096xf32>
    %jit3A_473 = arith.constant 4096 : i32
    %broadcast_in_dim3A_474 = vector.broadcast %jit3A_473 : i32 to vector<256x4096xi32>
    %select_n3A_475 = arith.select %eq3A_472, %iota3A, %broadcast_in_dim3A_474 : vector<256x4096xi1>, vector<256x4096xi32>
    %reduce_min3A_476 = arith.constant dense<2147483647> : vector<256xi32>
    %reduce_min3A_477 = vector.multi_reduction <minsi>, %select_n3A_475, %reduce_min3A_476 [1] : vector<256x4096xi32> to vector<256xi32>
    %broadcast_in_dim3A_478 = vector.shape_cast %reduce_min3A_477 : vector<256xi32> to vector<256x1xi32>
    %eq3A_479 = vector.broadcast %scan3A_464 : i32 to vector<256x32xi32>
    %eq3A_480 = arith.cmpi eq, %iota3A_27, %eq3A_479 : vector<256x32xi32>
    %get3A_481 = arith.constant 0 : index
    %get3A_482 = arith.constant 0 : index
    %get3A_483 = vector.load %arg8[%get3A_481, %get3A_482] : memref<256x32xi32, #tpu.memory_space<vmem>>, vector<256x32xi32>
    %broadcast_in_dim3A_484 = vector.shape_cast %broadcast_in_dim3A_478 : vector<256x1xi32> to vector<256x1xi32>
    %broadcast_in_dim3A_485 = vector.broadcast %broadcast_in_dim3A_484 : vector<256x1xi32> to vector<256x32xi32>
    %select_n3A_486 = arith.select %eq3A_480, %broadcast_in_dim3A_485, %get3A_483 : vector<256x32xi1>, vector<256x32xi32>
    %swap3A_487 = arith.constant 0 : index
    %swap3A_488 = arith.constant 0 : index
    %swap3A_489 = vector.load %arg8[%swap3A_487, %swap3A_488] : memref<256x32xi32, #tpu.memory_space<vmem>>, vector<256x32xi32>
    tpu.vector_store %arg8[%swap3A_487, %swap3A_488], %select_n3A_486 {strides = array<i32>} : memref<256x32xi32, #tpu.memory_space<vmem>>, vector<256x32xi32>,
    %eq3A_490 = vector.broadcast %broadcast_in_dim3A_478 : vector<256x1xi32> to vector<256x4096xi32>
    %eq3A_491 = arith.cmpi eq, %iota3A, %eq3A_490 : vector<256x4096xi32>
    %jit3A_492 = arith.constant 0x7F800000 : f32
    %broadcast_in_dim3A_493 = vector.broadcast %jit3A_492 : f32 to vector<256x4096xf32>
    %select_n3A_494 = arith.select %eq3A_491, %broadcast_in_dim3A_493, %get3A_467 : vector<256x4096xi1>, vector<256x4096xf32>
    %swap3A_495 = arith.constant 0 : index
    %swap3A_496 = arith.constant 0 : index
    %swap3A_497 = vector.load %arg7[%swap3A_495, %swap3A_496] : memref<256x4096xf32, #tpu.memory_space<vmem>>, vector<256x4096xf32>
    tpu.vector_store %arg7[%swap3A_495, %swap3A_496], %select_n3A_494 {strides = array<i32>} : memref<256x4096xf32, #tpu.memory_space<vmem>>, vector<256x4096xf32>,
    %scan3A_498 = arith.constant 14 : i32
    %get3A_499 = arith.constant 0 : index
    %get3A_500 = arith.constant 0 : index
    %get3A_501 = vector.load %arg7[%get3A_499, %get3A_500] : memref<256x4096xf32, #tpu.memory_space<vmem>>, vector<256x4096xf32>
    %reduce_min3A_502 = arith.constant dense<0x7F800000> : vector<256xf32>
    %reduce_min3A_503 = vector.multi_reduction <minimumf>, %get3A_501, %reduce_min3A_502 [1] : vector<256x4096xf32> to vector<256xf32>
    %broadcast_in_dim3A_504 = vector.shape_cast %reduce_min3A_503 : vector<256xf32> to vector<256x1xf32>
    %eq3A_505 = vector.broadcast %broadcast_in_dim3A_504 : vector<256x1xf32> to vector<256x4096xf32>
    %eq3A_506 = arith.cmpf oeq, %get3A_501, %eq3A_505 : vector<256x4096xf32>
    %jit3A_507 = arith.constant 4096 : i32
    %broadcast_in_dim3A_508 = vector.broadcast %jit3A_507 : i32 to vector<256x4096xi32>
    %select_n3A_509 = arith.select %eq3A_506, %iota3A, %broadcast_in_dim3A_508 : vector<256x4096xi1>, vector<256x4096xi32>
    %reduce_min3A_510 = arith.constant dense<2147483647> : vector<256xi32>
    %reduce_min3A_511 = vector.multi_reduction <minsi>, %select_n3A_509, %reduce_min3A_510 [1] : vector<256x4096xi32> to vector<256xi32>
    %broadcast_in_dim3A_512 = vector.shape_cast %reduce_min3A_511 : vector<256xi32> to vector<256x1xi32>
    %eq3A_513 = vector.broadcast %scan3A_498 : i32 to vector<256x32xi32>
    %eq3A_514 = arith.cmpi eq, %iota3A_27, %eq3A_513 : vector<256x32xi32>
    %get3A_515 = arith.constant 0 : index
    %get3A_516 = arith.constant 0 : index
    %get3A_517 = vector.load %arg8[%get3A_515, %get3A_516] : memref<256x32xi32, #tpu.memory_space<vmem>>, vector<256x32xi32>
    %broadcast_in_dim3A_518 = vector.shape_cast %broadcast_in_dim3A_512 : vector<256x1xi32> to vector<256x1xi32>
    %broadcast_in_dim3A_519 = vector.broadcast %broadcast_in_dim3A_518 : vector<256x1xi32> to vector<256x32xi32>
    %select_n3A_520 = arith.select %eq3A_514, %broadcast_in_dim3A_519, %get3A_517 : vector<256x32xi1>, vector<256x32xi32>
    %swap3A_521 = arith.constant 0 : index
    %swap3A_522 = arith.constant 0 : index
    %swap3A_523 = vector.load %arg8[%swap3A_521, %swap3A_522] : memref<256x32xi32, #tpu.memory_space<vmem>>, vector<256x32xi32>
    tpu.vector_store %arg8[%swap3A_521, %swap3A_522], %select_n3A_520 {strides = array<i32>} : memref<256x32xi32, #tpu.memory_space<vmem>>, vector<256x32xi32>,
    %eq3A_524 = vector.broadcast %broadcast_in_dim3A_512 : vector<256x1xi32> to vector<256x4096xi32>
    %eq3A_525 = arith.cmpi eq, %iota3A, %eq3A_524 : vector<256x4096xi32>
    %jit3A_526 = arith.constant 0x7F800000 : f32
    %broadcast_in_dim3A_527 = vector.broadcast %jit3A_526 : f32 to vector<256x4096xf32>
    %select_n3A_528 = arith.select %eq3A_525, %broadcast_in_dim3A_527, %get3A_501 : vector<256x4096xi1>, vector<256x4096xf32>
    %swap3A_529 = arith.constant 0 : index
    %swap3A_530 = arith.constant 0 : index
    %swap3A_531 = vector.load %arg7[%swap3A_529, %swap3A_530] : memref<256x4096xf32, #tpu.memory_space<vmem>>, vector<256x4096xf32>
    tpu.vector_store %arg7[%swap3A_529, %swap3A_530], %select_n3A_528 {strides = array<i32>} : memref<256x4096xf32, #tpu.memory_space<vmem>>, vector<256x4096xf32>,
    %scan3A_532 = arith.constant 15 : i32
    %get3A_533 = arith.constant 0 : index
    %get3A_534 = arith.constant 0 : index
    %get3A_535 = vector.load %arg7[%get3A_533, %get3A_534] : memref<256x4096xf32, #tpu.memory_space<vmem>>, vector<256x4096xf32>
    %reduce_min3A_536 = arith.constant dense<0x7F800000> : vector<256xf32>
    %reduce_min3A_537 = vector.multi_reduction <minimumf>, %get3A_535, %reduce_min3A_536 [1] : vector<256x4096xf32> to vector<256xf32>
    %broadcast_in_dim3A_538 = vector.shape_cast %reduce_min3A_537 : vector<256xf32> to vector<256x1xf32>
    %eq3A_539 = vector.broadcast %broadcast_in_dim3A_538 : vector<256x1xf32> to vector<256x4096xf32>
    %eq3A_540 = arith.cmpf oeq, %get3A_535, %eq3A_539 : vector<256x4096xf32>
    %jit3A_541 = arith.constant 4096 : i32
    %broadcast_in_dim3A_542 = vector.broadcast %jit3A_541 : i32 to vector<256x4096xi32>
    %select_n3A_543 = arith.select %eq3A_540, %iota3A, %broadcast_in_dim3A_542 : vector<256x4096xi1>, vector<256x4096xi32>
    %reduce_min3A_544 = arith.constant dense<2147483647> : vector<256xi32>
    %reduce_min3A_545 = vector.multi_reduction <minsi>, %select_n3A_543, %reduce_min3A_544 [1] : vector<256x4096xi32> to vector<256xi32>
    %broadcast_in_dim3A_546 = vector.shape_cast %reduce_min3A_545 : vector<256xi32> to vector<256x1xi32>
    %eq3A_547 = vector.broadcast %scan3A_532 : i32 to vector<256x32xi32>
    %eq3A_548 = arith.cmpi eq, %iota3A_27, %eq3A_547 : vector<256x32xi32>
    %get3A_549 = arith.constant 0 : index
    %get3A_550 = arith.constant 0 : index
    %get3A_551 = vector.load %arg8[%get3A_549, %get3A_550] : memref<256x32xi32, #tpu.memory_space<vmem>>, vector<256x32xi32>
    %broadcast_in_dim3A_552 = vector.shape_cast %broadcast_in_dim3A_546 : vector<256x1xi32> to vector<256x1xi32>
    %broadcast_in_dim3A_553 = vector.broadcast %broadcast_in_dim3A_552 : vector<256x1xi32> to vector<256x32xi32>
    %select_n3A_554 = arith.select %eq3A_548, %broadcast_in_dim3A_553, %get3A_551 : vector<256x32xi1>, vector<256x32xi32>
    %swap3A_555 = arith.constant 0 : index
    %swap3A_556 = arith.constant 0 : index
    %swap3A_557 = vector.load %arg8[%swap3A_555, %swap3A_556] : memref<256x32xi32, #tpu.memory_space<vmem>>, vector<256x32xi32>
    tpu.vector_store %arg8[%swap3A_555, %swap3A_556], %select_n3A_554 {strides = array<i32>} : memref<256x32xi32, #tpu.memory_space<vmem>>, vector<256x32xi32>,
    %eq3A_558 = vector.broadcast %broadcast_in_dim3A_546 : vector<256x1xi32> to vector<256x4096xi32>
    %eq3A_559 = arith.cmpi eq, %iota3A, %eq3A_558 : vector<256x4096xi32>
    %jit3A_560 = arith.constant 0x7F800000 : f32
    %broadcast_in_dim3A_561 = vector.broadcast %jit3A_560 : f32 to vector<256x4096xf32>
    %select_n3A_562 = arith.select %eq3A_559, %broadcast_in_dim3A_561, %get3A_535 : vector<256x4096xi1>, vector<256x4096xf32>
    %swap3A_563 = arith.constant 0 : index
    %swap3A_564 = arith.constant 0 : index
    %swap3A_565 = vector.load %arg7[%swap3A_563, %swap3A_564] : memref<256x4096xf32, #tpu.memory_space<vmem>>, vector<256x4096xf32>
    tpu.vector_store %arg7[%swap3A_563, %swap3A_564], %select_n3A_562 {strides = array<i32>} : memref<256x4096xf32, #tpu.memory_space<vmem>>, vector<256x4096xf32>,
    %scan3A_566 = arith.constant 16 : i32
    %get3A_567 = arith.constant 0 : index
    %get3A_568 = arith.constant 0 : index
    %get3A_569 = vector.load %arg7[%get3A_567, %get3A_568] : memref<256x4096xf32, #tpu.memory_space<vmem>>, vector<256x4096xf32>
    %reduce_min3A_570 = arith.constant dense<0x7F800000> : vector<256xf32>
    %reduce_min3A_571 = vector.multi_reduction <minimumf>, %get3A_569, %reduce_min3A_570 [1] : vector<256x4096xf32> to vector<256xf32>
    %broadcast_in_dim3A_572 = vector.shape_cast %reduce_min3A_571 : vector<256xf32> to vector<256x1xf32>
    %eq3A_573 = vector.broadcast %broadcast_in_dim3A_572 : vector<256x1xf32> to vector<256x4096xf32>
    %eq3A_574 = arith.cmpf oeq, %get3A_569, %eq3A_573 : vector<256x4096xf32>
    %jit3A_575 = arith.constant 4096 : i32
    %broadcast_in_dim3A_576 = vector.broadcast %jit3A_575 : i32 to vector<256x4096xi32>
    %select_n3A_577 = arith.select %eq3A_574, %iota3A, %broadcast_in_dim3A_576 : vector<256x4096xi1>, vector<256x4096xi32>
    %reduce_min3A_578 = arith.constant dense<2147483647> : vector<256xi32>
    %reduce_min3A_579 = vector.multi_reduction <minsi>, %select_n3A_577, %reduce_min3A_578 [1] : vector<256x4096xi32> to vector<256xi32>
    %broadcast_in_dim3A_580 = vector.shape_cast %reduce_min3A_579 : vector<256xi32> to vector<256x1xi32>
    %eq3A_581 = vector.broadcast %scan3A_566 : i32 to vector<256x32xi32>
    %eq3A_582 = arith.cmpi eq, %iota3A_27, %eq3A_581 : vector<256x32xi32>
    %get3A_583 = arith.constant 0 : index
    %get3A_584 = arith.constant 0 : index
    %get3A_585 = vector.load %arg8[%get3A_583, %get3A_584] : memref<256x32xi32, #tpu.memory_space<vmem>>, vector<256x32xi32>
    %broadcast_in_dim3A_586 = vector.shape_cast %broadcast_in_dim3A_580 : vector<256x1xi32> to vector<256x1xi32>
    %broadcast_in_dim3A_587 = vector.broadcast %broadcast_in_dim3A_586 : vector<256x1xi32> to vector<256x32xi32>
    %select_n3A_588 = arith.select %eq3A_582, %broadcast_in_dim3A_587, %get3A_585 : vector<256x32xi1>, vector<256x32xi32>
    %swap3A_589 = arith.constant 0 : index
    %swap3A_590 = arith.constant 0 : index
    %swap3A_591 = vector.load %arg8[%swap3A_589, %swap3A_590] : memref<256x32xi32, #tpu.memory_space<vmem>>, vector<256x32xi32>
    tpu.vector_store %arg8[%swap3A_589, %swap3A_590], %select_n3A_588 {strides = array<i32>} : memref<256x32xi32, #tpu.memory_space<vmem>>, vector<256x32xi32>,
    %eq3A_592 = vector.broadcast %broadcast_in_dim3A_580 : vector<256x1xi32> to vector<256x4096xi32>
    %eq3A_593 = arith.cmpi eq, %iota3A, %eq3A_592 : vector<256x4096xi32>
    %jit3A_594 = arith.constant 0x7F800000 : f32
    %broadcast_in_dim3A_595 = vector.broadcast %jit3A_594 : f32 to vector<256x4096xf32>
    %select_n3A_596 = arith.select %eq3A_593, %broadcast_in_dim3A_595, %get3A_569 : vector<256x4096xi1>, vector<256x4096xf32>
    %swap3A_597 = arith.constant 0 : index
    %swap3A_598 = arith.constant 0 : index
    %swap3A_599 = vector.load %arg7[%swap3A_597, %swap3A_598] : memref<256x4096xf32, #tpu.memory_space<vmem>>, vector<256x4096xf32>
    tpu.vector_store %arg7[%swap3A_597, %swap3A_598], %select_n3A_596 {strides = array<i32>} : memref<256x4096xf32, #tpu.memory_space<vmem>>, vector<256x4096xf32>,
    %scan3A_600 = arith.constant 17 : i32
    %get3A_601 = arith.constant 0 : index
    %get3A_602 = arith.constant 0 : index
    %get3A_603 = vector.load %arg7[%get3A_601, %get3A_602] : memref<256x4096xf32, #tpu.memory_space<vmem>>, vector<256x4096xf32>
    %reduce_min3A_604 = arith.constant dense<0x7F800000> : vector<256xf32>
    %reduce_min3A_605 = vector.multi_reduction <minimumf>, %get3A_603, %reduce_min3A_604 [1] : vector<256x4096xf32> to vector<256xf32>
    %broadcast_in_dim3A_606 = vector.shape_cast %reduce_min3A_605 : vector<256xf32> to vector<256x1xf32>
    %eq3A_607 = vector.broadcast %broadcast_in_dim3A_606 : vector<256x1xf32> to vector<256x4096xf32>
    %eq3A_608 = arith.cmpf oeq, %get3A_603, %eq3A_607 : vector<256x4096xf32>
    %jit3A_609 = arith.constant 4096 : i32
    %broadcast_in_dim3A_610 = vector.broadcast %jit3A_609 : i32 to vector<256x4096xi32>
    %select_n3A_611 = arith.select %eq3A_608, %iota3A, %broadcast_in_dim3A_610 : vector<256x4096xi1>, vector<256x4096xi32>
    %reduce_min3A_612 = arith.constant dense<2147483647> : vector<256xi32>
    %reduce_min3A_613 = vector.multi_reduction <minsi>, %select_n3A_611, %reduce_min3A_612 [1] : vector<256x4096xi32> to vector<256xi32>
    %broadcast_in_dim3A_614 = vector.shape_cast %reduce_min3A_613 : vector<256xi32> to vector<256x1xi32>
    %eq3A_615 = vector.broadcast %scan3A_600 : i32 to vector<256x32xi32>
    %eq3A_616 = arith.cmpi eq, %iota3A_27, %eq3A_615 : vector<256x32xi32>
    %get3A_617 = arith.constant 0 : index
    %get3A_618 = arith.constant 0 : index
    %get3A_619 = vector.load %arg8[%get3A_617, %get3A_618] : memref<256x32xi32, #tpu.memory_space<vmem>>, vector<256x32xi32>
    %broadcast_in_dim3A_620 = vector.shape_cast %broadcast_in_dim3A_614 : vector<256x1xi32> to vector<256x1xi32>
    %broadcast_in_dim3A_621 = vector.broadcast %broadcast_in_dim3A_620 : vector<256x1xi32> to vector<256x32xi32>
    %select_n3A_622 = arith.select %eq3A_616, %broadcast_in_dim3A_621, %get3A_619 : vector<256x32xi1>, vector<256x32xi32>
    %swap3A_623 = arith.constant 0 : index
    %swap3A_624 = arith.constant 0 : index
    %swap3A_625 = vector.load %arg8[%swap3A_623, %swap3A_624] : memref<256x32xi32, #tpu.memory_space<vmem>>, vector<256x32xi32>
    tpu.vector_store %arg8[%swap3A_623, %swap3A_624], %select_n3A_622 {strides = array<i32>} : memref<256x32xi32, #tpu.memory_space<vmem>>, vector<256x32xi32>,
    %eq3A_626 = vector.broadcast %broadcast_in_dim3A_614 : vector<256x1xi32> to vector<256x4096xi32>
    %eq3A_627 = arith.cmpi eq, %iota3A, %eq3A_626 : vector<256x4096xi32>
    %jit3A_628 = arith.constant 0x7F800000 : f32
    %broadcast_in_dim3A_629 = vector.broadcast %jit3A_628 : f32 to vector<256x4096xf32>
    %select_n3A_630 = arith.select %eq3A_627, %broadcast_in_dim3A_629, %get3A_603 : vector<256x4096xi1>, vector<256x4096xf32>
    %swap3A_631 = arith.constant 0 : index
    %swap3A_632 = arith.constant 0 : index
    %swap3A_633 = vector.load %arg7[%swap3A_631, %swap3A_632] : memref<256x4096xf32, #tpu.memory_space<vmem>>, vector<256x4096xf32>
    tpu.vector_store %arg7[%swap3A_631, %swap3A_632], %select_n3A_630 {strides = array<i32>} : memref<256x4096xf32, #tpu.memory_space<vmem>>, vector<256x4096xf32>,
    %scan3A_634 = arith.constant 18 : i32
    %get3A_635 = arith.constant 0 : index
    %get3A_636 = arith.constant 0 : index
    %get3A_637 = vector.load %arg7[%get3A_635, %get3A_636] : memref<256x4096xf32, #tpu.memory_space<vmem>>, vector<256x4096xf32>
    %reduce_min3A_638 = arith.constant dense<0x7F800000> : vector<256xf32>
    %reduce_min3A_639 = vector.multi_reduction <minimumf>, %get3A_637, %reduce_min3A_638 [1] : vector<256x4096xf32> to vector<256xf32>
    %broadcast_in_dim3A_640 = vector.shape_cast %reduce_min3A_639 : vector<256xf32> to vector<256x1xf32>
    %eq3A_641 = vector.broadcast %broadcast_in_dim3A_640 : vector<256x1xf32> to vector<256x4096xf32>
    %eq3A_642 = arith.cmpf oeq, %get3A_637, %eq3A_641 : vector<256x4096xf32>
    %jit3A_643 = arith.constant 4096 : i32
    %broadcast_in_dim3A_644 = vector.broadcast %jit3A_643 : i32 to vector<256x4096xi32>
    %select_n3A_645 = arith.select %eq3A_642, %iota3A, %broadcast_in_dim3A_644 : vector<256x4096xi1>, vector<256x4096xi32>
    %reduce_min3A_646 = arith.constant dense<2147483647> : vector<256xi32>
    %reduce_min3A_647 = vector.multi_reduction <minsi>, %select_n3A_645, %reduce_min3A_646 [1] : vector<256x4096xi32> to vector<256xi32>
    %broadcast_in_dim3A_648 = vector.shape_cast %reduce_min3A_647 : vector<256xi32> to vector<256x1xi32>
    %eq3A_649 = vector.broadcast %scan3A_634 : i32 to vector<256x32xi32>
    %eq3A_650 = arith.cmpi eq, %iota3A_27, %eq3A_649 : vector<256x32xi32>
    %get3A_651 = arith.constant 0 : index
    %get3A_652 = arith.constant 0 : index
    %get3A_653 = vector.load %arg8[%get3A_651, %get3A_652] : memref<256x32xi32, #tpu.memory_space<vmem>>, vector<256x32xi32>
    %broadcast_in_dim3A_654 = vector.shape_cast %broadcast_in_dim3A_648 : vector<256x1xi32> to vector<256x1xi32>
    %broadcast_in_dim3A_655 = vector.broadcast %broadcast_in_dim3A_654 : vector<256x1xi32> to vector<256x32xi32>
    %select_n3A_656 = arith.select %eq3A_650, %broadcast_in_dim3A_655, %get3A_653 : vector<256x32xi1>, vector<256x32xi32>
    %swap3A_657 = arith.constant 0 : index
    %swap3A_658 = arith.constant 0 : index
    %swap3A_659 = vector.load %arg8[%swap3A_657, %swap3A_658] : memref<256x32xi32, #tpu.memory_space<vmem>>, vector<256x32xi32>
    tpu.vector_store %arg8[%swap3A_657, %swap3A_658], %select_n3A_656 {strides = array<i32>} : memref<256x32xi32, #tpu.memory_space<vmem>>, vector<256x32xi32>,
    %eq3A_660 = vector.broadcast %broadcast_in_dim3A_648 : vector<256x1xi32> to vector<256x4096xi32>
    %eq3A_661 = arith.cmpi eq, %iota3A, %eq3A_660 : vector<256x4096xi32>
    %jit3A_662 = arith.constant 0x7F800000 : f32
    %broadcast_in_dim3A_663 = vector.broadcast %jit3A_662 : f32 to vector<256x4096xf32>
    %select_n3A_664 = arith.select %eq3A_661, %broadcast_in_dim3A_663, %get3A_637 : vector<256x4096xi1>, vector<256x4096xf32>
    %swap3A_665 = arith.constant 0 : index
    %swap3A_666 = arith.constant 0 : index
    %swap3A_667 = vector.load %arg7[%swap3A_665, %swap3A_666] : memref<256x4096xf32, #tpu.memory_space<vmem>>, vector<256x4096xf32>
    tpu.vector_store %arg7[%swap3A_665, %swap3A_666], %select_n3A_664 {strides = array<i32>} : memref<256x4096xf32, #tpu.memory_space<vmem>>, vector<256x4096xf32>,
    %scan3A_668 = arith.constant 19 : i32
    %get3A_669 = arith.constant 0 : index
    %get3A_670 = arith.constant 0 : index
    %get3A_671 = vector.load %arg7[%get3A_669, %get3A_670] : memref<256x4096xf32, #tpu.memory_space<vmem>>, vector<256x4096xf32>
    %reduce_min3A_672 = arith.constant dense<0x7F800000> : vector<256xf32>
    %reduce_min3A_673 = vector.multi_reduction <minimumf>, %get3A_671, %reduce_min3A_672 [1] : vector<256x4096xf32> to vector<256xf32>
    %broadcast_in_dim3A_674 = vector.shape_cast %reduce_min3A_673 : vector<256xf32> to vector<256x1xf32>
    %eq3A_675 = vector.broadcast %broadcast_in_dim3A_674 : vector<256x1xf32> to vector<256x4096xf32>
    %eq3A_676 = arith.cmpf oeq, %get3A_671, %eq3A_675 : vector<256x4096xf32>
    %jit3A_677 = arith.constant 4096 : i32
    %broadcast_in_dim3A_678 = vector.broadcast %jit3A_677 : i32 to vector<256x4096xi32>
    %select_n3A_679 = arith.select %eq3A_676, %iota3A, %broadcast_in_dim3A_678 : vector<256x4096xi1>, vector<256x4096xi32>
    %reduce_min3A_680 = arith.constant dense<2147483647> : vector<256xi32>
    %reduce_min3A_681 = vector.multi_reduction <minsi>, %select_n3A_679, %reduce_min3A_680 [1] : vector<256x4096xi32> to vector<256xi32>
    %broadcast_in_dim3A_682 = vector.shape_cast %reduce_min3A_681 : vector<256xi32> to vector<256x1xi32>
    %eq3A_683 = vector.broadcast %scan3A_668 : i32 to vector<256x32xi32>
    %eq3A_684 = arith.cmpi eq, %iota3A_27, %eq3A_683 : vector<256x32xi32>
    %get3A_685 = arith.constant 0 : index
    %get3A_686 = arith.constant 0 : index
    %get3A_687 = vector.load %arg8[%get3A_685, %get3A_686] : memref<256x32xi32, #tpu.memory_space<vmem>>, vector<256x32xi32>
    %broadcast_in_dim3A_688 = vector.shape_cast %broadcast_in_dim3A_682 : vector<256x1xi32> to vector<256x1xi32>
    %broadcast_in_dim3A_689 = vector.broadcast %broadcast_in_dim3A_688 : vector<256x1xi32> to vector<256x32xi32>
    %select_n3A_690 = arith.select %eq3A_684, %broadcast_in_dim3A_689, %get3A_687 : vector<256x32xi1>, vector<256x32xi32>
    %swap3A_691 = arith.constant 0 : index
    %swap3A_692 = arith.constant 0 : index
    %swap3A_693 = vector.load %arg8[%swap3A_691, %swap3A_692] : memref<256x32xi32, #tpu.memory_space<vmem>>, vector<256x32xi32>
    tpu.vector_store %arg8[%swap3A_691, %swap3A_692], %select_n3A_690 {strides = array<i32>} : memref<256x32xi32, #tpu.memory_space<vmem>>, vector<256x32xi32>,
    %eq3A_694 = vector.broadcast %broadcast_in_dim3A_682 : vector<256x1xi32> to vector<256x4096xi32>
    %eq3A_695 = arith.cmpi eq, %iota3A, %eq3A_694 : vector<256x4096xi32>
    %jit3A_696 = arith.constant 0x7F800000 : f32
    %broadcast_in_dim3A_697 = vector.broadcast %jit3A_696 : f32 to vector<256x4096xf32>
    %select_n3A_698 = arith.select %eq3A_695, %broadcast_in_dim3A_697, %get3A_671 : vector<256x4096xi1>, vector<256x4096xf32>
    %swap3A_699 = arith.constant 0 : index
    %swap3A_700 = arith.constant 0 : index
    %swap3A_701 = vector.load %arg7[%swap3A_699, %swap3A_700] : memref<256x4096xf32, #tpu.memory_space<vmem>>, vector<256x4096xf32>
    tpu.vector_store %arg7[%swap3A_699, %swap3A_700], %select_n3A_698 {strides = array<i32>} : memref<256x4096xf32, #tpu.memory_space<vmem>>, vector<256x4096xf32>,
    %scan3A_702 = arith.constant 20 : i32
    %get3A_703 = arith.constant 0 : index
    %get3A_704 = arith.constant 0 : index
    %get3A_705 = vector.load %arg7[%get3A_703, %get3A_704] : memref<256x4096xf32, #tpu.memory_space<vmem>>, vector<256x4096xf32>
    %reduce_min3A_706 = arith.constant dense<0x7F800000> : vector<256xf32>
    %reduce_min3A_707 = vector.multi_reduction <minimumf>, %get3A_705, %reduce_min3A_706 [1] : vector<256x4096xf32> to vector<256xf32>
    %broadcast_in_dim3A_708 = vector.shape_cast %reduce_min3A_707 : vector<256xf32> to vector<256x1xf32>
    %eq3A_709 = vector.broadcast %broadcast_in_dim3A_708 : vector<256x1xf32> to vector<256x4096xf32>
    %eq3A_710 = arith.cmpf oeq, %get3A_705, %eq3A_709 : vector<256x4096xf32>
    %jit3A_711 = arith.constant 4096 : i32
    %broadcast_in_dim3A_712 = vector.broadcast %jit3A_711 : i32 to vector<256x4096xi32>
    %select_n3A_713 = arith.select %eq3A_710, %iota3A, %broadcast_in_dim3A_712 : vector<256x4096xi1>, vector<256x4096xi32>
    %reduce_min3A_714 = arith.constant dense<2147483647> : vector<256xi32>
    %reduce_min3A_715 = vector.multi_reduction <minsi>, %select_n3A_713, %reduce_min3A_714 [1] : vector<256x4096xi32> to vector<256xi32>
    %broadcast_in_dim3A_716 = vector.shape_cast %reduce_min3A_715 : vector<256xi32> to vector<256x1xi32>
    %eq3A_717 = vector.broadcast %scan3A_702 : i32 to vector<256x32xi32>
    %eq3A_718 = arith.cmpi eq, %iota3A_27, %eq3A_717 : vector<256x32xi32>
    %get3A_719 = arith.constant 0 : index
    %get3A_720 = arith.constant 0 : index
    %get3A_721 = vector.load %arg8[%get3A_719, %get3A_720] : memref<256x32xi32, #tpu.memory_space<vmem>>, vector<256x32xi32>
    %broadcast_in_dim3A_722 = vector.shape_cast %broadcast_in_dim3A_716 : vector<256x1xi32> to vector<256x1xi32>
    %broadcast_in_dim3A_723 = vector.broadcast %broadcast_in_dim3A_722 : vector<256x1xi32> to vector<256x32xi32>
    %select_n3A_724 = arith.select %eq3A_718, %broadcast_in_dim3A_723, %get3A_721 : vector<256x32xi1>, vector<256x32xi32>
    %swap3A_725 = arith.constant 0 : index
    %swap3A_726 = arith.constant 0 : index
    %swap3A_727 = vector.load %arg8[%swap3A_725, %swap3A_726] : memref<256x32xi32, #tpu.memory_space<vmem>>, vector<256x32xi32>
    tpu.vector_store %arg8[%swap3A_725, %swap3A_726], %select_n3A_724 {strides = array<i32>} : memref<256x32xi32, #tpu.memory_space<vmem>>, vector<256x32xi32>,
    %eq3A_728 = vector.broadcast %broadcast_in_dim3A_716 : vector<256x1xi32> to vector<256x4096xi32>
    %eq3A_729 = arith.cmpi eq, %iota3A, %eq3A_728 : vector<256x4096xi32>
    %jit3A_730 = arith.constant 0x7F800000 : f32
    %broadcast_in_dim3A_731 = vector.broadcast %jit3A_730 : f32 to vector<256x4096xf32>
    %select_n3A_732 = arith.select %eq3A_729, %broadcast_in_dim3A_731, %get3A_705 : vector<256x4096xi1>, vector<256x4096xf32>
    %swap3A_733 = arith.constant 0 : index
    %swap3A_734 = arith.constant 0 : index
    %swap3A_735 = vector.load %arg7[%swap3A_733, %swap3A_734] : memref<256x4096xf32, #tpu.memory_space<vmem>>, vector<256x4096xf32>
    tpu.vector_store %arg7[%swap3A_733, %swap3A_734], %select_n3A_732 {strides = array<i32>} : memref<256x4096xf32, #tpu.memory_space<vmem>>, vector<256x4096xf32>,
    %scan3A_736 = arith.constant 21 : i32
    %mul3A_737 = arith.constant 4096 : i32
    %mul3A_738 = arith.muli %arg0, %mul3A_737 : i32
    %iota3A_739 = tpu.iota {dimensions = array<i32: 1>} : vector<256x24xi32>
    %get3A_740 = arith.constant 0 : index
    %get3A_741 = arith.constant 1 : index
    %get3A_742 = vector.load %arg8[%get3A_740, %get3A_741] : memref<256x32xi32, #tpu.memory_space<vmem>>, vector<256x24xi32>
    %lt3A = arith.constant 20 : i32
    %lt3A_743 = vector.broadcast %lt3A : i32 to vector<256x24xi32>
    %lt3A_744 = arith.cmpi slt, %iota3A_739, %lt3A_743 : vector<256x24xi32>
    %add3A_745 = vector.broadcast %mul3A_738 : i32 to vector<256x24xi32>
    %add3A_746 = arith.addi %get3A_742, %add3A_745 : vector<256x24xi32>
    %jit3A_747 = arith.constant 0 : i32
    %broadcast_in_dim3A_748 = vector.broadcast %jit3A_747 : i32 to vector<256x24xi32>
    %select_n3A_749 = arith.select %lt3A_744, %add3A_746, %broadcast_in_dim3A_748 : vector<256x24xi1>, vector<256x24xi32>
    %swap3A_750 = arith.constant 0 : index
    %swap3A_751 = arith.constant 0 : index
    %swap3A_752 = arith.constant 0 : index
    %swap3A_753 = vector.load %arg6[%swap3A_750, %swap3A_751, %swap3A_752] : memref<1x256x24xi32, #tpu.memory_space<vmem>>, vector<1x256x24xi32>
    %swap3A_754 = vector.shape_cast %swap3A_753 : vector<1x256x24xi32> to vector<256x24xi32>
    %swap3A_755 = vector.shape_cast %select_n3A_749 : vector<256x24xi32> to vector<1x256x24xi32>
    tpu.vector_store %arg6[%swap3A_750, %swap3A_751, %swap3A_752], %swap3A_755 {strides = array<i32>} : memref<1x256x24xi32, #tpu.memory_space<vmem>>, vector<1x256x24xi32>,
    return
  }
  func.func @transform_0(%arg0: i32, %arg1: i32) -> (i32, i32, i32) {
    %c0_i32 = arith.constant 0 : i32
    %c0_i32_0 = arith.constant 0 : i32
    return %arg0, %arg1, %c0_i32 : i32, i32, i32
  }
  func.func @transform_1(%arg0: i32, %arg1: i32) -> (i32, i32, i32) {
    %c0_i32 = arith.constant 0 : i32
    %c0_i32_0 = arith.constant 0 : i32
    %c0_i32_1 = arith.constant 0 : i32
    return %arg0, %c0_i32, %c0_i32_0 : i32, i32, i32
  }
  func.func @transform_2(%arg0: i32, %arg1: i32) -> (i32, i32, i32) {
    %c0_i32 = arith.constant 0 : i32
    %c0_i32_0 = arith.constant 0 : i32
    return %arg0, %arg1, %c0_i32 : i32, i32, i32
  }
  func.func @transform_3(%arg0: i32, %arg1: i32) -> (i32, i32, i32) {
    %c0_i32 = arith.constant 0 : i32
    %c0_i32_0 = arith.constant 0 : i32
    %c0_i32_1 = arith.constant 0 : i32
    return %arg0, %c0_i32, %c0_i32_0 : i32, i32, i32
  }
  func.func @transform_4(%arg0: i32, %arg1: i32) -> (i32, i32, i32) {
    %c0_i32 = arith.constant 0 : i32
    %c0_i32_0 = arith.constant 0 : i32
    return %arg0, %arg1, %c0_i32 : i32, i32, i32
  }
}

module attributes {stable_mosaic.version = 14 : i64} {
  func.func @_zwrite1_kernel(%arg0: i32, %arg1: memref<6144x16xf32, #tpu.memory_space<vmem>>, %arg2: memref<256x16xf32, #tpu.memory_space<vmem>>, %arg3: memref<18x64xf32, #tpu.memory_space<vmem>>, %arg4: memref<6144x64xf32, #tpu.memory_space<vmem>>) attributes {dimension_semantics = [#tpu.dimension_semantics<arbitrary>], iteration_bounds = array<i64: 128>, scalar_prefetch = 0 : i64, scratch_operands = 0 : i64, tpu.core_type = #tpu.core_type<tc>, window_params = [{transform_indices = @transform_0, window_bounds = array<i64: 6144, 16>}, {transform_indices = @transform_1, window_bounds = array<i64: 256, 16>}, {pipeline_mode = #tpu.pipeline_mode<synchronous>, transform_indices = @transform_2, window_bounds = array<i64: 18, 64>}, {transform_indices = @transform_3, window_bounds = array<i64: 6144, 64>}]} {
    %get3A = arith.constant 0 : index
    %get3A_0 = arith.constant 0 : index
    %get3A_1 = vector.load %arg2[%get3A, %get3A_0] : memref<256x16xf32, #tpu.memory_space<vmem>>, vector<256x16xf32>
    %get3A_2 = arith.constant 0 : index
    %get3A_3 = arith.constant 0 : index
    %get3A_4 = vector.load %arg1[%get3A_2, %get3A_3] : memref<6144x16xf32, #tpu.memory_space<vmem>>, vector<6144x16xf32>
    %reshape3A = vector.shape_cast %get3A_4 : vector<6144x16xf32> to vector<256x24x16xf32>
    %broadcast_in_dim3A = vector.shape_cast %get3A_1 : vector<256x16xf32> to vector<256x1x16xf32>
    %broadcast_in_dim3A_5 = vector.shape_cast %broadcast_in_dim3A : vector<256x1x16xf32> to vector<256x1x16xf32>
    %broadcast_in_dim3A_6 = vector.broadcast %broadcast_in_dim3A_5 : vector<256x1x16xf32> to vector<256x24x16xf32>
    %sub3A = arith.subf %reshape3A, %broadcast_in_dim3A_6 : vector<256x24x16xf32>
    %reshape3A_7 = vector.shape_cast %sub3A : vector<256x24x16xf32> to vector<6144x16xf32>
    %slice3A = vector.extract_strided_slice %reshape3A_7 {offsets = [0, 0], sizes = [6144, 9], strides = [1, 1]} : vector<6144x16xf32> to vector<6144x9xf32>
    %reshape3A_8 = vector.shape_cast %broadcast_in_dim3A_6 : vector<256x24x16xf32> to vector<6144x16xf32>
    %slice3A_9 = vector.extract_strided_slice %reshape3A_8 {offsets = [0, 0], sizes = [6144, 9], strides = [1, 1]} : vector<6144x16xf32> to vector<6144x9xf32>
    %concatenate3A = tpu.concatenate %slice3A, %slice3A_9 in 1 : vector<6144x9xf32>, vector<6144x9xf32> -> vector<6144x18xf32>
    %convert_element_type3A = arith.truncf %concatenate3A : vector<6144x18xf32> to vector<6144x18xbf16>
    %get3A_10 = arith.constant 0 : index
    %get3A_11 = arith.constant 0 : index
    %get3A_12 = vector.load %arg3[%get3A_10, %get3A_11] : memref<18x64xf32, #tpu.memory_space<vmem>>, vector<18x64xf32>
    %convert_element_type3A_13 = arith.truncf %get3A_12 : vector<18x64xf32> to vector<18x64xbf16>
    %dot_general3A = arith.constant dense<0.000000e+00> : vector<6144x64xf32>
    %dot_general3A_14 = tpu.matmul %convert_element_type3A, %convert_element_type3A_13, %dot_general3A {dimension_numbers = #tpu.dot_dimension_numbers<[1], [0], [0], [1], [0, 0, 1, 1], [], []>, transpose_lhs_hint = false} : vector<6144x18xbf16>, vector<18x64xbf16>, vector<6144x64xf32> -> vector<6144x64xf32>
    %reshape3A_15 = vector.shape_cast %dot_general3A_14 : vector<6144x64xf32> to vector<256x24x64xf32>
    %reshape3A_16 = vector.shape_cast %reshape3A_15 : vector<256x24x64xf32> to vector<6144x64xf32>
    %swap3A = arith.constant 0 : index
    %swap3A_17 = arith.constant 0 : index
    %swap3A_18 = vector.load %arg4[%swap3A, %swap3A_17] : memref<6144x64xf32, #tpu.memory_space<vmem>>, vector<6144x64xf32>
    tpu.vector_store %arg4[%swap3A, %swap3A_17], %reshape3A_16 {strides = array<i32>} : memref<6144x64xf32, #tpu.memory_space<vmem>>, vector<6144x64xf32>,
    return
  }
  func.func @transform_0(%arg0: i32) -> (i32, i32) {
    %c0_i32 = arith.constant 0 : i32
    %c0_i32_0 = arith.constant 0 : i32
    return %arg0, %c0_i32 : i32, i32
  }
  func.func @transform_1(%arg0: i32) -> (i32, i32) {
    %c0_i32 = arith.constant 0 : i32
    %c0_i32_0 = arith.constant 0 : i32
    return %arg0, %c0_i32 : i32, i32
  }
  func.func @transform_2(%arg0: i32) -> (i32, i32) {
    %c0_i32 = arith.constant 0 : i32
    %c0_i32_0 = arith.constant 0 : i32
    %c0_i32_1 = arith.constant 0 : i32
    return %c0_i32, %c0_i32_0 : i32, i32
  }
  func.func @transform_3(%arg0: i32) -> (i32, i32) {
    %c0_i32 = arith.constant 0 : i32
    %c0_i32_0 = arith.constant 0 : i32
    return %arg0, %c0_i32 : i32, i32
  }
}

module attributes {stable_mosaic.version = 14 : i64} {
  func.func @_zwrite2_kernel(%arg0: i32, %arg1: memref<6144x16xf32, #tpu.memory_space<vmem>>, %arg2: memref<256x16xf32, #tpu.memory_space<vmem>>, %arg3: memref<18x64xf32, #tpu.memory_space<vmem>>, %arg4: memref<2x64xf32, #tpu.memory_space<vmem>>, %arg5: memref<64x64xf32, #tpu.memory_space<vmem>>, %arg6: memref<6144x64xf32, #tpu.memory_space<vmem>>) attributes {dimension_semantics = [#tpu.dimension_semantics<arbitrary>], iteration_bounds = array<i64: 128>, scalar_prefetch = 0 : i64, scratch_operands = 0 : i64, tpu.core_type = #tpu.core_type<tc>, window_params = [{transform_indices = @transform_0, window_bounds = array<i64: 6144, 16>}, {transform_indices = @transform_1, window_bounds = array<i64: 256, 16>}, {pipeline_mode = #tpu.pipeline_mode<synchronous>, transform_indices = @transform_2, window_bounds = array<i64: 18, 64>}, {pipeline_mode = #tpu.pipeline_mode<synchronous>, transform_indices = @transform_3, window_bounds = array<i64: 2, 64>}, {pipeline_mode = #tpu.pipeline_mode<synchronous>, transform_indices = @transform_4, window_bounds = array<i64: 64, 64>}, {transform_indices = @transform_5, window_bounds = array<i64: 6144, 64>}]} {
    %get3A = arith.constant 0 : index
    %get3A_0 = arith.constant 0 : index
    %get3A_1 = vector.load %arg2[%get3A, %get3A_0] : memref<256x16xf32, #tpu.memory_space<vmem>>, vector<256x16xf32>
    %get3A_2 = arith.constant 0 : index
    %get3A_3 = arith.constant 0 : index
    %get3A_4 = vector.load %arg1[%get3A_2, %get3A_3] : memref<6144x16xf32, #tpu.memory_space<vmem>>, vector<6144x16xf32>
    %reshape3A = vector.shape_cast %get3A_4 : vector<6144x16xf32> to vector<256x24x16xf32>
    %broadcast_in_dim3A = vector.shape_cast %get3A_1 : vector<256x16xf32> to vector<256x1x16xf32>
    %broadcast_in_dim3A_5 = vector.shape_cast %broadcast_in_dim3A : vector<256x1x16xf32> to vector<256x1x16xf32>
    %broadcast_in_dim3A_6 = vector.broadcast %broadcast_in_dim3A_5 : vector<256x1x16xf32> to vector<256x24x16xf32>
    %sub3A = arith.subf %reshape3A, %broadcast_in_dim3A_6 : vector<256x24x16xf32>
    %reshape3A_7 = vector.shape_cast %sub3A : vector<256x24x16xf32> to vector<6144x16xf32>
    %slice3A = vector.extract_strided_slice %reshape3A_7 {offsets = [0, 0], sizes = [6144, 9], strides = [1, 1]} : vector<6144x16xf32> to vector<6144x9xf32>
    %reshape3A_8 = vector.shape_cast %broadcast_in_dim3A_6 : vector<256x24x16xf32> to vector<6144x16xf32>
    %slice3A_9 = vector.extract_strided_slice %reshape3A_8 {offsets = [0, 0], sizes = [6144, 9], strides = [1, 1]} : vector<6144x16xf32> to vector<6144x9xf32>
    %concatenate3A = tpu.concatenate %slice3A, %slice3A_9 in 1 : vector<6144x9xf32>, vector<6144x9xf32> -> vector<6144x18xf32>
    %convert_element_type3A = arith.truncf %concatenate3A : vector<6144x18xf32> to vector<6144x18xbf16>
    %get3A_10 = arith.constant 0 : index
    %get3A_11 = arith.constant 0 : index
    %get3A_12 = vector.load %arg3[%get3A_10, %get3A_11] : memref<18x64xf32, #tpu.memory_space<vmem>>, vector<18x64xf32>
    %convert_element_type3A_13 = arith.truncf %get3A_12 : vector<18x64xf32> to vector<18x64xbf16>
    %dot_general3A = arith.constant dense<0.000000e+00> : vector<6144x64xf32>
    %dot_general3A_14 = tpu.matmul %convert_element_type3A, %convert_element_type3A_13, %dot_general3A {dimension_numbers = #tpu.dot_dimension_numbers<[1], [0], [0], [1], [0, 0, 1, 1], [], []>, transpose_lhs_hint = false} : vector<6144x18xbf16>, vector<18x64xbf16>, vector<6144x64xf32> -> vector<6144x64xf32>
    %reshape3A_15 = vector.shape_cast %dot_general3A_14 : vector<6144x64xf32> to vector<256x24x64xf32>
    %get3A_16 = arith.constant 0 : index
    %get3A_17 = arith.constant 0 : index
    %get3A_18 = vector.load %arg4[%get3A_16, %get3A_17] : memref<2x64xf32, #tpu.memory_space<vmem>>, vector<1x64xf32>
    %get3A_19 = arith.constant 1 : index
    %get3A_20 = arith.constant 0 : index
    %get3A_21 = vector.load %arg4[%get3A_19, %get3A_20] : memref<2x64xf32, #tpu.memory_space<vmem>>, vector<1x64xf32>
    %broadcast_in_dim3A_22 = vector.shape_cast %get3A_18 : vector<1x64xf32> to vector<1x1x64xf32>
    %sub3A_23 = vector.broadcast %broadcast_in_dim3A_22 : vector<1x1x64xf32> to vector<256x24x64xf32>
    %sub3A_24 = arith.subf %reshape3A_15, %sub3A_23 : vector<256x24x64xf32>
    %add3A = arith.constant 9.99999974E-6 : f32
    %add3A_25 = vector.broadcast %add3A : f32 to vector<1x64xf32>
    %add3A_26 = arith.addf %get3A_21, %add3A_25 : vector<1x64xf32>
    %sqrt3A = math.sqrt %add3A_26 : vector<1x64xf32>
    %broadcast_in_dim3A_27 = vector.shape_cast %sqrt3A : vector<1x64xf32> to vector<1x1x64xf32>
    %div3A = vector.broadcast %broadcast_in_dim3A_27 : vector<1x1x64xf32> to vector<256x24x64xf32>
    %div3A_28 = arith.divf %sub3A_24, %div3A : vector<256x24x64xf32>
    %custom_jvp_call3A = arith.constant 0.000000e+00 : f32
    %max3A = vector.broadcast %custom_jvp_call3A : f32 to vector<256x24x64xf32>
    %max3A_29 = arith.maximumf %div3A_28, %max3A : vector<256x24x64xf32>
    %sub3A_30 = vector.broadcast %custom_jvp_call3A : f32 to vector<256x24x64xf32>
    %sub3A_31 = arith.subf %div3A_28, %sub3A_30 : vector<256x24x64xf32>
    %ne3A = arith.cmpf one, %sub3A_31, %sub3A_31 : vector<256x24x64xf32>
    %add3A_32 = vector.broadcast %custom_jvp_call3A : f32 to vector<256x24x64xf32>
    %add3A_33 = arith.addf %div3A_28, %add3A_32 : vector<256x24x64xf32>
    %abs3A = math.absf %sub3A_31 : vector<256x24x64xf32>
    %neg3A = arith.constant 0.000000e+00 : f32
    %neg3A_34 = vector.broadcast %neg3A : f32 to vector<256x24x64xf32>
    %neg3A_35 = arith.subf %neg3A_34, %abs3A : vector<256x24x64xf32>
    %exp3A = math.exp %neg3A_35 : vector<256x24x64xf32>
    %log1p3A = math.log1p %exp3A : vector<256x24x64xf32>
    %add3A_36 = arith.addf %max3A_29, %log1p3A : vector<256x24x64xf32>
    %select_n3A = arith.select %ne3A, %add3A_33, %add3A_36 : vector<256x24x64xi1>, vector<256x24x64xf32>
    %tanh3A = math.tanh %select_n3A : vector<256x24x64xf32>
    %mul3A = arith.mulf %div3A_28, %tanh3A : vector<256x24x64xf32>
    %reshape3A_37 = vector.shape_cast %mul3A : vector<256x24x64xf32> to vector<6144x64xf32>
    %convert_element_type3A_38 = arith.truncf %reshape3A_37 : vector<6144x64xf32> to vector<6144x64xbf16>
    %get3A_39 = arith.constant 0 : index
    %get3A_40 = arith.constant 0 : index
    %get3A_41 = vector.load %arg5[%get3A_39, %get3A_40] : memref<64x64xf32, #tpu.memory_space<vmem>>, vector<64x64xf32>
    %convert_element_type3A_42 = arith.truncf %get3A_41 : vector<64x64xf32> to vector<64x64xbf16>
    %dot_general3A_43 = arith.constant dense<0.000000e+00> : vector<6144x64xf32>
    %dot_general3A_44 = tpu.matmul %convert_element_type3A_38, %convert_element_type3A_42, %dot_general3A_43 {dimension_numbers = #tpu.dot_dimension_numbers<[1], [0], [0], [1], [0, 0, 1, 1], [], []>, transpose_lhs_hint = false} : vector<6144x64xbf16>, vector<64x64xbf16>, vector<6144x64xf32> -> vector<6144x64xf32>
    %swap3A = arith.constant 0 : index
    %swap3A_45 = arith.constant 0 : index
    %swap3A_46 = vector.load %arg6[%swap3A, %swap3A_45] : memref<6144x64xf32, #tpu.memory_space<vmem>>, vector<6144x64xf32>
    tpu.vector_store %arg6[%swap3A, %swap3A_45], %dot_general3A_44 {strides = array<i32>} : memref<6144x64xf32, #tpu.memory_space<vmem>>, vector<6144x64xf32>,
    return
  }
  func.func @transform_0(%arg0: i32) -> (i32, i32) {
    %c0_i32 = arith.constant 0 : i32
    %c0_i32_0 = arith.constant 0 : i32
    return %arg0, %c0_i32 : i32, i32
  }
  func.func @transform_1(%arg0: i32) -> (i32, i32) {
    %c0_i32 = arith.constant 0 : i32
    %c0_i32_0 = arith.constant 0 : i32
    return %arg0, %c0_i32 : i32, i32
  }
  func.func @transform_2(%arg0: i32) -> (i32, i32) {
    %c0_i32 = arith.constant 0 : i32
    %c0_i32_0 = arith.constant 0 : i32
    %c0_i32_1 = arith.constant 0 : i32
    return %c0_i32, %c0_i32_0 : i32, i32
  }
  func.func @transform_3(%arg0: i32) -> (i32, i32) {
    %c0_i32 = arith.constant 0 : i32
    %c0_i32_0 = arith.constant 0 : i32
    %c0_i32_1 = arith.constant 0 : i32
    return %c0_i32, %c0_i32_0 : i32, i32
  }
  func.func @transform_4(%arg0: i32) -> (i32, i32) {
    %c0_i32 = arith.constant 0 : i32
    %c0_i32_0 = arith.constant 0 : i32
    %c0_i32_1 = arith.constant 0 : i32
    return %c0_i32, %c0_i32_0 : i32, i32
  }
  func.func @transform_5(%arg0: i32) -> (i32, i32) {
    %c0_i32 = arith.constant 0 : i32
    %c0_i32_0 = arith.constant 0 : i32
    return %arg0, %c0_i32 : i32, i32
  }
}

module attributes {stable_mosaic.version = 14 : i64} {
  func.func @_max2_kernel(%arg0: i32, %arg1: memref<6144x16xf32, #tpu.memory_space<vmem>>, %arg2: memref<256x16xf32, #tpu.memory_space<vmem>>, %arg3: memref<18x64xf32, #tpu.memory_space<vmem>>, %arg4: memref<2x64xf32, #tpu.memory_space<vmem>>, %arg5: memref<64x64xf32, #tpu.memory_space<vmem>>, %arg6: memref<2x64xf32, #tpu.memory_space<vmem>>, %arg7: memref<256x64xf32, #tpu.memory_space<vmem>>) attributes {dimension_semantics = [#tpu.dimension_semantics<arbitrary>], iteration_bounds = array<i64: 128>, scalar_prefetch = 0 : i64, scratch_operands = 0 : i64, tpu.core_type = #tpu.core_type<tc>, window_params = [{transform_indices = @transform_0, window_bounds = array<i64: 6144, 16>}, {transform_indices = @transform_1, window_bounds = array<i64: 256, 16>}, {pipeline_mode = #tpu.pipeline_mode<synchronous>, transform_indices = @transform_2, window_bounds = array<i64: 18, 64>}, {pipeline_mode = #tpu.pipeline_mode<synchronous>, transform_indices = @transform_3, window_bounds = array<i64: 2, 64>}, {pipeline_mode = #tpu.pipeline_mode<synchronous>, transform_indices = @transform_4, window_bounds = array<i64: 64, 64>}, {pipeline_mode = #tpu.pipeline_mode<synchronous>, transform_indices = @transform_5, window_bounds = array<i64: 2, 64>}, {transform_indices = @transform_6, window_bounds = array<i64: 256, 64>}]} {
    %get3A = arith.constant 0 : index
    %get3A_0 = arith.constant 0 : index
    %get3A_1 = vector.load %arg2[%get3A, %get3A_0] : memref<256x16xf32, #tpu.memory_space<vmem>>, vector<256x16xf32>
    %get3A_2 = arith.constant 0 : index
    %get3A_3 = arith.constant 0 : index
    %get3A_4 = vector.load %arg1[%get3A_2, %get3A_3] : memref<6144x16xf32, #tpu.memory_space<vmem>>, vector<6144x16xf32>
    %reshape3A = vector.shape_cast %get3A_4 : vector<6144x16xf32> to vector<256x24x16xf32>
    %broadcast_in_dim3A = vector.shape_cast %get3A_1 : vector<256x16xf32> to vector<256x1x16xf32>
    %broadcast_in_dim3A_5 = vector.shape_cast %broadcast_in_dim3A : vector<256x1x16xf32> to vector<256x1x16xf32>
    %broadcast_in_dim3A_6 = vector.broadcast %broadcast_in_dim3A_5 : vector<256x1x16xf32> to vector<256x24x16xf32>
    %sub3A = arith.subf %reshape3A, %broadcast_in_dim3A_6 : vector<256x24x16xf32>
    %reshape3A_7 = vector.shape_cast %sub3A : vector<256x24x16xf32> to vector<6144x16xf32>
    %slice3A = vector.extract_strided_slice %reshape3A_7 {offsets = [0, 0], sizes = [6144, 9], strides = [1, 1]} : vector<6144x16xf32> to vector<6144x9xf32>
    %reshape3A_8 = vector.shape_cast %broadcast_in_dim3A_6 : vector<256x24x16xf32> to vector<6144x16xf32>
    %slice3A_9 = vector.extract_strided_slice %reshape3A_8 {offsets = [0, 0], sizes = [6144, 9], strides = [1, 1]} : vector<6144x16xf32> to vector<6144x9xf32>
    %concatenate3A = tpu.concatenate %slice3A, %slice3A_9 in 1 : vector<6144x9xf32>, vector<6144x9xf32> -> vector<6144x18xf32>
    %convert_element_type3A = arith.truncf %concatenate3A : vector<6144x18xf32> to vector<6144x18xbf16>
    %get3A_10 = arith.constant 0 : index
    %get3A_11 = arith.constant 0 : index
    %get3A_12 = vector.load %arg3[%get3A_10, %get3A_11] : memref<18x64xf32, #tpu.memory_space<vmem>>, vector<18x64xf32>
    %convert_element_type3A_13 = arith.truncf %get3A_12 : vector<18x64xf32> to vector<18x64xbf16>
    %dot_general3A = arith.constant dense<0.000000e+00> : vector<6144x64xf32>
    %dot_general3A_14 = tpu.matmul %convert_element_type3A, %convert_element_type3A_13, %dot_general3A {dimension_numbers = #tpu.dot_dimension_numbers<[1], [0], [0], [1], [0, 0, 1, 1], [], []>, transpose_lhs_hint = false} : vector<6144x18xbf16>, vector<18x64xbf16>, vector<6144x64xf32> -> vector<6144x64xf32>
    %reshape3A_15 = vector.shape_cast %dot_general3A_14 : vector<6144x64xf32> to vector<256x24x64xf32>
    %get3A_16 = arith.constant 0 : index
    %get3A_17 = arith.constant 0 : index
    %get3A_18 = vector.load %arg4[%get3A_16, %get3A_17] : memref<2x64xf32, #tpu.memory_space<vmem>>, vector<1x64xf32>
    %get3A_19 = arith.constant 1 : index
    %get3A_20 = arith.constant 0 : index
    %get3A_21 = vector.load %arg4[%get3A_19, %get3A_20] : memref<2x64xf32, #tpu.memory_space<vmem>>, vector<1x64xf32>
    %broadcast_in_dim3A_22 = vector.shape_cast %get3A_18 : vector<1x64xf32> to vector<1x1x64xf32>
    %sub3A_23 = vector.broadcast %broadcast_in_dim3A_22 : vector<1x1x64xf32> to vector<256x24x64xf32>
    %sub3A_24 = arith.subf %reshape3A_15, %sub3A_23 : vector<256x24x64xf32>
    %add3A = arith.constant 9.99999974E-6 : f32
    %add3A_25 = vector.broadcast %add3A : f32 to vector<1x64xf32>
    %add3A_26 = arith.addf %get3A_21, %add3A_25 : vector<1x64xf32>
    %sqrt3A = math.sqrt %add3A_26 : vector<1x64xf32>
    %broadcast_in_dim3A_27 = vector.shape_cast %sqrt3A : vector<1x64xf32> to vector<1x1x64xf32>
    %div3A = vector.broadcast %broadcast_in_dim3A_27 : vector<1x1x64xf32> to vector<256x24x64xf32>
    %div3A_28 = arith.divf %sub3A_24, %div3A : vector<256x24x64xf32>
    %custom_jvp_call3A = arith.constant 0.000000e+00 : f32
    %max3A = vector.broadcast %custom_jvp_call3A : f32 to vector<256x24x64xf32>
    %max3A_29 = arith.maximumf %div3A_28, %max3A : vector<256x24x64xf32>
    %sub3A_30 = vector.broadcast %custom_jvp_call3A : f32 to vector<256x24x64xf32>
    %sub3A_31 = arith.subf %div3A_28, %sub3A_30 : vector<256x24x64xf32>
    %ne3A = arith.cmpf one, %sub3A_31, %sub3A_31 : vector<256x24x64xf32>
    %add3A_32 = vector.broadcast %custom_jvp_call3A : f32 to vector<256x24x64xf32>
    %add3A_33 = arith.addf %div3A_28, %add3A_32 : vector<256x24x64xf32>
    %abs3A = math.absf %sub3A_31 : vector<256x24x64xf32>
    %neg3A = arith.constant 0.000000e+00 : f32
    %neg3A_34 = vector.broadcast %neg3A : f32 to vector<256x24x64xf32>
    %neg3A_35 = arith.subf %neg3A_34, %abs3A : vector<256x24x64xf32>
    %exp3A = math.exp %neg3A_35 : vector<256x24x64xf32>
    %log1p3A = math.log1p %exp3A : vector<256x24x64xf32>
    %add3A_36 = arith.addf %max3A_29, %log1p3A : vector<256x24x64xf32>
    %select_n3A = arith.select %ne3A, %add3A_33, %add3A_36 : vector<256x24x64xi1>, vector<256x24x64xf32>
    %tanh3A = math.tanh %select_n3A : vector<256x24x64xf32>
    %mul3A = arith.mulf %div3A_28, %tanh3A : vector<256x24x64xf32>
    %reshape3A_37 = vector.shape_cast %mul3A : vector<256x24x64xf32> to vector<6144x64xf32>
    %convert_element_type3A_38 = arith.truncf %reshape3A_37 : vector<6144x64xf32> to vector<6144x64xbf16>
    %get3A_39 = arith.constant 0 : index
    %get3A_40 = arith.constant 0 : index
    %get3A_41 = vector.load %arg5[%get3A_39, %get3A_40] : memref<64x64xf32, #tpu.memory_space<vmem>>, vector<64x64xf32>
    %convert_element_type3A_42 = arith.truncf %get3A_41 : vector<64x64xf32> to vector<64x64xbf16>
    %dot_general3A_43 = arith.constant dense<0.000000e+00> : vector<6144x64xf32>
    %dot_general3A_44 = tpu.matmul %convert_element_type3A_38, %convert_element_type3A_42, %dot_general3A_43 {dimension_numbers = #tpu.dot_dimension_numbers<[1], [0], [0], [1], [0, 0, 1, 1], [], []>, transpose_lhs_hint = false} : vector<6144x64xbf16>, vector<64x64xbf16>, vector<6144x64xf32> -> vector<6144x64xf32>
    %reshape3A_45 = vector.shape_cast %dot_general3A_44 : vector<6144x64xf32> to vector<256x24x64xf32>
    %get3A_46 = arith.constant 0 : index
    %get3A_47 = arith.constant 0 : index
    %get3A_48 = vector.load %arg6[%get3A_46, %get3A_47] : memref<2x64xf32, #tpu.memory_space<vmem>>, vector<1x64xf32>
    %get3A_49 = arith.constant 1 : index
    %get3A_50 = arith.constant 0 : index
    %get3A_51 = vector.load %arg6[%get3A_49, %get3A_50] : memref<2x64xf32, #tpu.memory_space<vmem>>, vector<1x64xf32>
    %broadcast_in_dim3A_52 = vector.shape_cast %get3A_48 : vector<1x64xf32> to vector<1x1x64xf32>
    %sub3A_53 = vector.broadcast %broadcast_in_dim3A_52 : vector<1x1x64xf32> to vector<256x24x64xf32>
    %sub3A_54 = arith.subf %reshape3A_45, %sub3A_53 : vector<256x24x64xf32>
    %add3A_55 = arith.constant 9.99999974E-6 : f32
    %add3A_56 = vector.broadcast %add3A_55 : f32 to vector<1x64xf32>
    %add3A_57 = arith.addf %get3A_51, %add3A_56 : vector<1x64xf32>
    %sqrt3A_58 = math.sqrt %add3A_57 : vector<1x64xf32>
    %broadcast_in_dim3A_59 = vector.shape_cast %sqrt3A_58 : vector<1x64xf32> to vector<1x1x64xf32>
    %div3A_60 = vector.broadcast %broadcast_in_dim3A_59 : vector<1x1x64xf32> to vector<256x24x64xf32>
    %div3A_61 = arith.divf %sub3A_54, %div3A_60 : vector<256x24x64xf32>
    %custom_jvp_call3A_62 = arith.constant 0.000000e+00 : f32
    %max3A_63 = vector.broadcast %custom_jvp_call3A_62 : f32 to vector<256x24x64xf32>
    %max3A_64 = arith.maximumf %div3A_61, %max3A_63 : vector<256x24x64xf32>
    %sub3A_65 = vector.broadcast %custom_jvp_call3A_62 : f32 to vector<256x24x64xf32>
    %sub3A_66 = arith.subf %div3A_61, %sub3A_65 : vector<256x24x64xf32>
    %ne3A_67 = arith.cmpf one, %sub3A_66, %sub3A_66 : vector<256x24x64xf32>
    %add3A_68 = vector.broadcast %custom_jvp_call3A_62 : f32 to vector<256x24x64xf32>
    %add3A_69 = arith.addf %div3A_61, %add3A_68 : vector<256x24x64xf32>
    %abs3A_70 = math.absf %sub3A_66 : vector<256x24x64xf32>
    %neg3A_71 = arith.constant 0.000000e+00 : f32
    %neg3A_72 = vector.broadcast %neg3A_71 : f32 to vector<256x24x64xf32>
    %neg3A_73 = arith.subf %neg3A_72, %abs3A_70 : vector<256x24x64xf32>
    %exp3A_74 = math.exp %neg3A_73 : vector<256x24x64xf32>
    %log1p3A_75 = math.log1p %exp3A_74 : vector<256x24x64xf32>
    %add3A_76 = arith.addf %max3A_64, %log1p3A_75 : vector<256x24x64xf32>
    %select_n3A_77 = arith.select %ne3A_67, %add3A_69, %add3A_76 : vector<256x24x64xi1>, vector<256x24x64xf32>
    %tanh3A_78 = math.tanh %select_n3A_77 : vector<256x24x64xf32>
    %mul3A_79 = arith.mulf %div3A_61, %tanh3A_78 : vector<256x24x64xf32>
    %iota3A = tpu.iota {dimensions = array<i32: 1>} : vector<256x24x1xi32>
    %lt3A = arith.constant 20 : i32
    %lt3A_80 = vector.broadcast %lt3A : i32 to vector<256x24x1xi32>
    %lt3A_81 = arith.cmpi slt, %iota3A, %lt3A_80 : vector<256x24x1xi32>
    %jit3A = arith.constant 0xFF800000 : f32
    %broadcast_in_dim3A_82 = vector.shape_cast %lt3A_81 : vector<256x24x1xi1> to vector<256x24x1xi1>
    %broadcast_in_dim3A_83 = vector.broadcast %broadcast_in_dim3A_82 : vector<256x24x1xi1> to vector<256x24x64xi1>
    %broadcast_in_dim3A_84 = vector.broadcast %jit3A : f32 to vector<256x24x64xf32>
    %select_n3A_85 = arith.select %broadcast_in_dim3A_83, %mul3A_79, %broadcast_in_dim3A_84 : vector<256x24x64xi1>, vector<256x24x64xf32>
    %reduce_max3A = arith.constant dense<0xFF800000> : vector<256x64xf32>
    %reduce_max3A_86 = vector.multi_reduction <maximumf>, %select_n3A_85, %reduce_max3A [1] : vector<256x24x64xf32> to vector<256x64xf32>
    %swap3A = arith.constant 0 : index
    %swap3A_87 = arith.constant 0 : index
    %swap3A_88 = vector.load %arg7[%swap3A, %swap3A_87] : memref<256x64xf32, #tpu.memory_space<vmem>>, vector<256x64xf32>
    tpu.vector_store %arg7[%swap3A, %swap3A_87], %reduce_max3A_86 {strides = array<i32>} : memref<256x64xf32, #tpu.memory_space<vmem>>, vector<256x64xf32>,
    return
  }
  func.func @transform_0(%arg0: i32) -> (i32, i32) {
    %c0_i32 = arith.constant 0 : i32
    %c0_i32_0 = arith.constant 0 : i32
    return %arg0, %c0_i32 : i32, i32
  }
  func.func @transform_1(%arg0: i32) -> (i32, i32) {
    %c0_i32 = arith.constant 0 : i32
    %c0_i32_0 = arith.constant 0 : i32
    return %arg0, %c0_i32 : i32, i32
  }
  func.func @transform_2(%arg0: i32) -> (i32, i32) {
    %c0_i32 = arith.constant 0 : i32
    %c0_i32_0 = arith.constant 0 : i32
    %c0_i32_1 = arith.constant 0 : i32
    return %c0_i32, %c0_i32_0 : i32, i32
  }
  func.func @transform_3(%arg0: i32) -> (i32, i32) {
    %c0_i32 = arith.constant 0 : i32
    %c0_i32_0 = arith.constant 0 : i32
    %c0_i32_1 = arith.constant 0 : i32
    return %c0_i32, %c0_i32_0 : i32, i32
  }
  func.func @transform_4(%arg0: i32) -> (i32, i32) {
    %c0_i32 = arith.constant 0 : i32
    %c0_i32_0 = arith.constant 0 : i32
    %c0_i32_1 = arith.constant 0 : i32
    return %c0_i32, %c0_i32_0 : i32, i32
  }
  func.func @transform_5(%arg0: i32) -> (i32, i32) {
    %c0_i32 = arith.constant 0 : i32
    %c0_i32_0 = arith.constant 0 : i32
    %c0_i32_1 = arith.constant 0 : i32
    return %c0_i32, %c0_i32_0 : i32, i32
  }
  func.func @transform_6(%arg0: i32) -> (i32, i32) {
    %c0_i32 = arith.constant 0 : i32
    %c0_i32_0 = arith.constant 0 : i32
    return %arg0, %c0_i32 : i32, i32
  }
}

module attributes {stable_mosaic.version = 14 : i64} {
  func.func @_knn_kernel(%arg0: i32, %arg1: i32, %arg2: memref<1x256x64xf32, #tpu.memory_space<vmem>>, %arg3: memref<1x4096x64xf32, #tpu.memory_space<vmem>>, %arg4: memref<1x256x1xf32, #tpu.memory_space<vmem>>, %arg5: memref<1x1x4096xf32, #tpu.memory_space<vmem>>, %arg6: memref<1x256x24xi32, #tpu.memory_space<vmem>>, %arg7: memref<256x4096xf32, #tpu.memory_space<vmem>>, %arg8: memref<256x32xi32, #tpu.memory_space<vmem>>) attributes {dimension_semantics = [#tpu.dimension_semantics<arbitrary>, #tpu.dimension_semantics<arbitrary>], iteration_bounds = array<i64: 8, 16>, scalar_prefetch = 0 : i64, scratch_operands = 2 : i64, tpu.core_type = #tpu.core_type<tc>, window_params = [{transform_indices = @transform_0, window_bounds = array<i64: 1, 256, 64>}, {transform_indices = @transform_1, window_bounds = array<i64: 1, 4096, 64>}, {transform_indices = @transform_2, window_bounds = array<i64: 1, 256, 1>}, {transform_indices = @transform_3, window_bounds = array<i64: 1, 1, 4096>}, {transform_indices = @transform_4, window_bounds = array<i64: 1, 256, 24>}]} {
    %get3A = arith.constant 0 : index
    %get3A_0 = arith.constant 0 : index
    %get3A_1 = arith.constant 0 : index
    %get3A_2 = vector.load %arg2[%get3A, %get3A_0, %get3A_1] : memref<1x256x64xf32, #tpu.memory_space<vmem>>, vector<1x256x64xf32>
    %get3A_3 = vector.shape_cast %get3A_2 : vector<1x256x64xf32> to vector<256x64xf32>
    %get3A_4 = arith.constant 0 : index
    %get3A_5 = arith.constant 0 : index
    %get3A_6 = arith.constant 0 : index
    %get3A_7 = vector.load %arg3[%get3A_4, %get3A_5, %get3A_6] : memref<1x4096x64xf32, #tpu.memory_space<vmem>>, vector<1x4096x64xf32>
    %get3A_8 = vector.shape_cast %get3A_7 : vector<1x4096x64xf32> to vector<4096x64xf32>
    %convert_element_type3A = arith.truncf %get3A_3 : vector<256x64xf32> to vector<256x64xbf16>
    %convert_element_type3A_9 = arith.truncf %get3A_8 : vector<4096x64xf32> to vector<4096x64xbf16>
    %dot_general3A = arith.constant dense<0.000000e+00> : vector<256x4096xf32>
    %dot_general3A_10 = tpu.matmul %convert_element_type3A, %convert_element_type3A_9, %dot_general3A {dimension_numbers = #tpu.dot_dimension_numbers<[1], [1], [0], [0], [0, 0, 1, 0], [], []>, transpose_lhs_hint = false} : vector<256x64xbf16>, vector<4096x64xbf16>, vector<256x4096xf32> -> vector<256x4096xf32>
    %get3A_11 = arith.constant 0 : index
    %get3A_12 = arith.constant 0 : index
    %get3A_13 = arith.constant 0 : index
    %get3A_14 = vector.load %arg4[%get3A_11, %get3A_12, %get3A_13] : memref<1x256x1xf32, #tpu.memory_space<vmem>>, vector<1x256x1xf32>
    %get3A_15 = vector.shape_cast %get3A_14 : vector<1x256x1xf32> to vector<256x1xf32>
    %get3A_16 = arith.constant 0 : index
    %get3A_17 = arith.constant 0 : index
    %get3A_18 = arith.constant 0 : index
    %get3A_19 = vector.load %arg5[%get3A_16, %get3A_17, %get3A_18] : memref<1x1x4096xf32, #tpu.memory_space<vmem>>, vector<1x1x4096xf32>
    %get3A_20 = vector.shape_cast %get3A_19 : vector<1x1x4096xf32> to vector<1x4096xf32>
    %mul3A = arith.constant 2.000000e+00 : f32
    %mul3A_21 = vector.broadcast %mul3A : f32 to vector<256x4096xf32>
    %mul3A_22 = arith.mulf %mul3A_21, %dot_general3A_10 : vector<256x4096xf32>
    %sub3A = vector.broadcast %get3A_15 : vector<256x1xf32> to vector<256x4096xf32>
    %sub3A_23 = arith.subf %sub3A, %mul3A_22 : vector<256x4096xf32>
    %add3A = vector.broadcast %get3A_20 : vector<1x4096xf32> to vector<256x4096xf32>
    %add3A_24 = arith.addf %sub3A_23, %add3A : vector<256x4096xf32>
    %swap3A = arith.constant 0 : index
    %swap3A_25 = arith.constant 0 : index
    %swap3A_26 = vector.load %arg7[%swap3A, %swap3A_25] : memref<256x4096xf32, #tpu.memory_space<vmem>>, vector<256x4096xf32>
    tpu.vector_store %arg7[%swap3A, %swap3A_25], %add3A_24 {strides = array<i32>} : memref<256x4096xf32, #tpu.memory_space<vmem>>, vector<256x4096xf32>,
    %iota3A = tpu.iota {dimensions = array<i32: 1>} : vector<256x4096xi32>
    %iota3A_27 = tpu.iota {dimensions = array<i32: 1>} : vector<256x32xi32>
    %scan3A = arith.constant 0 : i32
    %get3A_28 = arith.constant 0 : index
    %get3A_29 = arith.constant 0 : index
    %get3A_30 = vector.load %arg7[%get3A_28, %get3A_29] : memref<256x4096xf32, #tpu.memory_space<vmem>>, vector<256x4096xf32>
    %reduce_min3A = arith.constant dense<0x7F800000> : vector<256xf32>
    %reduce_min3A_31 = vector.multi_reduction <minimumf>, %get3A_30, %reduce_min3A [1] : vector<256x4096xf32> to vector<256xf32>
    %broadcast_in_dim3A = vector.shape_cast %reduce_min3A_31 : vector<256xf32> to vector<256x1xf32>
    %eq3A = vector.broadcast %broadcast_in_dim3A : vector<256x1xf32> to vector<256x4096xf32>
    %eq3A_32 = arith.cmpf oeq, %get3A_30, %eq3A : vector<256x4096xf32>
    %jit3A = arith.constant 4096 : i32
    %broadcast_in_dim3A_33 = vector.broadcast %jit3A : i32 to vector<256x4096xi32>
    %select_n3A = arith.select %eq3A_32, %iota3A, %broadcast_in_dim3A_33 : vector<256x4096xi1>, vector<256x4096xi32>
    %reduce_min3A_34 = arith.constant dense<2147483647> : vector<256xi32>
    %reduce_min3A_35 = vector.multi_reduction <minsi>, %select_n3A, %reduce_min3A_34 [1] : vector<256x4096xi32> to vector<256xi32>
    %broadcast_in_dim3A_36 = vector.shape_cast %reduce_min3A_35 : vector<256xi32> to vector<256x1xi32>
    %eq3A_37 = vector.broadcast %scan3A : i32 to vector<256x32xi32>
    %eq3A_38 = arith.cmpi eq, %iota3A_27, %eq3A_37 : vector<256x32xi32>
    %get3A_39 = arith.constant 0 : index
    %get3A_40 = arith.constant 0 : index
    %get3A_41 = vector.load %arg8[%get3A_39, %get3A_40] : memref<256x32xi32, #tpu.memory_space<vmem>>, vector<256x32xi32>
    %broadcast_in_dim3A_42 = vector.shape_cast %broadcast_in_dim3A_36 : vector<256x1xi32> to vector<256x1xi32>
    %broadcast_in_dim3A_43 = vector.broadcast %broadcast_in_dim3A_42 : vector<256x1xi32> to vector<256x32xi32>
    %select_n3A_44 = arith.select %eq3A_38, %broadcast_in_dim3A_43, %get3A_41 : vector<256x32xi1>, vector<256x32xi32>
    %swap3A_45 = arith.constant 0 : index
    %swap3A_46 = arith.constant 0 : index
    %swap3A_47 = vector.load %arg8[%swap3A_45, %swap3A_46] : memref<256x32xi32, #tpu.memory_space<vmem>>, vector<256x32xi32>
    tpu.vector_store %arg8[%swap3A_45, %swap3A_46], %select_n3A_44 {strides = array<i32>} : memref<256x32xi32, #tpu.memory_space<vmem>>, vector<256x32xi32>,
    %eq3A_48 = vector.broadcast %broadcast_in_dim3A_36 : vector<256x1xi32> to vector<256x4096xi32>
    %eq3A_49 = arith.cmpi eq, %iota3A, %eq3A_48 : vector<256x4096xi32>
    %jit3A_50 = arith.constant 0x7F800000 : f32
    %broadcast_in_dim3A_51 = vector.broadcast %jit3A_50 : f32 to vector<256x4096xf32>
    %select_n3A_52 = arith.select %eq3A_49, %broadcast_in_dim3A_51, %get3A_30 : vector<256x4096xi1>, vector<256x4096xf32>
    %swap3A_53 = arith.constant 0 : index
    %swap3A_54 = arith.constant 0 : index
    %swap3A_55 = vector.load %arg7[%swap3A_53, %swap3A_54] : memref<256x4096xf32, #tpu.memory_space<vmem>>, vector<256x4096xf32>
    tpu.vector_store %arg7[%swap3A_53, %swap3A_54], %select_n3A_52 {strides = array<i32>} : memref<256x4096xf32, #tpu.memory_space<vmem>>, vector<256x4096xf32>,
    %scan3A_56 = arith.constant 1 : i32
    %get3A_57 = arith.constant 0 : index
    %get3A_58 = arith.constant 0 : index
    %get3A_59 = vector.load %arg7[%get3A_57, %get3A_58] : memref<256x4096xf32, #tpu.memory_space<vmem>>, vector<256x4096xf32>
    %reduce_min3A_60 = arith.constant dense<0x7F800000> : vector<256xf32>
    %reduce_min3A_61 = vector.multi_reduction <minimumf>, %get3A_59, %reduce_min3A_60 [1] : vector<256x4096xf32> to vector<256xf32>
    %broadcast_in_dim3A_62 = vector.shape_cast %reduce_min3A_61 : vector<256xf32> to vector<256x1xf32>
    %eq3A_63 = vector.broadcast %broadcast_in_dim3A_62 : vector<256x1xf32> to vector<256x4096xf32>
    %eq3A_64 = arith.cmpf oeq, %get3A_59, %eq3A_63 : vector<256x4096xf32>
    %jit3A_65 = arith.constant 4096 : i32
    %broadcast_in_dim3A_66 = vector.broadcast %jit3A_65 : i32 to vector<256x4096xi32>
    %select_n3A_67 = arith.select %eq3A_64, %iota3A, %broadcast_in_dim3A_66 : vector<256x4096xi1>, vector<256x4096xi32>
    %reduce_min3A_68 = arith.constant dense<2147483647> : vector<256xi32>
    %reduce_min3A_69 = vector.multi_reduction <minsi>, %select_n3A_67, %reduce_min3A_68 [1] : vector<256x4096xi32> to vector<256xi32>
    %broadcast_in_dim3A_70 = vector.shape_cast %reduce_min3A_69 : vector<256xi32> to vector<256x1xi32>
    %eq3A_71 = vector.broadcast %scan3A_56 : i32 to vector<256x32xi32>
    %eq3A_72 = arith.cmpi eq, %iota3A_27, %eq3A_71 : vector<256x32xi32>
    %get3A_73 = arith.constant 0 : index
    %get3A_74 = arith.constant 0 : index
    %get3A_75 = vector.load %arg8[%get3A_73, %get3A_74] : memref<256x32xi32, #tpu.memory_space<vmem>>, vector<256x32xi32>
    %broadcast_in_dim3A_76 = vector.shape_cast %broadcast_in_dim3A_70 : vector<256x1xi32> to vector<256x1xi32>
    %broadcast_in_dim3A_77 = vector.broadcast %broadcast_in_dim3A_76 : vector<256x1xi32> to vector<256x32xi32>
    %select_n3A_78 = arith.select %eq3A_72, %broadcast_in_dim3A_77, %get3A_75 : vector<256x32xi1>, vector<256x32xi32>
    %swap3A_79 = arith.constant 0 : index
    %swap3A_80 = arith.constant 0 : index
    %swap3A_81 = vector.load %arg8[%swap3A_79, %swap3A_80] : memref<256x32xi32, #tpu.memory_space<vmem>>, vector<256x32xi32>
    tpu.vector_store %arg8[%swap3A_79, %swap3A_80], %select_n3A_78 {strides = array<i32>} : memref<256x32xi32, #tpu.memory_space<vmem>>, vector<256x32xi32>,
    %eq3A_82 = vector.broadcast %broadcast_in_dim3A_70 : vector<256x1xi32> to vector<256x4096xi32>
    %eq3A_83 = arith.cmpi eq, %iota3A, %eq3A_82 : vector<256x4096xi32>
    %jit3A_84 = arith.constant 0x7F800000 : f32
    %broadcast_in_dim3A_85 = vector.broadcast %jit3A_84 : f32 to vector<256x4096xf32>
    %select_n3A_86 = arith.select %eq3A_83, %broadcast_in_dim3A_85, %get3A_59 : vector<256x4096xi1>, vector<256x4096xf32>
    %swap3A_87 = arith.constant 0 : index
    %swap3A_88 = arith.constant 0 : index
    %swap3A_89 = vector.load %arg7[%swap3A_87, %swap3A_88] : memref<256x4096xf32, #tpu.memory_space<vmem>>, vector<256x4096xf32>
    tpu.vector_store %arg7[%swap3A_87, %swap3A_88], %select_n3A_86 {strides = array<i32>} : memref<256x4096xf32, #tpu.memory_space<vmem>>, vector<256x4096xf32>,
    %scan3A_90 = arith.constant 2 : i32
    %get3A_91 = arith.constant 0 : index
    %get3A_92 = arith.constant 0 : index
    %get3A_93 = vector.load %arg7[%get3A_91, %get3A_92] : memref<256x4096xf32, #tpu.memory_space<vmem>>, vector<256x4096xf32>
    %reduce_min3A_94 = arith.constant dense<0x7F800000> : vector<256xf32>
    %reduce_min3A_95 = vector.multi_reduction <minimumf>, %get3A_93, %reduce_min3A_94 [1] : vector<256x4096xf32> to vector<256xf32>
    %broadcast_in_dim3A_96 = vector.shape_cast %reduce_min3A_95 : vector<256xf32> to vector<256x1xf32>
    %eq3A_97 = vector.broadcast %broadcast_in_dim3A_96 : vector<256x1xf32> to vector<256x4096xf32>
    %eq3A_98 = arith.cmpf oeq, %get3A_93, %eq3A_97 : vector<256x4096xf32>
    %jit3A_99 = arith.constant 4096 : i32
    %broadcast_in_dim3A_100 = vector.broadcast %jit3A_99 : i32 to vector<256x4096xi32>
    %select_n3A_101 = arith.select %eq3A_98, %iota3A, %broadcast_in_dim3A_100 : vector<256x4096xi1>, vector<256x4096xi32>
    %reduce_min3A_102 = arith.constant dense<2147483647> : vector<256xi32>
    %reduce_min3A_103 = vector.multi_reduction <minsi>, %select_n3A_101, %reduce_min3A_102 [1] : vector<256x4096xi32> to vector<256xi32>
    %broadcast_in_dim3A_104 = vector.shape_cast %reduce_min3A_103 : vector<256xi32> to vector<256x1xi32>
    %eq3A_105 = vector.broadcast %scan3A_90 : i32 to vector<256x32xi32>
    %eq3A_106 = arith.cmpi eq, %iota3A_27, %eq3A_105 : vector<256x32xi32>
    %get3A_107 = arith.constant 0 : index
    %get3A_108 = arith.constant 0 : index
    %get3A_109 = vector.load %arg8[%get3A_107, %get3A_108] : memref<256x32xi32, #tpu.memory_space<vmem>>, vector<256x32xi32>
    %broadcast_in_dim3A_110 = vector.shape_cast %broadcast_in_dim3A_104 : vector<256x1xi32> to vector<256x1xi32>
    %broadcast_in_dim3A_111 = vector.broadcast %broadcast_in_dim3A_110 : vector<256x1xi32> to vector<256x32xi32>
    %select_n3A_112 = arith.select %eq3A_106, %broadcast_in_dim3A_111, %get3A_109 : vector<256x32xi1>, vector<256x32xi32>
    %swap3A_113 = arith.constant 0 : index
    %swap3A_114 = arith.constant 0 : index
    %swap3A_115 = vector.load %arg8[%swap3A_113, %swap3A_114] : memref<256x32xi32, #tpu.memory_space<vmem>>, vector<256x32xi32>
    tpu.vector_store %arg8[%swap3A_113, %swap3A_114], %select_n3A_112 {strides = array<i32>} : memref<256x32xi32, #tpu.memory_space<vmem>>, vector<256x32xi32>,
    %eq3A_116 = vector.broadcast %broadcast_in_dim3A_104 : vector<256x1xi32> to vector<256x4096xi32>
    %eq3A_117 = arith.cmpi eq, %iota3A, %eq3A_116 : vector<256x4096xi32>
    %jit3A_118 = arith.constant 0x7F800000 : f32
    %broadcast_in_dim3A_119 = vector.broadcast %jit3A_118 : f32 to vector<256x4096xf32>
    %select_n3A_120 = arith.select %eq3A_117, %broadcast_in_dim3A_119, %get3A_93 : vector<256x4096xi1>, vector<256x4096xf32>
    %swap3A_121 = arith.constant 0 : index
    %swap3A_122 = arith.constant 0 : index
    %swap3A_123 = vector.load %arg7[%swap3A_121, %swap3A_122] : memref<256x4096xf32, #tpu.memory_space<vmem>>, vector<256x4096xf32>
    tpu.vector_store %arg7[%swap3A_121, %swap3A_122], %select_n3A_120 {strides = array<i32>} : memref<256x4096xf32, #tpu.memory_space<vmem>>, vector<256x4096xf32>,
    %scan3A_124 = arith.constant 3 : i32
    %get3A_125 = arith.constant 0 : index
    %get3A_126 = arith.constant 0 : index
    %get3A_127 = vector.load %arg7[%get3A_125, %get3A_126] : memref<256x4096xf32, #tpu.memory_space<vmem>>, vector<256x4096xf32>
    %reduce_min3A_128 = arith.constant dense<0x7F800000> : vector<256xf32>
    %reduce_min3A_129 = vector.multi_reduction <minimumf>, %get3A_127, %reduce_min3A_128 [1] : vector<256x4096xf32> to vector<256xf32>
    %broadcast_in_dim3A_130 = vector.shape_cast %reduce_min3A_129 : vector<256xf32> to vector<256x1xf32>
    %eq3A_131 = vector.broadcast %broadcast_in_dim3A_130 : vector<256x1xf32> to vector<256x4096xf32>
    %eq3A_132 = arith.cmpf oeq, %get3A_127, %eq3A_131 : vector<256x4096xf32>
    %jit3A_133 = arith.constant 4096 : i32
    %broadcast_in_dim3A_134 = vector.broadcast %jit3A_133 : i32 to vector<256x4096xi32>
    %select_n3A_135 = arith.select %eq3A_132, %iota3A, %broadcast_in_dim3A_134 : vector<256x4096xi1>, vector<256x4096xi32>
    %reduce_min3A_136 = arith.constant dense<2147483647> : vector<256xi32>
    %reduce_min3A_137 = vector.multi_reduction <minsi>, %select_n3A_135, %reduce_min3A_136 [1] : vector<256x4096xi32> to vector<256xi32>
    %broadcast_in_dim3A_138 = vector.shape_cast %reduce_min3A_137 : vector<256xi32> to vector<256x1xi32>
    %eq3A_139 = vector.broadcast %scan3A_124 : i32 to vector<256x32xi32>
    %eq3A_140 = arith.cmpi eq, %iota3A_27, %eq3A_139 : vector<256x32xi32>
    %get3A_141 = arith.constant 0 : index
    %get3A_142 = arith.constant 0 : index
    %get3A_143 = vector.load %arg8[%get3A_141, %get3A_142] : memref<256x32xi32, #tpu.memory_space<vmem>>, vector<256x32xi32>
    %broadcast_in_dim3A_144 = vector.shape_cast %broadcast_in_dim3A_138 : vector<256x1xi32> to vector<256x1xi32>
    %broadcast_in_dim3A_145 = vector.broadcast %broadcast_in_dim3A_144 : vector<256x1xi32> to vector<256x32xi32>
    %select_n3A_146 = arith.select %eq3A_140, %broadcast_in_dim3A_145, %get3A_143 : vector<256x32xi1>, vector<256x32xi32>
    %swap3A_147 = arith.constant 0 : index
    %swap3A_148 = arith.constant 0 : index
    %swap3A_149 = vector.load %arg8[%swap3A_147, %swap3A_148] : memref<256x32xi32, #tpu.memory_space<vmem>>, vector<256x32xi32>
    tpu.vector_store %arg8[%swap3A_147, %swap3A_148], %select_n3A_146 {strides = array<i32>} : memref<256x32xi32, #tpu.memory_space<vmem>>, vector<256x32xi32>,
    %eq3A_150 = vector.broadcast %broadcast_in_dim3A_138 : vector<256x1xi32> to vector<256x4096xi32>
    %eq3A_151 = arith.cmpi eq, %iota3A, %eq3A_150 : vector<256x4096xi32>
    %jit3A_152 = arith.constant 0x7F800000 : f32
    %broadcast_in_dim3A_153 = vector.broadcast %jit3A_152 : f32 to vector<256x4096xf32>
    %select_n3A_154 = arith.select %eq3A_151, %broadcast_in_dim3A_153, %get3A_127 : vector<256x4096xi1>, vector<256x4096xf32>
    %swap3A_155 = arith.constant 0 : index
    %swap3A_156 = arith.constant 0 : index
    %swap3A_157 = vector.load %arg7[%swap3A_155, %swap3A_156] : memref<256x4096xf32, #tpu.memory_space<vmem>>, vector<256x4096xf32>
    tpu.vector_store %arg7[%swap3A_155, %swap3A_156], %select_n3A_154 {strides = array<i32>} : memref<256x4096xf32, #tpu.memory_space<vmem>>, vector<256x4096xf32>,
    %scan3A_158 = arith.constant 4 : i32
    %get3A_159 = arith.constant 0 : index
    %get3A_160 = arith.constant 0 : index
    %get3A_161 = vector.load %arg7[%get3A_159, %get3A_160] : memref<256x4096xf32, #tpu.memory_space<vmem>>, vector<256x4096xf32>
    %reduce_min3A_162 = arith.constant dense<0x7F800000> : vector<256xf32>
    %reduce_min3A_163 = vector.multi_reduction <minimumf>, %get3A_161, %reduce_min3A_162 [1] : vector<256x4096xf32> to vector<256xf32>
    %broadcast_in_dim3A_164 = vector.shape_cast %reduce_min3A_163 : vector<256xf32> to vector<256x1xf32>
    %eq3A_165 = vector.broadcast %broadcast_in_dim3A_164 : vector<256x1xf32> to vector<256x4096xf32>
    %eq3A_166 = arith.cmpf oeq, %get3A_161, %eq3A_165 : vector<256x4096xf32>
    %jit3A_167 = arith.constant 4096 : i32
    %broadcast_in_dim3A_168 = vector.broadcast %jit3A_167 : i32 to vector<256x4096xi32>
    %select_n3A_169 = arith.select %eq3A_166, %iota3A, %broadcast_in_dim3A_168 : vector<256x4096xi1>, vector<256x4096xi32>
    %reduce_min3A_170 = arith.constant dense<2147483647> : vector<256xi32>
    %reduce_min3A_171 = vector.multi_reduction <minsi>, %select_n3A_169, %reduce_min3A_170 [1] : vector<256x4096xi32> to vector<256xi32>
    %broadcast_in_dim3A_172 = vector.shape_cast %reduce_min3A_171 : vector<256xi32> to vector<256x1xi32>
    %eq3A_173 = vector.broadcast %scan3A_158 : i32 to vector<256x32xi32>
    %eq3A_174 = arith.cmpi eq, %iota3A_27, %eq3A_173 : vector<256x32xi32>
    %get3A_175 = arith.constant 0 : index
    %get3A_176 = arith.constant 0 : index
    %get3A_177 = vector.load %arg8[%get3A_175, %get3A_176] : memref<256x32xi32, #tpu.memory_space<vmem>>, vector<256x32xi32>
    %broadcast_in_dim3A_178 = vector.shape_cast %broadcast_in_dim3A_172 : vector<256x1xi32> to vector<256x1xi32>
    %broadcast_in_dim3A_179 = vector.broadcast %broadcast_in_dim3A_178 : vector<256x1xi32> to vector<256x32xi32>
    %select_n3A_180 = arith.select %eq3A_174, %broadcast_in_dim3A_179, %get3A_177 : vector<256x32xi1>, vector<256x32xi32>
    %swap3A_181 = arith.constant 0 : index
    %swap3A_182 = arith.constant 0 : index
    %swap3A_183 = vector.load %arg8[%swap3A_181, %swap3A_182] : memref<256x32xi32, #tpu.memory_space<vmem>>, vector<256x32xi32>
    tpu.vector_store %arg8[%swap3A_181, %swap3A_182], %select_n3A_180 {strides = array<i32>} : memref<256x32xi32, #tpu.memory_space<vmem>>, vector<256x32xi32>,
    %eq3A_184 = vector.broadcast %broadcast_in_dim3A_172 : vector<256x1xi32> to vector<256x4096xi32>
    %eq3A_185 = arith.cmpi eq, %iota3A, %eq3A_184 : vector<256x4096xi32>
    %jit3A_186 = arith.constant 0x7F800000 : f32
    %broadcast_in_dim3A_187 = vector.broadcast %jit3A_186 : f32 to vector<256x4096xf32>
    %select_n3A_188 = arith.select %eq3A_185, %broadcast_in_dim3A_187, %get3A_161 : vector<256x4096xi1>, vector<256x4096xf32>
    %swap3A_189 = arith.constant 0 : index
    %swap3A_190 = arith.constant 0 : index
    %swap3A_191 = vector.load %arg7[%swap3A_189, %swap3A_190] : memref<256x4096xf32, #tpu.memory_space<vmem>>, vector<256x4096xf32>
    tpu.vector_store %arg7[%swap3A_189, %swap3A_190], %select_n3A_188 {strides = array<i32>} : memref<256x4096xf32, #tpu.memory_space<vmem>>, vector<256x4096xf32>,
    %scan3A_192 = arith.constant 5 : i32
    %get3A_193 = arith.constant 0 : index
    %get3A_194 = arith.constant 0 : index
    %get3A_195 = vector.load %arg7[%get3A_193, %get3A_194] : memref<256x4096xf32, #tpu.memory_space<vmem>>, vector<256x4096xf32>
    %reduce_min3A_196 = arith.constant dense<0x7F800000> : vector<256xf32>
    %reduce_min3A_197 = vector.multi_reduction <minimumf>, %get3A_195, %reduce_min3A_196 [1] : vector<256x4096xf32> to vector<256xf32>
    %broadcast_in_dim3A_198 = vector.shape_cast %reduce_min3A_197 : vector<256xf32> to vector<256x1xf32>
    %eq3A_199 = vector.broadcast %broadcast_in_dim3A_198 : vector<256x1xf32> to vector<256x4096xf32>
    %eq3A_200 = arith.cmpf oeq, %get3A_195, %eq3A_199 : vector<256x4096xf32>
    %jit3A_201 = arith.constant 4096 : i32
    %broadcast_in_dim3A_202 = vector.broadcast %jit3A_201 : i32 to vector<256x4096xi32>
    %select_n3A_203 = arith.select %eq3A_200, %iota3A, %broadcast_in_dim3A_202 : vector<256x4096xi1>, vector<256x4096xi32>
    %reduce_min3A_204 = arith.constant dense<2147483647> : vector<256xi32>
    %reduce_min3A_205 = vector.multi_reduction <minsi>, %select_n3A_203, %reduce_min3A_204 [1] : vector<256x4096xi32> to vector<256xi32>
    %broadcast_in_dim3A_206 = vector.shape_cast %reduce_min3A_205 : vector<256xi32> to vector<256x1xi32>
    %eq3A_207 = vector.broadcast %scan3A_192 : i32 to vector<256x32xi32>
    %eq3A_208 = arith.cmpi eq, %iota3A_27, %eq3A_207 : vector<256x32xi32>
    %get3A_209 = arith.constant 0 : index
    %get3A_210 = arith.constant 0 : index
    %get3A_211 = vector.load %arg8[%get3A_209, %get3A_210] : memref<256x32xi32, #tpu.memory_space<vmem>>, vector<256x32xi32>
    %broadcast_in_dim3A_212 = vector.shape_cast %broadcast_in_dim3A_206 : vector<256x1xi32> to vector<256x1xi32>
    %broadcast_in_dim3A_213 = vector.broadcast %broadcast_in_dim3A_212 : vector<256x1xi32> to vector<256x32xi32>
    %select_n3A_214 = arith.select %eq3A_208, %broadcast_in_dim3A_213, %get3A_211 : vector<256x32xi1>, vector<256x32xi32>
    %swap3A_215 = arith.constant 0 : index
    %swap3A_216 = arith.constant 0 : index
    %swap3A_217 = vector.load %arg8[%swap3A_215, %swap3A_216] : memref<256x32xi32, #tpu.memory_space<vmem>>, vector<256x32xi32>
    tpu.vector_store %arg8[%swap3A_215, %swap3A_216], %select_n3A_214 {strides = array<i32>} : memref<256x32xi32, #tpu.memory_space<vmem>>, vector<256x32xi32>,
    %eq3A_218 = vector.broadcast %broadcast_in_dim3A_206 : vector<256x1xi32> to vector<256x4096xi32>
    %eq3A_219 = arith.cmpi eq, %iota3A, %eq3A_218 : vector<256x4096xi32>
    %jit3A_220 = arith.constant 0x7F800000 : f32
    %broadcast_in_dim3A_221 = vector.broadcast %jit3A_220 : f32 to vector<256x4096xf32>
    %select_n3A_222 = arith.select %eq3A_219, %broadcast_in_dim3A_221, %get3A_195 : vector<256x4096xi1>, vector<256x4096xf32>
    %swap3A_223 = arith.constant 0 : index
    %swap3A_224 = arith.constant 0 : index
    %swap3A_225 = vector.load %arg7[%swap3A_223, %swap3A_224] : memref<256x4096xf32, #tpu.memory_space<vmem>>, vector<256x4096xf32>
    tpu.vector_store %arg7[%swap3A_223, %swap3A_224], %select_n3A_222 {strides = array<i32>} : memref<256x4096xf32, #tpu.memory_space<vmem>>, vector<256x4096xf32>,
    %scan3A_226 = arith.constant 6 : i32
    %get3A_227 = arith.constant 0 : index
    %get3A_228 = arith.constant 0 : index
    %get3A_229 = vector.load %arg7[%get3A_227, %get3A_228] : memref<256x4096xf32, #tpu.memory_space<vmem>>, vector<256x4096xf32>
    %reduce_min3A_230 = arith.constant dense<0x7F800000> : vector<256xf32>
    %reduce_min3A_231 = vector.multi_reduction <minimumf>, %get3A_229, %reduce_min3A_230 [1] : vector<256x4096xf32> to vector<256xf32>
    %broadcast_in_dim3A_232 = vector.shape_cast %reduce_min3A_231 : vector<256xf32> to vector<256x1xf32>
    %eq3A_233 = vector.broadcast %broadcast_in_dim3A_232 : vector<256x1xf32> to vector<256x4096xf32>
    %eq3A_234 = arith.cmpf oeq, %get3A_229, %eq3A_233 : vector<256x4096xf32>
    %jit3A_235 = arith.constant 4096 : i32
    %broadcast_in_dim3A_236 = vector.broadcast %jit3A_235 : i32 to vector<256x4096xi32>
    %select_n3A_237 = arith.select %eq3A_234, %iota3A, %broadcast_in_dim3A_236 : vector<256x4096xi1>, vector<256x4096xi32>
    %reduce_min3A_238 = arith.constant dense<2147483647> : vector<256xi32>
    %reduce_min3A_239 = vector.multi_reduction <minsi>, %select_n3A_237, %reduce_min3A_238 [1] : vector<256x4096xi32> to vector<256xi32>
    %broadcast_in_dim3A_240 = vector.shape_cast %reduce_min3A_239 : vector<256xi32> to vector<256x1xi32>
    %eq3A_241 = vector.broadcast %scan3A_226 : i32 to vector<256x32xi32>
    %eq3A_242 = arith.cmpi eq, %iota3A_27, %eq3A_241 : vector<256x32xi32>
    %get3A_243 = arith.constant 0 : index
    %get3A_244 = arith.constant 0 : index
    %get3A_245 = vector.load %arg8[%get3A_243, %get3A_244] : memref<256x32xi32, #tpu.memory_space<vmem>>, vector<256x32xi32>
    %broadcast_in_dim3A_246 = vector.shape_cast %broadcast_in_dim3A_240 : vector<256x1xi32> to vector<256x1xi32>
    %broadcast_in_dim3A_247 = vector.broadcast %broadcast_in_dim3A_246 : vector<256x1xi32> to vector<256x32xi32>
    %select_n3A_248 = arith.select %eq3A_242, %broadcast_in_dim3A_247, %get3A_245 : vector<256x32xi1>, vector<256x32xi32>
    %swap3A_249 = arith.constant 0 : index
    %swap3A_250 = arith.constant 0 : index
    %swap3A_251 = vector.load %arg8[%swap3A_249, %swap3A_250] : memref<256x32xi32, #tpu.memory_space<vmem>>, vector<256x32xi32>
    tpu.vector_store %arg8[%swap3A_249, %swap3A_250], %select_n3A_248 {strides = array<i32>} : memref<256x32xi32, #tpu.memory_space<vmem>>, vector<256x32xi32>,
    %eq3A_252 = vector.broadcast %broadcast_in_dim3A_240 : vector<256x1xi32> to vector<256x4096xi32>
    %eq3A_253 = arith.cmpi eq, %iota3A, %eq3A_252 : vector<256x4096xi32>
    %jit3A_254 = arith.constant 0x7F800000 : f32
    %broadcast_in_dim3A_255 = vector.broadcast %jit3A_254 : f32 to vector<256x4096xf32>
    %select_n3A_256 = arith.select %eq3A_253, %broadcast_in_dim3A_255, %get3A_229 : vector<256x4096xi1>, vector<256x4096xf32>
    %swap3A_257 = arith.constant 0 : index
    %swap3A_258 = arith.constant 0 : index
    %swap3A_259 = vector.load %arg7[%swap3A_257, %swap3A_258] : memref<256x4096xf32, #tpu.memory_space<vmem>>, vector<256x4096xf32>
    tpu.vector_store %arg7[%swap3A_257, %swap3A_258], %select_n3A_256 {strides = array<i32>} : memref<256x4096xf32, #tpu.memory_space<vmem>>, vector<256x4096xf32>,
    %scan3A_260 = arith.constant 7 : i32
    %get3A_261 = arith.constant 0 : index
    %get3A_262 = arith.constant 0 : index
    %get3A_263 = vector.load %arg7[%get3A_261, %get3A_262] : memref<256x4096xf32, #tpu.memory_space<vmem>>, vector<256x4096xf32>
    %reduce_min3A_264 = arith.constant dense<0x7F800000> : vector<256xf32>
    %reduce_min3A_265 = vector.multi_reduction <minimumf>, %get3A_263, %reduce_min3A_264 [1] : vector<256x4096xf32> to vector<256xf32>
    %broadcast_in_dim3A_266 = vector.shape_cast %reduce_min3A_265 : vector<256xf32> to vector<256x1xf32>
    %eq3A_267 = vector.broadcast %broadcast_in_dim3A_266 : vector<256x1xf32> to vector<256x4096xf32>
    %eq3A_268 = arith.cmpf oeq, %get3A_263, %eq3A_267 : vector<256x4096xf32>
    %jit3A_269 = arith.constant 4096 : i32
    %broadcast_in_dim3A_270 = vector.broadcast %jit3A_269 : i32 to vector<256x4096xi32>
    %select_n3A_271 = arith.select %eq3A_268, %iota3A, %broadcast_in_dim3A_270 : vector<256x4096xi1>, vector<256x4096xi32>
    %reduce_min3A_272 = arith.constant dense<2147483647> : vector<256xi32>
    %reduce_min3A_273 = vector.multi_reduction <minsi>, %select_n3A_271, %reduce_min3A_272 [1] : vector<256x4096xi32> to vector<256xi32>
    %broadcast_in_dim3A_274 = vector.shape_cast %reduce_min3A_273 : vector<256xi32> to vector<256x1xi32>
    %eq3A_275 = vector.broadcast %scan3A_260 : i32 to vector<256x32xi32>
    %eq3A_276 = arith.cmpi eq, %iota3A_27, %eq3A_275 : vector<256x32xi32>
    %get3A_277 = arith.constant 0 : index
    %get3A_278 = arith.constant 0 : index
    %get3A_279 = vector.load %arg8[%get3A_277, %get3A_278] : memref<256x32xi32, #tpu.memory_space<vmem>>, vector<256x32xi32>
    %broadcast_in_dim3A_280 = vector.shape_cast %broadcast_in_dim3A_274 : vector<256x1xi32> to vector<256x1xi32>
    %broadcast_in_dim3A_281 = vector.broadcast %broadcast_in_dim3A_280 : vector<256x1xi32> to vector<256x32xi32>
    %select_n3A_282 = arith.select %eq3A_276, %broadcast_in_dim3A_281, %get3A_279 : vector<256x32xi1>, vector<256x32xi32>
    %swap3A_283 = arith.constant 0 : index
    %swap3A_284 = arith.constant 0 : index
    %swap3A_285 = vector.load %arg8[%swap3A_283, %swap3A_284] : memref<256x32xi32, #tpu.memory_space<vmem>>, vector<256x32xi32>
    tpu.vector_store %arg8[%swap3A_283, %swap3A_284], %select_n3A_282 {strides = array<i32>} : memref<256x32xi32, #tpu.memory_space<vmem>>, vector<256x32xi32>,
    %eq3A_286 = vector.broadcast %broadcast_in_dim3A_274 : vector<256x1xi32> to vector<256x4096xi32>
    %eq3A_287 = arith.cmpi eq, %iota3A, %eq3A_286 : vector<256x4096xi32>
    %jit3A_288 = arith.constant 0x7F800000 : f32
    %broadcast_in_dim3A_289 = vector.broadcast %jit3A_288 : f32 to vector<256x4096xf32>
    %select_n3A_290 = arith.select %eq3A_287, %broadcast_in_dim3A_289, %get3A_263 : vector<256x4096xi1>, vector<256x4096xf32>
    %swap3A_291 = arith.constant 0 : index
    %swap3A_292 = arith.constant 0 : index
    %swap3A_293 = vector.load %arg7[%swap3A_291, %swap3A_292] : memref<256x4096xf32, #tpu.memory_space<vmem>>, vector<256x4096xf32>
    tpu.vector_store %arg7[%swap3A_291, %swap3A_292], %select_n3A_290 {strides = array<i32>} : memref<256x4096xf32, #tpu.memory_space<vmem>>, vector<256x4096xf32>,
    %scan3A_294 = arith.constant 8 : i32
    %get3A_295 = arith.constant 0 : index
    %get3A_296 = arith.constant 0 : index
    %get3A_297 = vector.load %arg7[%get3A_295, %get3A_296] : memref<256x4096xf32, #tpu.memory_space<vmem>>, vector<256x4096xf32>
    %reduce_min3A_298 = arith.constant dense<0x7F800000> : vector<256xf32>
    %reduce_min3A_299 = vector.multi_reduction <minimumf>, %get3A_297, %reduce_min3A_298 [1] : vector<256x4096xf32> to vector<256xf32>
    %broadcast_in_dim3A_300 = vector.shape_cast %reduce_min3A_299 : vector<256xf32> to vector<256x1xf32>
    %eq3A_301 = vector.broadcast %broadcast_in_dim3A_300 : vector<256x1xf32> to vector<256x4096xf32>
    %eq3A_302 = arith.cmpf oeq, %get3A_297, %eq3A_301 : vector<256x4096xf32>
    %jit3A_303 = arith.constant 4096 : i32
    %broadcast_in_dim3A_304 = vector.broadcast %jit3A_303 : i32 to vector<256x4096xi32>
    %select_n3A_305 = arith.select %eq3A_302, %iota3A, %broadcast_in_dim3A_304 : vector<256x4096xi1>, vector<256x4096xi32>
    %reduce_min3A_306 = arith.constant dense<2147483647> : vector<256xi32>
    %reduce_min3A_307 = vector.multi_reduction <minsi>, %select_n3A_305, %reduce_min3A_306 [1] : vector<256x4096xi32> to vector<256xi32>
    %broadcast_in_dim3A_308 = vector.shape_cast %reduce_min3A_307 : vector<256xi32> to vector<256x1xi32>
    %eq3A_309 = vector.broadcast %scan3A_294 : i32 to vector<256x32xi32>
    %eq3A_310 = arith.cmpi eq, %iota3A_27, %eq3A_309 : vector<256x32xi32>
    %get3A_311 = arith.constant 0 : index
    %get3A_312 = arith.constant 0 : index
    %get3A_313 = vector.load %arg8[%get3A_311, %get3A_312] : memref<256x32xi32, #tpu.memory_space<vmem>>, vector<256x32xi32>
    %broadcast_in_dim3A_314 = vector.shape_cast %broadcast_in_dim3A_308 : vector<256x1xi32> to vector<256x1xi32>
    %broadcast_in_dim3A_315 = vector.broadcast %broadcast_in_dim3A_314 : vector<256x1xi32> to vector<256x32xi32>
    %select_n3A_316 = arith.select %eq3A_310, %broadcast_in_dim3A_315, %get3A_313 : vector<256x32xi1>, vector<256x32xi32>
    %swap3A_317 = arith.constant 0 : index
    %swap3A_318 = arith.constant 0 : index
    %swap3A_319 = vector.load %arg8[%swap3A_317, %swap3A_318] : memref<256x32xi32, #tpu.memory_space<vmem>>, vector<256x32xi32>
    tpu.vector_store %arg8[%swap3A_317, %swap3A_318], %select_n3A_316 {strides = array<i32>} : memref<256x32xi32, #tpu.memory_space<vmem>>, vector<256x32xi32>,
    %eq3A_320 = vector.broadcast %broadcast_in_dim3A_308 : vector<256x1xi32> to vector<256x4096xi32>
    %eq3A_321 = arith.cmpi eq, %iota3A, %eq3A_320 : vector<256x4096xi32>
    %jit3A_322 = arith.constant 0x7F800000 : f32
    %broadcast_in_dim3A_323 = vector.broadcast %jit3A_322 : f32 to vector<256x4096xf32>
    %select_n3A_324 = arith.select %eq3A_321, %broadcast_in_dim3A_323, %get3A_297 : vector<256x4096xi1>, vector<256x4096xf32>
    %swap3A_325 = arith.constant 0 : index
    %swap3A_326 = arith.constant 0 : index
    %swap3A_327 = vector.load %arg7[%swap3A_325, %swap3A_326] : memref<256x4096xf32, #tpu.memory_space<vmem>>, vector<256x4096xf32>
    tpu.vector_store %arg7[%swap3A_325, %swap3A_326], %select_n3A_324 {strides = array<i32>} : memref<256x4096xf32, #tpu.memory_space<vmem>>, vector<256x4096xf32>,
    %scan3A_328 = arith.constant 9 : i32
    %get3A_329 = arith.constant 0 : index
    %get3A_330 = arith.constant 0 : index
    %get3A_331 = vector.load %arg7[%get3A_329, %get3A_330] : memref<256x4096xf32, #tpu.memory_space<vmem>>, vector<256x4096xf32>
    %reduce_min3A_332 = arith.constant dense<0x7F800000> : vector<256xf32>
    %reduce_min3A_333 = vector.multi_reduction <minimumf>, %get3A_331, %reduce_min3A_332 [1] : vector<256x4096xf32> to vector<256xf32>
    %broadcast_in_dim3A_334 = vector.shape_cast %reduce_min3A_333 : vector<256xf32> to vector<256x1xf32>
    %eq3A_335 = vector.broadcast %broadcast_in_dim3A_334 : vector<256x1xf32> to vector<256x4096xf32>
    %eq3A_336 = arith.cmpf oeq, %get3A_331, %eq3A_335 : vector<256x4096xf32>
    %jit3A_337 = arith.constant 4096 : i32
    %broadcast_in_dim3A_338 = vector.broadcast %jit3A_337 : i32 to vector<256x4096xi32>
    %select_n3A_339 = arith.select %eq3A_336, %iota3A, %broadcast_in_dim3A_338 : vector<256x4096xi1>, vector<256x4096xi32>
    %reduce_min3A_340 = arith.constant dense<2147483647> : vector<256xi32>
    %reduce_min3A_341 = vector.multi_reduction <minsi>, %select_n3A_339, %reduce_min3A_340 [1] : vector<256x4096xi32> to vector<256xi32>
    %broadcast_in_dim3A_342 = vector.shape_cast %reduce_min3A_341 : vector<256xi32> to vector<256x1xi32>
    %eq3A_343 = vector.broadcast %scan3A_328 : i32 to vector<256x32xi32>
    %eq3A_344 = arith.cmpi eq, %iota3A_27, %eq3A_343 : vector<256x32xi32>
    %get3A_345 = arith.constant 0 : index
    %get3A_346 = arith.constant 0 : index
    %get3A_347 = vector.load %arg8[%get3A_345, %get3A_346] : memref<256x32xi32, #tpu.memory_space<vmem>>, vector<256x32xi32>
    %broadcast_in_dim3A_348 = vector.shape_cast %broadcast_in_dim3A_342 : vector<256x1xi32> to vector<256x1xi32>
    %broadcast_in_dim3A_349 = vector.broadcast %broadcast_in_dim3A_348 : vector<256x1xi32> to vector<256x32xi32>
    %select_n3A_350 = arith.select %eq3A_344, %broadcast_in_dim3A_349, %get3A_347 : vector<256x32xi1>, vector<256x32xi32>
    %swap3A_351 = arith.constant 0 : index
    %swap3A_352 = arith.constant 0 : index
    %swap3A_353 = vector.load %arg8[%swap3A_351, %swap3A_352] : memref<256x32xi32, #tpu.memory_space<vmem>>, vector<256x32xi32>
    tpu.vector_store %arg8[%swap3A_351, %swap3A_352], %select_n3A_350 {strides = array<i32>} : memref<256x32xi32, #tpu.memory_space<vmem>>, vector<256x32xi32>,
    %eq3A_354 = vector.broadcast %broadcast_in_dim3A_342 : vector<256x1xi32> to vector<256x4096xi32>
    %eq3A_355 = arith.cmpi eq, %iota3A, %eq3A_354 : vector<256x4096xi32>
    %jit3A_356 = arith.constant 0x7F800000 : f32
    %broadcast_in_dim3A_357 = vector.broadcast %jit3A_356 : f32 to vector<256x4096xf32>
    %select_n3A_358 = arith.select %eq3A_355, %broadcast_in_dim3A_357, %get3A_331 : vector<256x4096xi1>, vector<256x4096xf32>
    %swap3A_359 = arith.constant 0 : index
    %swap3A_360 = arith.constant 0 : index
    %swap3A_361 = vector.load %arg7[%swap3A_359, %swap3A_360] : memref<256x4096xf32, #tpu.memory_space<vmem>>, vector<256x4096xf32>
    tpu.vector_store %arg7[%swap3A_359, %swap3A_360], %select_n3A_358 {strides = array<i32>} : memref<256x4096xf32, #tpu.memory_space<vmem>>, vector<256x4096xf32>,
    %scan3A_362 = arith.constant 10 : i32
    %get3A_363 = arith.constant 0 : index
    %get3A_364 = arith.constant 0 : index
    %get3A_365 = vector.load %arg7[%get3A_363, %get3A_364] : memref<256x4096xf32, #tpu.memory_space<vmem>>, vector<256x4096xf32>
    %reduce_min3A_366 = arith.constant dense<0x7F800000> : vector<256xf32>
    %reduce_min3A_367 = vector.multi_reduction <minimumf>, %get3A_365, %reduce_min3A_366 [1] : vector<256x4096xf32> to vector<256xf32>
    %broadcast_in_dim3A_368 = vector.shape_cast %reduce_min3A_367 : vector<256xf32> to vector<256x1xf32>
    %eq3A_369 = vector.broadcast %broadcast_in_dim3A_368 : vector<256x1xf32> to vector<256x4096xf32>
    %eq3A_370 = arith.cmpf oeq, %get3A_365, %eq3A_369 : vector<256x4096xf32>
    %jit3A_371 = arith.constant 4096 : i32
    %broadcast_in_dim3A_372 = vector.broadcast %jit3A_371 : i32 to vector<256x4096xi32>
    %select_n3A_373 = arith.select %eq3A_370, %iota3A, %broadcast_in_dim3A_372 : vector<256x4096xi1>, vector<256x4096xi32>
    %reduce_min3A_374 = arith.constant dense<2147483647> : vector<256xi32>
    %reduce_min3A_375 = vector.multi_reduction <minsi>, %select_n3A_373, %reduce_min3A_374 [1] : vector<256x4096xi32> to vector<256xi32>
    %broadcast_in_dim3A_376 = vector.shape_cast %reduce_min3A_375 : vector<256xi32> to vector<256x1xi32>
    %eq3A_377 = vector.broadcast %scan3A_362 : i32 to vector<256x32xi32>
    %eq3A_378 = arith.cmpi eq, %iota3A_27, %eq3A_377 : vector<256x32xi32>
    %get3A_379 = arith.constant 0 : index
    %get3A_380 = arith.constant 0 : index
    %get3A_381 = vector.load %arg8[%get3A_379, %get3A_380] : memref<256x32xi32, #tpu.memory_space<vmem>>, vector<256x32xi32>
    %broadcast_in_dim3A_382 = vector.shape_cast %broadcast_in_dim3A_376 : vector<256x1xi32> to vector<256x1xi32>
    %broadcast_in_dim3A_383 = vector.broadcast %broadcast_in_dim3A_382 : vector<256x1xi32> to vector<256x32xi32>
    %select_n3A_384 = arith.select %eq3A_378, %broadcast_in_dim3A_383, %get3A_381 : vector<256x32xi1>, vector<256x32xi32>
    %swap3A_385 = arith.constant 0 : index
    %swap3A_386 = arith.constant 0 : index
    %swap3A_387 = vector.load %arg8[%swap3A_385, %swap3A_386] : memref<256x32xi32, #tpu.memory_space<vmem>>, vector<256x32xi32>
    tpu.vector_store %arg8[%swap3A_385, %swap3A_386], %select_n3A_384 {strides = array<i32>} : memref<256x32xi32, #tpu.memory_space<vmem>>, vector<256x32xi32>,
    %eq3A_388 = vector.broadcast %broadcast_in_dim3A_376 : vector<256x1xi32> to vector<256x4096xi32>
    %eq3A_389 = arith.cmpi eq, %iota3A, %eq3A_388 : vector<256x4096xi32>
    %jit3A_390 = arith.constant 0x7F800000 : f32
    %broadcast_in_dim3A_391 = vector.broadcast %jit3A_390 : f32 to vector<256x4096xf32>
    %select_n3A_392 = arith.select %eq3A_389, %broadcast_in_dim3A_391, %get3A_365 : vector<256x4096xi1>, vector<256x4096xf32>
    %swap3A_393 = arith.constant 0 : index
    %swap3A_394 = arith.constant 0 : index
    %swap3A_395 = vector.load %arg7[%swap3A_393, %swap3A_394] : memref<256x4096xf32, #tpu.memory_space<vmem>>, vector<256x4096xf32>
    tpu.vector_store %arg7[%swap3A_393, %swap3A_394], %select_n3A_392 {strides = array<i32>} : memref<256x4096xf32, #tpu.memory_space<vmem>>, vector<256x4096xf32>,
    %scan3A_396 = arith.constant 11 : i32
    %get3A_397 = arith.constant 0 : index
    %get3A_398 = arith.constant 0 : index
    %get3A_399 = vector.load %arg7[%get3A_397, %get3A_398] : memref<256x4096xf32, #tpu.memory_space<vmem>>, vector<256x4096xf32>
    %reduce_min3A_400 = arith.constant dense<0x7F800000> : vector<256xf32>
    %reduce_min3A_401 = vector.multi_reduction <minimumf>, %get3A_399, %reduce_min3A_400 [1] : vector<256x4096xf32> to vector<256xf32>
    %broadcast_in_dim3A_402 = vector.shape_cast %reduce_min3A_401 : vector<256xf32> to vector<256x1xf32>
    %eq3A_403 = vector.broadcast %broadcast_in_dim3A_402 : vector<256x1xf32> to vector<256x4096xf32>
    %eq3A_404 = arith.cmpf oeq, %get3A_399, %eq3A_403 : vector<256x4096xf32>
    %jit3A_405 = arith.constant 4096 : i32
    %broadcast_in_dim3A_406 = vector.broadcast %jit3A_405 : i32 to vector<256x4096xi32>
    %select_n3A_407 = arith.select %eq3A_404, %iota3A, %broadcast_in_dim3A_406 : vector<256x4096xi1>, vector<256x4096xi32>
    %reduce_min3A_408 = arith.constant dense<2147483647> : vector<256xi32>
    %reduce_min3A_409 = vector.multi_reduction <minsi>, %select_n3A_407, %reduce_min3A_408 [1] : vector<256x4096xi32> to vector<256xi32>
    %broadcast_in_dim3A_410 = vector.shape_cast %reduce_min3A_409 : vector<256xi32> to vector<256x1xi32>
    %eq3A_411 = vector.broadcast %scan3A_396 : i32 to vector<256x32xi32>
    %eq3A_412 = arith.cmpi eq, %iota3A_27, %eq3A_411 : vector<256x32xi32>
    %get3A_413 = arith.constant 0 : index
    %get3A_414 = arith.constant 0 : index
    %get3A_415 = vector.load %arg8[%get3A_413, %get3A_414] : memref<256x32xi32, #tpu.memory_space<vmem>>, vector<256x32xi32>
    %broadcast_in_dim3A_416 = vector.shape_cast %broadcast_in_dim3A_410 : vector<256x1xi32> to vector<256x1xi32>
    %broadcast_in_dim3A_417 = vector.broadcast %broadcast_in_dim3A_416 : vector<256x1xi32> to vector<256x32xi32>
    %select_n3A_418 = arith.select %eq3A_412, %broadcast_in_dim3A_417, %get3A_415 : vector<256x32xi1>, vector<256x32xi32>
    %swap3A_419 = arith.constant 0 : index
    %swap3A_420 = arith.constant 0 : index
    %swap3A_421 = vector.load %arg8[%swap3A_419, %swap3A_420] : memref<256x32xi32, #tpu.memory_space<vmem>>, vector<256x32xi32>
    tpu.vector_store %arg8[%swap3A_419, %swap3A_420], %select_n3A_418 {strides = array<i32>} : memref<256x32xi32, #tpu.memory_space<vmem>>, vector<256x32xi32>,
    %eq3A_422 = vector.broadcast %broadcast_in_dim3A_410 : vector<256x1xi32> to vector<256x4096xi32>
    %eq3A_423 = arith.cmpi eq, %iota3A, %eq3A_422 : vector<256x4096xi32>
    %jit3A_424 = arith.constant 0x7F800000 : f32
    %broadcast_in_dim3A_425 = vector.broadcast %jit3A_424 : f32 to vector<256x4096xf32>
    %select_n3A_426 = arith.select %eq3A_423, %broadcast_in_dim3A_425, %get3A_399 : vector<256x4096xi1>, vector<256x4096xf32>
    %swap3A_427 = arith.constant 0 : index
    %swap3A_428 = arith.constant 0 : index
    %swap3A_429 = vector.load %arg7[%swap3A_427, %swap3A_428] : memref<256x4096xf32, #tpu.memory_space<vmem>>, vector<256x4096xf32>
    tpu.vector_store %arg7[%swap3A_427, %swap3A_428], %select_n3A_426 {strides = array<i32>} : memref<256x4096xf32, #tpu.memory_space<vmem>>, vector<256x4096xf32>,
    %scan3A_430 = arith.constant 12 : i32
    %get3A_431 = arith.constant 0 : index
    %get3A_432 = arith.constant 0 : index
    %get3A_433 = vector.load %arg7[%get3A_431, %get3A_432] : memref<256x4096xf32, #tpu.memory_space<vmem>>, vector<256x4096xf32>
    %reduce_min3A_434 = arith.constant dense<0x7F800000> : vector<256xf32>
    %reduce_min3A_435 = vector.multi_reduction <minimumf>, %get3A_433, %reduce_min3A_434 [1] : vector<256x4096xf32> to vector<256xf32>
    %broadcast_in_dim3A_436 = vector.shape_cast %reduce_min3A_435 : vector<256xf32> to vector<256x1xf32>
    %eq3A_437 = vector.broadcast %broadcast_in_dim3A_436 : vector<256x1xf32> to vector<256x4096xf32>
    %eq3A_438 = arith.cmpf oeq, %get3A_433, %eq3A_437 : vector<256x4096xf32>
    %jit3A_439 = arith.constant 4096 : i32
    %broadcast_in_dim3A_440 = vector.broadcast %jit3A_439 : i32 to vector<256x4096xi32>
    %select_n3A_441 = arith.select %eq3A_438, %iota3A, %broadcast_in_dim3A_440 : vector<256x4096xi1>, vector<256x4096xi32>
    %reduce_min3A_442 = arith.constant dense<2147483647> : vector<256xi32>
    %reduce_min3A_443 = vector.multi_reduction <minsi>, %select_n3A_441, %reduce_min3A_442 [1] : vector<256x4096xi32> to vector<256xi32>
    %broadcast_in_dim3A_444 = vector.shape_cast %reduce_min3A_443 : vector<256xi32> to vector<256x1xi32>
    %eq3A_445 = vector.broadcast %scan3A_430 : i32 to vector<256x32xi32>
    %eq3A_446 = arith.cmpi eq, %iota3A_27, %eq3A_445 : vector<256x32xi32>
    %get3A_447 = arith.constant 0 : index
    %get3A_448 = arith.constant 0 : index
    %get3A_449 = vector.load %arg8[%get3A_447, %get3A_448] : memref<256x32xi32, #tpu.memory_space<vmem>>, vector<256x32xi32>
    %broadcast_in_dim3A_450 = vector.shape_cast %broadcast_in_dim3A_444 : vector<256x1xi32> to vector<256x1xi32>
    %broadcast_in_dim3A_451 = vector.broadcast %broadcast_in_dim3A_450 : vector<256x1xi32> to vector<256x32xi32>
    %select_n3A_452 = arith.select %eq3A_446, %broadcast_in_dim3A_451, %get3A_449 : vector<256x32xi1>, vector<256x32xi32>
    %swap3A_453 = arith.constant 0 : index
    %swap3A_454 = arith.constant 0 : index
    %swap3A_455 = vector.load %arg8[%swap3A_453, %swap3A_454] : memref<256x32xi32, #tpu.memory_space<vmem>>, vector<256x32xi32>
    tpu.vector_store %arg8[%swap3A_453, %swap3A_454], %select_n3A_452 {strides = array<i32>} : memref<256x32xi32, #tpu.memory_space<vmem>>, vector<256x32xi32>,
    %eq3A_456 = vector.broadcast %broadcast_in_dim3A_444 : vector<256x1xi32> to vector<256x4096xi32>
    %eq3A_457 = arith.cmpi eq, %iota3A, %eq3A_456 : vector<256x4096xi32>
    %jit3A_458 = arith.constant 0x7F800000 : f32
    %broadcast_in_dim3A_459 = vector.broadcast %jit3A_458 : f32 to vector<256x4096xf32>
    %select_n3A_460 = arith.select %eq3A_457, %broadcast_in_dim3A_459, %get3A_433 : vector<256x4096xi1>, vector<256x4096xf32>
    %swap3A_461 = arith.constant 0 : index
    %swap3A_462 = arith.constant 0 : index
    %swap3A_463 = vector.load %arg7[%swap3A_461, %swap3A_462] : memref<256x4096xf32, #tpu.memory_space<vmem>>, vector<256x4096xf32>
    tpu.vector_store %arg7[%swap3A_461, %swap3A_462], %select_n3A_460 {strides = array<i32>} : memref<256x4096xf32, #tpu.memory_space<vmem>>, vector<256x4096xf32>,
    %scan3A_464 = arith.constant 13 : i32
    %get3A_465 = arith.constant 0 : index
    %get3A_466 = arith.constant 0 : index
    %get3A_467 = vector.load %arg7[%get3A_465, %get3A_466] : memref<256x4096xf32, #tpu.memory_space<vmem>>, vector<256x4096xf32>
    %reduce_min3A_468 = arith.constant dense<0x7F800000> : vector<256xf32>
    %reduce_min3A_469 = vector.multi_reduction <minimumf>, %get3A_467, %reduce_min3A_468 [1] : vector<256x4096xf32> to vector<256xf32>
    %broadcast_in_dim3A_470 = vector.shape_cast %reduce_min3A_469 : vector<256xf32> to vector<256x1xf32>
    %eq3A_471 = vector.broadcast %broadcast_in_dim3A_470 : vector<256x1xf32> to vector<256x4096xf32>
    %eq3A_472 = arith.cmpf oeq, %get3A_467, %eq3A_471 : vector<256x4096xf32>
    %jit3A_473 = arith.constant 4096 : i32
    %broadcast_in_dim3A_474 = vector.broadcast %jit3A_473 : i32 to vector<256x4096xi32>
    %select_n3A_475 = arith.select %eq3A_472, %iota3A, %broadcast_in_dim3A_474 : vector<256x4096xi1>, vector<256x4096xi32>
    %reduce_min3A_476 = arith.constant dense<2147483647> : vector<256xi32>
    %reduce_min3A_477 = vector.multi_reduction <minsi>, %select_n3A_475, %reduce_min3A_476 [1] : vector<256x4096xi32> to vector<256xi32>
    %broadcast_in_dim3A_478 = vector.shape_cast %reduce_min3A_477 : vector<256xi32> to vector<256x1xi32>
    %eq3A_479 = vector.broadcast %scan3A_464 : i32 to vector<256x32xi32>
    %eq3A_480 = arith.cmpi eq, %iota3A_27, %eq3A_479 : vector<256x32xi32>
    %get3A_481 = arith.constant 0 : index
    %get3A_482 = arith.constant 0 : index
    %get3A_483 = vector.load %arg8[%get3A_481, %get3A_482] : memref<256x32xi32, #tpu.memory_space<vmem>>, vector<256x32xi32>
    %broadcast_in_dim3A_484 = vector.shape_cast %broadcast_in_dim3A_478 : vector<256x1xi32> to vector<256x1xi32>
    %broadcast_in_dim3A_485 = vector.broadcast %broadcast_in_dim3A_484 : vector<256x1xi32> to vector<256x32xi32>
    %select_n3A_486 = arith.select %eq3A_480, %broadcast_in_dim3A_485, %get3A_483 : vector<256x32xi1>, vector<256x32xi32>
    %swap3A_487 = arith.constant 0 : index
    %swap3A_488 = arith.constant 0 : index
    %swap3A_489 = vector.load %arg8[%swap3A_487, %swap3A_488] : memref<256x32xi32, #tpu.memory_space<vmem>>, vector<256x32xi32>
    tpu.vector_store %arg8[%swap3A_487, %swap3A_488], %select_n3A_486 {strides = array<i32>} : memref<256x32xi32, #tpu.memory_space<vmem>>, vector<256x32xi32>,
    %eq3A_490 = vector.broadcast %broadcast_in_dim3A_478 : vector<256x1xi32> to vector<256x4096xi32>
    %eq3A_491 = arith.cmpi eq, %iota3A, %eq3A_490 : vector<256x4096xi32>
    %jit3A_492 = arith.constant 0x7F800000 : f32
    %broadcast_in_dim3A_493 = vector.broadcast %jit3A_492 : f32 to vector<256x4096xf32>
    %select_n3A_494 = arith.select %eq3A_491, %broadcast_in_dim3A_493, %get3A_467 : vector<256x4096xi1>, vector<256x4096xf32>
    %swap3A_495 = arith.constant 0 : index
    %swap3A_496 = arith.constant 0 : index
    %swap3A_497 = vector.load %arg7[%swap3A_495, %swap3A_496] : memref<256x4096xf32, #tpu.memory_space<vmem>>, vector<256x4096xf32>
    tpu.vector_store %arg7[%swap3A_495, %swap3A_496], %select_n3A_494 {strides = array<i32>} : memref<256x4096xf32, #tpu.memory_space<vmem>>, vector<256x4096xf32>,
    %scan3A_498 = arith.constant 14 : i32
    %get3A_499 = arith.constant 0 : index
    %get3A_500 = arith.constant 0 : index
    %get3A_501 = vector.load %arg7[%get3A_499, %get3A_500] : memref<256x4096xf32, #tpu.memory_space<vmem>>, vector<256x4096xf32>
    %reduce_min3A_502 = arith.constant dense<0x7F800000> : vector<256xf32>
    %reduce_min3A_503 = vector.multi_reduction <minimumf>, %get3A_501, %reduce_min3A_502 [1] : vector<256x4096xf32> to vector<256xf32>
    %broadcast_in_dim3A_504 = vector.shape_cast %reduce_min3A_503 : vector<256xf32> to vector<256x1xf32>
    %eq3A_505 = vector.broadcast %broadcast_in_dim3A_504 : vector<256x1xf32> to vector<256x4096xf32>
    %eq3A_506 = arith.cmpf oeq, %get3A_501, %eq3A_505 : vector<256x4096xf32>
    %jit3A_507 = arith.constant 4096 : i32
    %broadcast_in_dim3A_508 = vector.broadcast %jit3A_507 : i32 to vector<256x4096xi32>
    %select_n3A_509 = arith.select %eq3A_506, %iota3A, %broadcast_in_dim3A_508 : vector<256x4096xi1>, vector<256x4096xi32>
    %reduce_min3A_510 = arith.constant dense<2147483647> : vector<256xi32>
    %reduce_min3A_511 = vector.multi_reduction <minsi>, %select_n3A_509, %reduce_min3A_510 [1] : vector<256x4096xi32> to vector<256xi32>
    %broadcast_in_dim3A_512 = vector.shape_cast %reduce_min3A_511 : vector<256xi32> to vector<256x1xi32>
    %eq3A_513 = vector.broadcast %scan3A_498 : i32 to vector<256x32xi32>
    %eq3A_514 = arith.cmpi eq, %iota3A_27, %eq3A_513 : vector<256x32xi32>
    %get3A_515 = arith.constant 0 : index
    %get3A_516 = arith.constant 0 : index
    %get3A_517 = vector.load %arg8[%get3A_515, %get3A_516] : memref<256x32xi32, #tpu.memory_space<vmem>>, vector<256x32xi32>
    %broadcast_in_dim3A_518 = vector.shape_cast %broadcast_in_dim3A_512 : vector<256x1xi32> to vector<256x1xi32>
    %broadcast_in_dim3A_519 = vector.broadcast %broadcast_in_dim3A_518 : vector<256x1xi32> to vector<256x32xi32>
    %select_n3A_520 = arith.select %eq3A_514, %broadcast_in_dim3A_519, %get3A_517 : vector<256x32xi1>, vector<256x32xi32>
    %swap3A_521 = arith.constant 0 : index
    %swap3A_522 = arith.constant 0 : index
    %swap3A_523 = vector.load %arg8[%swap3A_521, %swap3A_522] : memref<256x32xi32, #tpu.memory_space<vmem>>, vector<256x32xi32>
    tpu.vector_store %arg8[%swap3A_521, %swap3A_522], %select_n3A_520 {strides = array<i32>} : memref<256x32xi32, #tpu.memory_space<vmem>>, vector<256x32xi32>,
    %eq3A_524 = vector.broadcast %broadcast_in_dim3A_512 : vector<256x1xi32> to vector<256x4096xi32>
    %eq3A_525 = arith.cmpi eq, %iota3A, %eq3A_524 : vector<256x4096xi32>
    %jit3A_526 = arith.constant 0x7F800000 : f32
    %broadcast_in_dim3A_527 = vector.broadcast %jit3A_526 : f32 to vector<256x4096xf32>
    %select_n3A_528 = arith.select %eq3A_525, %broadcast_in_dim3A_527, %get3A_501 : vector<256x4096xi1>, vector<256x4096xf32>
    %swap3A_529 = arith.constant 0 : index
    %swap3A_530 = arith.constant 0 : index
    %swap3A_531 = vector.load %arg7[%swap3A_529, %swap3A_530] : memref<256x4096xf32, #tpu.memory_space<vmem>>, vector<256x4096xf32>
    tpu.vector_store %arg7[%swap3A_529, %swap3A_530], %select_n3A_528 {strides = array<i32>} : memref<256x4096xf32, #tpu.memory_space<vmem>>, vector<256x4096xf32>,
    %scan3A_532 = arith.constant 15 : i32
    %get3A_533 = arith.constant 0 : index
    %get3A_534 = arith.constant 0 : index
    %get3A_535 = vector.load %arg7[%get3A_533, %get3A_534] : memref<256x4096xf32, #tpu.memory_space<vmem>>, vector<256x4096xf32>
    %reduce_min3A_536 = arith.constant dense<0x7F800000> : vector<256xf32>
    %reduce_min3A_537 = vector.multi_reduction <minimumf>, %get3A_535, %reduce_min3A_536 [1] : vector<256x4096xf32> to vector<256xf32>
    %broadcast_in_dim3A_538 = vector.shape_cast %reduce_min3A_537 : vector<256xf32> to vector<256x1xf32>
    %eq3A_539 = vector.broadcast %broadcast_in_dim3A_538 : vector<256x1xf32> to vector<256x4096xf32>
    %eq3A_540 = arith.cmpf oeq, %get3A_535, %eq3A_539 : vector<256x4096xf32>
    %jit3A_541 = arith.constant 4096 : i32
    %broadcast_in_dim3A_542 = vector.broadcast %jit3A_541 : i32 to vector<256x4096xi32>
    %select_n3A_543 = arith.select %eq3A_540, %iota3A, %broadcast_in_dim3A_542 : vector<256x4096xi1>, vector<256x4096xi32>
    %reduce_min3A_544 = arith.constant dense<2147483647> : vector<256xi32>
    %reduce_min3A_545 = vector.multi_reduction <minsi>, %select_n3A_543, %reduce_min3A_544 [1] : vector<256x4096xi32> to vector<256xi32>
    %broadcast_in_dim3A_546 = vector.shape_cast %reduce_min3A_545 : vector<256xi32> to vector<256x1xi32>
    %eq3A_547 = vector.broadcast %scan3A_532 : i32 to vector<256x32xi32>
    %eq3A_548 = arith.cmpi eq, %iota3A_27, %eq3A_547 : vector<256x32xi32>
    %get3A_549 = arith.constant 0 : index
    %get3A_550 = arith.constant 0 : index
    %get3A_551 = vector.load %arg8[%get3A_549, %get3A_550] : memref<256x32xi32, #tpu.memory_space<vmem>>, vector<256x32xi32>
    %broadcast_in_dim3A_552 = vector.shape_cast %broadcast_in_dim3A_546 : vector<256x1xi32> to vector<256x1xi32>
    %broadcast_in_dim3A_553 = vector.broadcast %broadcast_in_dim3A_552 : vector<256x1xi32> to vector<256x32xi32>
    %select_n3A_554 = arith.select %eq3A_548, %broadcast_in_dim3A_553, %get3A_551 : vector<256x32xi1>, vector<256x32xi32>
    %swap3A_555 = arith.constant 0 : index
    %swap3A_556 = arith.constant 0 : index
    %swap3A_557 = vector.load %arg8[%swap3A_555, %swap3A_556] : memref<256x32xi32, #tpu.memory_space<vmem>>, vector<256x32xi32>
    tpu.vector_store %arg8[%swap3A_555, %swap3A_556], %select_n3A_554 {strides = array<i32>} : memref<256x32xi32, #tpu.memory_space<vmem>>, vector<256x32xi32>,
    %eq3A_558 = vector.broadcast %broadcast_in_dim3A_546 : vector<256x1xi32> to vector<256x4096xi32>
    %eq3A_559 = arith.cmpi eq, %iota3A, %eq3A_558 : vector<256x4096xi32>
    %jit3A_560 = arith.constant 0x7F800000 : f32
    %broadcast_in_dim3A_561 = vector.broadcast %jit3A_560 : f32 to vector<256x4096xf32>
    %select_n3A_562 = arith.select %eq3A_559, %broadcast_in_dim3A_561, %get3A_535 : vector<256x4096xi1>, vector<256x4096xf32>
    %swap3A_563 = arith.constant 0 : index
    %swap3A_564 = arith.constant 0 : index
    %swap3A_565 = vector.load %arg7[%swap3A_563, %swap3A_564] : memref<256x4096xf32, #tpu.memory_space<vmem>>, vector<256x4096xf32>
    tpu.vector_store %arg7[%swap3A_563, %swap3A_564], %select_n3A_562 {strides = array<i32>} : memref<256x4096xf32, #tpu.memory_space<vmem>>, vector<256x4096xf32>,
    %scan3A_566 = arith.constant 16 : i32
    %get3A_567 = arith.constant 0 : index
    %get3A_568 = arith.constant 0 : index
    %get3A_569 = vector.load %arg7[%get3A_567, %get3A_568] : memref<256x4096xf32, #tpu.memory_space<vmem>>, vector<256x4096xf32>
    %reduce_min3A_570 = arith.constant dense<0x7F800000> : vector<256xf32>
    %reduce_min3A_571 = vector.multi_reduction <minimumf>, %get3A_569, %reduce_min3A_570 [1] : vector<256x4096xf32> to vector<256xf32>
    %broadcast_in_dim3A_572 = vector.shape_cast %reduce_min3A_571 : vector<256xf32> to vector<256x1xf32>
    %eq3A_573 = vector.broadcast %broadcast_in_dim3A_572 : vector<256x1xf32> to vector<256x4096xf32>
    %eq3A_574 = arith.cmpf oeq, %get3A_569, %eq3A_573 : vector<256x4096xf32>
    %jit3A_575 = arith.constant 4096 : i32
    %broadcast_in_dim3A_576 = vector.broadcast %jit3A_575 : i32 to vector<256x4096xi32>
    %select_n3A_577 = arith.select %eq3A_574, %iota3A, %broadcast_in_dim3A_576 : vector<256x4096xi1>, vector<256x4096xi32>
    %reduce_min3A_578 = arith.constant dense<2147483647> : vector<256xi32>
    %reduce_min3A_579 = vector.multi_reduction <minsi>, %select_n3A_577, %reduce_min3A_578 [1] : vector<256x4096xi32> to vector<256xi32>
    %broadcast_in_dim3A_580 = vector.shape_cast %reduce_min3A_579 : vector<256xi32> to vector<256x1xi32>
    %eq3A_581 = vector.broadcast %scan3A_566 : i32 to vector<256x32xi32>
    %eq3A_582 = arith.cmpi eq, %iota3A_27, %eq3A_581 : vector<256x32xi32>
    %get3A_583 = arith.constant 0 : index
    %get3A_584 = arith.constant 0 : index
    %get3A_585 = vector.load %arg8[%get3A_583, %get3A_584] : memref<256x32xi32, #tpu.memory_space<vmem>>, vector<256x32xi32>
    %broadcast_in_dim3A_586 = vector.shape_cast %broadcast_in_dim3A_580 : vector<256x1xi32> to vector<256x1xi32>
    %broadcast_in_dim3A_587 = vector.broadcast %broadcast_in_dim3A_586 : vector<256x1xi32> to vector<256x32xi32>
    %select_n3A_588 = arith.select %eq3A_582, %broadcast_in_dim3A_587, %get3A_585 : vector<256x32xi1>, vector<256x32xi32>
    %swap3A_589 = arith.constant 0 : index
    %swap3A_590 = arith.constant 0 : index
    %swap3A_591 = vector.load %arg8[%swap3A_589, %swap3A_590] : memref<256x32xi32, #tpu.memory_space<vmem>>, vector<256x32xi32>
    tpu.vector_store %arg8[%swap3A_589, %swap3A_590], %select_n3A_588 {strides = array<i32>} : memref<256x32xi32, #tpu.memory_space<vmem>>, vector<256x32xi32>,
    %eq3A_592 = vector.broadcast %broadcast_in_dim3A_580 : vector<256x1xi32> to vector<256x4096xi32>
    %eq3A_593 = arith.cmpi eq, %iota3A, %eq3A_592 : vector<256x4096xi32>
    %jit3A_594 = arith.constant 0x7F800000 : f32
    %broadcast_in_dim3A_595 = vector.broadcast %jit3A_594 : f32 to vector<256x4096xf32>
    %select_n3A_596 = arith.select %eq3A_593, %broadcast_in_dim3A_595, %get3A_569 : vector<256x4096xi1>, vector<256x4096xf32>
    %swap3A_597 = arith.constant 0 : index
    %swap3A_598 = arith.constant 0 : index
    %swap3A_599 = vector.load %arg7[%swap3A_597, %swap3A_598] : memref<256x4096xf32, #tpu.memory_space<vmem>>, vector<256x4096xf32>
    tpu.vector_store %arg7[%swap3A_597, %swap3A_598], %select_n3A_596 {strides = array<i32>} : memref<256x4096xf32, #tpu.memory_space<vmem>>, vector<256x4096xf32>,
    %scan3A_600 = arith.constant 17 : i32
    %get3A_601 = arith.constant 0 : index
    %get3A_602 = arith.constant 0 : index
    %get3A_603 = vector.load %arg7[%get3A_601, %get3A_602] : memref<256x4096xf32, #tpu.memory_space<vmem>>, vector<256x4096xf32>
    %reduce_min3A_604 = arith.constant dense<0x7F800000> : vector<256xf32>
    %reduce_min3A_605 = vector.multi_reduction <minimumf>, %get3A_603, %reduce_min3A_604 [1] : vector<256x4096xf32> to vector<256xf32>
    %broadcast_in_dim3A_606 = vector.shape_cast %reduce_min3A_605 : vector<256xf32> to vector<256x1xf32>
    %eq3A_607 = vector.broadcast %broadcast_in_dim3A_606 : vector<256x1xf32> to vector<256x4096xf32>
    %eq3A_608 = arith.cmpf oeq, %get3A_603, %eq3A_607 : vector<256x4096xf32>
    %jit3A_609 = arith.constant 4096 : i32
    %broadcast_in_dim3A_610 = vector.broadcast %jit3A_609 : i32 to vector<256x4096xi32>
    %select_n3A_611 = arith.select %eq3A_608, %iota3A, %broadcast_in_dim3A_610 : vector<256x4096xi1>, vector<256x4096xi32>
    %reduce_min3A_612 = arith.constant dense<2147483647> : vector<256xi32>
    %reduce_min3A_613 = vector.multi_reduction <minsi>, %select_n3A_611, %reduce_min3A_612 [1] : vector<256x4096xi32> to vector<256xi32>
    %broadcast_in_dim3A_614 = vector.shape_cast %reduce_min3A_613 : vector<256xi32> to vector<256x1xi32>
    %eq3A_615 = vector.broadcast %scan3A_600 : i32 to vector<256x32xi32>
    %eq3A_616 = arith.cmpi eq, %iota3A_27, %eq3A_615 : vector<256x32xi32>
    %get3A_617 = arith.constant 0 : index
    %get3A_618 = arith.constant 0 : index
    %get3A_619 = vector.load %arg8[%get3A_617, %get3A_618] : memref<256x32xi32, #tpu.memory_space<vmem>>, vector<256x32xi32>
    %broadcast_in_dim3A_620 = vector.shape_cast %broadcast_in_dim3A_614 : vector<256x1xi32> to vector<256x1xi32>
    %broadcast_in_dim3A_621 = vector.broadcast %broadcast_in_dim3A_620 : vector<256x1xi32> to vector<256x32xi32>
    %select_n3A_622 = arith.select %eq3A_616, %broadcast_in_dim3A_621, %get3A_619 : vector<256x32xi1>, vector<256x32xi32>
    %swap3A_623 = arith.constant 0 : index
    %swap3A_624 = arith.constant 0 : index
    %swap3A_625 = vector.load %arg8[%swap3A_623, %swap3A_624] : memref<256x32xi32, #tpu.memory_space<vmem>>, vector<256x32xi32>
    tpu.vector_store %arg8[%swap3A_623, %swap3A_624], %select_n3A_622 {strides = array<i32>} : memref<256x32xi32, #tpu.memory_space<vmem>>, vector<256x32xi32>,
    %eq3A_626 = vector.broadcast %broadcast_in_dim3A_614 : vector<256x1xi32> to vector<256x4096xi32>
    %eq3A_627 = arith.cmpi eq, %iota3A, %eq3A_626 : vector<256x4096xi32>
    %jit3A_628 = arith.constant 0x7F800000 : f32
    %broadcast_in_dim3A_629 = vector.broadcast %jit3A_628 : f32 to vector<256x4096xf32>
    %select_n3A_630 = arith.select %eq3A_627, %broadcast_in_dim3A_629, %get3A_603 : vector<256x4096xi1>, vector<256x4096xf32>
    %swap3A_631 = arith.constant 0 : index
    %swap3A_632 = arith.constant 0 : index
    %swap3A_633 = vector.load %arg7[%swap3A_631, %swap3A_632] : memref<256x4096xf32, #tpu.memory_space<vmem>>, vector<256x4096xf32>
    tpu.vector_store %arg7[%swap3A_631, %swap3A_632], %select_n3A_630 {strides = array<i32>} : memref<256x4096xf32, #tpu.memory_space<vmem>>, vector<256x4096xf32>,
    %scan3A_634 = arith.constant 18 : i32
    %get3A_635 = arith.constant 0 : index
    %get3A_636 = arith.constant 0 : index
    %get3A_637 = vector.load %arg7[%get3A_635, %get3A_636] : memref<256x4096xf32, #tpu.memory_space<vmem>>, vector<256x4096xf32>
    %reduce_min3A_638 = arith.constant dense<0x7F800000> : vector<256xf32>
    %reduce_min3A_639 = vector.multi_reduction <minimumf>, %get3A_637, %reduce_min3A_638 [1] : vector<256x4096xf32> to vector<256xf32>
    %broadcast_in_dim3A_640 = vector.shape_cast %reduce_min3A_639 : vector<256xf32> to vector<256x1xf32>
    %eq3A_641 = vector.broadcast %broadcast_in_dim3A_640 : vector<256x1xf32> to vector<256x4096xf32>
    %eq3A_642 = arith.cmpf oeq, %get3A_637, %eq3A_641 : vector<256x4096xf32>
    %jit3A_643 = arith.constant 4096 : i32
    %broadcast_in_dim3A_644 = vector.broadcast %jit3A_643 : i32 to vector<256x4096xi32>
    %select_n3A_645 = arith.select %eq3A_642, %iota3A, %broadcast_in_dim3A_644 : vector<256x4096xi1>, vector<256x4096xi32>
    %reduce_min3A_646 = arith.constant dense<2147483647> : vector<256xi32>
    %reduce_min3A_647 = vector.multi_reduction <minsi>, %select_n3A_645, %reduce_min3A_646 [1] : vector<256x4096xi32> to vector<256xi32>
    %broadcast_in_dim3A_648 = vector.shape_cast %reduce_min3A_647 : vector<256xi32> to vector<256x1xi32>
    %eq3A_649 = vector.broadcast %scan3A_634 : i32 to vector<256x32xi32>
    %eq3A_650 = arith.cmpi eq, %iota3A_27, %eq3A_649 : vector<256x32xi32>
    %get3A_651 = arith.constant 0 : index
    %get3A_652 = arith.constant 0 : index
    %get3A_653 = vector.load %arg8[%get3A_651, %get3A_652] : memref<256x32xi32, #tpu.memory_space<vmem>>, vector<256x32xi32>
    %broadcast_in_dim3A_654 = vector.shape_cast %broadcast_in_dim3A_648 : vector<256x1xi32> to vector<256x1xi32>
    %broadcast_in_dim3A_655 = vector.broadcast %broadcast_in_dim3A_654 : vector<256x1xi32> to vector<256x32xi32>
    %select_n3A_656 = arith.select %eq3A_650, %broadcast_in_dim3A_655, %get3A_653 : vector<256x32xi1>, vector<256x32xi32>
    %swap3A_657 = arith.constant 0 : index
    %swap3A_658 = arith.constant 0 : index
    %swap3A_659 = vector.load %arg8[%swap3A_657, %swap3A_658] : memref<256x32xi32, #tpu.memory_space<vmem>>, vector<256x32xi32>
    tpu.vector_store %arg8[%swap3A_657, %swap3A_658], %select_n3A_656 {strides = array<i32>} : memref<256x32xi32, #tpu.memory_space<vmem>>, vector<256x32xi32>,
    %eq3A_660 = vector.broadcast %broadcast_in_dim3A_648 : vector<256x1xi32> to vector<256x4096xi32>
    %eq3A_661 = arith.cmpi eq, %iota3A, %eq3A_660 : vector<256x4096xi32>
    %jit3A_662 = arith.constant 0x7F800000 : f32
    %broadcast_in_dim3A_663 = vector.broadcast %jit3A_662 : f32 to vector<256x4096xf32>
    %select_n3A_664 = arith.select %eq3A_661, %broadcast_in_dim3A_663, %get3A_637 : vector<256x4096xi1>, vector<256x4096xf32>
    %swap3A_665 = arith.constant 0 : index
    %swap3A_666 = arith.constant 0 : index
    %swap3A_667 = vector.load %arg7[%swap3A_665, %swap3A_666] : memref<256x4096xf32, #tpu.memory_space<vmem>>, vector<256x4096xf32>
    tpu.vector_store %arg7[%swap3A_665, %swap3A_666], %select_n3A_664 {strides = array<i32>} : memref<256x4096xf32, #tpu.memory_space<vmem>>, vector<256x4096xf32>,
    %scan3A_668 = arith.constant 19 : i32
    %get3A_669 = arith.constant 0 : index
    %get3A_670 = arith.constant 0 : index
    %get3A_671 = vector.load %arg7[%get3A_669, %get3A_670] : memref<256x4096xf32, #tpu.memory_space<vmem>>, vector<256x4096xf32>
    %reduce_min3A_672 = arith.constant dense<0x7F800000> : vector<256xf32>
    %reduce_min3A_673 = vector.multi_reduction <minimumf>, %get3A_671, %reduce_min3A_672 [1] : vector<256x4096xf32> to vector<256xf32>
    %broadcast_in_dim3A_674 = vector.shape_cast %reduce_min3A_673 : vector<256xf32> to vector<256x1xf32>
    %eq3A_675 = vector.broadcast %broadcast_in_dim3A_674 : vector<256x1xf32> to vector<256x4096xf32>
    %eq3A_676 = arith.cmpf oeq, %get3A_671, %eq3A_675 : vector<256x4096xf32>
    %jit3A_677 = arith.constant 4096 : i32
    %broadcast_in_dim3A_678 = vector.broadcast %jit3A_677 : i32 to vector<256x4096xi32>
    %select_n3A_679 = arith.select %eq3A_676, %iota3A, %broadcast_in_dim3A_678 : vector<256x4096xi1>, vector<256x4096xi32>
    %reduce_min3A_680 = arith.constant dense<2147483647> : vector<256xi32>
    %reduce_min3A_681 = vector.multi_reduction <minsi>, %select_n3A_679, %reduce_min3A_680 [1] : vector<256x4096xi32> to vector<256xi32>
    %broadcast_in_dim3A_682 = vector.shape_cast %reduce_min3A_681 : vector<256xi32> to vector<256x1xi32>
    %eq3A_683 = vector.broadcast %scan3A_668 : i32 to vector<256x32xi32>
    %eq3A_684 = arith.cmpi eq, %iota3A_27, %eq3A_683 : vector<256x32xi32>
    %get3A_685 = arith.constant 0 : index
    %get3A_686 = arith.constant 0 : index
    %get3A_687 = vector.load %arg8[%get3A_685, %get3A_686] : memref<256x32xi32, #tpu.memory_space<vmem>>, vector<256x32xi32>
    %broadcast_in_dim3A_688 = vector.shape_cast %broadcast_in_dim3A_682 : vector<256x1xi32> to vector<256x1xi32>
    %broadcast_in_dim3A_689 = vector.broadcast %broadcast_in_dim3A_688 : vector<256x1xi32> to vector<256x32xi32>
    %select_n3A_690 = arith.select %eq3A_684, %broadcast_in_dim3A_689, %get3A_687 : vector<256x32xi1>, vector<256x32xi32>
    %swap3A_691 = arith.constant 0 : index
    %swap3A_692 = arith.constant 0 : index
    %swap3A_693 = vector.load %arg8[%swap3A_691, %swap3A_692] : memref<256x32xi32, #tpu.memory_space<vmem>>, vector<256x32xi32>
    tpu.vector_store %arg8[%swap3A_691, %swap3A_692], %select_n3A_690 {strides = array<i32>} : memref<256x32xi32, #tpu.memory_space<vmem>>, vector<256x32xi32>,
    %eq3A_694 = vector.broadcast %broadcast_in_dim3A_682 : vector<256x1xi32> to vector<256x4096xi32>
    %eq3A_695 = arith.cmpi eq, %iota3A, %eq3A_694 : vector<256x4096xi32>
    %jit3A_696 = arith.constant 0x7F800000 : f32
    %broadcast_in_dim3A_697 = vector.broadcast %jit3A_696 : f32 to vector<256x4096xf32>
    %select_n3A_698 = arith.select %eq3A_695, %broadcast_in_dim3A_697, %get3A_671 : vector<256x4096xi1>, vector<256x4096xf32>
    %swap3A_699 = arith.constant 0 : index
    %swap3A_700 = arith.constant 0 : index
    %swap3A_701 = vector.load %arg7[%swap3A_699, %swap3A_700] : memref<256x4096xf32, #tpu.memory_space<vmem>>, vector<256x4096xf32>
    tpu.vector_store %arg7[%swap3A_699, %swap3A_700], %select_n3A_698 {strides = array<i32>} : memref<256x4096xf32, #tpu.memory_space<vmem>>, vector<256x4096xf32>,
    %scan3A_702 = arith.constant 20 : i32
    %get3A_703 = arith.constant 0 : index
    %get3A_704 = arith.constant 0 : index
    %get3A_705 = vector.load %arg7[%get3A_703, %get3A_704] : memref<256x4096xf32, #tpu.memory_space<vmem>>, vector<256x4096xf32>
    %reduce_min3A_706 = arith.constant dense<0x7F800000> : vector<256xf32>
    %reduce_min3A_707 = vector.multi_reduction <minimumf>, %get3A_705, %reduce_min3A_706 [1] : vector<256x4096xf32> to vector<256xf32>
    %broadcast_in_dim3A_708 = vector.shape_cast %reduce_min3A_707 : vector<256xf32> to vector<256x1xf32>
    %eq3A_709 = vector.broadcast %broadcast_in_dim3A_708 : vector<256x1xf32> to vector<256x4096xf32>
    %eq3A_710 = arith.cmpf oeq, %get3A_705, %eq3A_709 : vector<256x4096xf32>
    %jit3A_711 = arith.constant 4096 : i32
    %broadcast_in_dim3A_712 = vector.broadcast %jit3A_711 : i32 to vector<256x4096xi32>
    %select_n3A_713 = arith.select %eq3A_710, %iota3A, %broadcast_in_dim3A_712 : vector<256x4096xi1>, vector<256x4096xi32>
    %reduce_min3A_714 = arith.constant dense<2147483647> : vector<256xi32>
    %reduce_min3A_715 = vector.multi_reduction <minsi>, %select_n3A_713, %reduce_min3A_714 [1] : vector<256x4096xi32> to vector<256xi32>
    %broadcast_in_dim3A_716 = vector.shape_cast %reduce_min3A_715 : vector<256xi32> to vector<256x1xi32>
    %eq3A_717 = vector.broadcast %scan3A_702 : i32 to vector<256x32xi32>
    %eq3A_718 = arith.cmpi eq, %iota3A_27, %eq3A_717 : vector<256x32xi32>
    %get3A_719 = arith.constant 0 : index
    %get3A_720 = arith.constant 0 : index
    %get3A_721 = vector.load %arg8[%get3A_719, %get3A_720] : memref<256x32xi32, #tpu.memory_space<vmem>>, vector<256x32xi32>
    %broadcast_in_dim3A_722 = vector.shape_cast %broadcast_in_dim3A_716 : vector<256x1xi32> to vector<256x1xi32>
    %broadcast_in_dim3A_723 = vector.broadcast %broadcast_in_dim3A_722 : vector<256x1xi32> to vector<256x32xi32>
    %select_n3A_724 = arith.select %eq3A_718, %broadcast_in_dim3A_723, %get3A_721 : vector<256x32xi1>, vector<256x32xi32>
    %swap3A_725 = arith.constant 0 : index
    %swap3A_726 = arith.constant 0 : index
    %swap3A_727 = vector.load %arg8[%swap3A_725, %swap3A_726] : memref<256x32xi32, #tpu.memory_space<vmem>>, vector<256x32xi32>
    tpu.vector_store %arg8[%swap3A_725, %swap3A_726], %select_n3A_724 {strides = array<i32>} : memref<256x32xi32, #tpu.memory_space<vmem>>, vector<256x32xi32>,
    %eq3A_728 = vector.broadcast %broadcast_in_dim3A_716 : vector<256x1xi32> to vector<256x4096xi32>
    %eq3A_729 = arith.cmpi eq, %iota3A, %eq3A_728 : vector<256x4096xi32>
    %jit3A_730 = arith.constant 0x7F800000 : f32
    %broadcast_in_dim3A_731 = vector.broadcast %jit3A_730 : f32 to vector<256x4096xf32>
    %select_n3A_732 = arith.select %eq3A_729, %broadcast_in_dim3A_731, %get3A_705 : vector<256x4096xi1>, vector<256x4096xf32>
    %swap3A_733 = arith.constant 0 : index
    %swap3A_734 = arith.constant 0 : index
    %swap3A_735 = vector.load %arg7[%swap3A_733, %swap3A_734] : memref<256x4096xf32, #tpu.memory_space<vmem>>, vector<256x4096xf32>
    tpu.vector_store %arg7[%swap3A_733, %swap3A_734], %select_n3A_732 {strides = array<i32>} : memref<256x4096xf32, #tpu.memory_space<vmem>>, vector<256x4096xf32>,
    %scan3A_736 = arith.constant 21 : i32
    %mul3A_737 = arith.constant 4096 : i32
    %mul3A_738 = arith.muli %arg0, %mul3A_737 : i32
    %iota3A_739 = tpu.iota {dimensions = array<i32: 1>} : vector<256x24xi32>
    %get3A_740 = arith.constant 0 : index
    %get3A_741 = arith.constant 1 : index
    %get3A_742 = vector.load %arg8[%get3A_740, %get3A_741] : memref<256x32xi32, #tpu.memory_space<vmem>>, vector<256x24xi32>
    %lt3A = arith.constant 20 : i32
    %lt3A_743 = vector.broadcast %lt3A : i32 to vector<256x24xi32>
    %lt3A_744 = arith.cmpi slt, %iota3A_739, %lt3A_743 : vector<256x24xi32>
    %add3A_745 = vector.broadcast %mul3A_738 : i32 to vector<256x24xi32>
    %add3A_746 = arith.addi %get3A_742, %add3A_745 : vector<256x24xi32>
    %jit3A_747 = arith.constant 0 : i32
    %broadcast_in_dim3A_748 = vector.broadcast %jit3A_747 : i32 to vector<256x24xi32>
    %select_n3A_749 = arith.select %lt3A_744, %add3A_746, %broadcast_in_dim3A_748 : vector<256x24xi1>, vector<256x24xi32>
    %swap3A_750 = arith.constant 0 : index
    %swap3A_751 = arith.constant 0 : index
    %swap3A_752 = arith.constant 0 : index
    %swap3A_753 = vector.load %arg6[%swap3A_750, %swap3A_751, %swap3A_752] : memref<1x256x24xi32, #tpu.memory_space<vmem>>, vector<1x256x24xi32>
    %swap3A_754 = vector.shape_cast %swap3A_753 : vector<1x256x24xi32> to vector<256x24xi32>
    %swap3A_755 = vector.shape_cast %select_n3A_749 : vector<256x24xi32> to vector<1x256x24xi32>
    tpu.vector_store %arg6[%swap3A_750, %swap3A_751, %swap3A_752], %swap3A_755 {strides = array<i32>} : memref<1x256x24xi32, #tpu.memory_space<vmem>>, vector<1x256x24xi32>,
    return
  }
  func.func @transform_0(%arg0: i32, %arg1: i32) -> (i32, i32, i32) {
    %c0_i32 = arith.constant 0 : i32
    %c0_i32_0 = arith.constant 0 : i32
    return %arg0, %arg1, %c0_i32 : i32, i32, i32
  }
  func.func @transform_1(%arg0: i32, %arg1: i32) -> (i32, i32, i32) {
    %c0_i32 = arith.constant 0 : i32
    %c0_i32_0 = arith.constant 0 : i32
    %c0_i32_1 = arith.constant 0 : i32
    return %arg0, %c0_i32, %c0_i32_0 : i32, i32, i32
  }
  func.func @transform_2(%arg0: i32, %arg1: i32) -> (i32, i32, i32) {
    %c0_i32 = arith.constant 0 : i32
    %c0_i32_0 = arith.constant 0 : i32
    return %arg0, %arg1, %c0_i32 : i32, i32, i32
  }
  func.func @transform_3(%arg0: i32, %arg1: i32) -> (i32, i32, i32) {
    %c0_i32 = arith.constant 0 : i32
    %c0_i32_0 = arith.constant 0 : i32
    %c0_i32_1 = arith.constant 0 : i32
    return %arg0, %c0_i32, %c0_i32_0 : i32, i32, i32
  }
  func.func @transform_4(%arg0: i32, %arg1: i32) -> (i32, i32, i32) {
    %c0_i32 = arith.constant 0 : i32
    %c0_i32_0 = arith.constant 0 : i32
    return %arg0, %arg1, %c0_i32 : i32, i32, i32
  }
}

module attributes {stable_mosaic.version = 14 : i64} {
  func.func @_zwrite1_kernel(%arg0: i32, %arg1: memref<6144x64xf32, #tpu.memory_space<vmem>>, %arg2: memref<256x64xf32, #tpu.memory_space<vmem>>, %arg3: memref<128x64xf32, #tpu.memory_space<vmem>>, %arg4: memref<6144x64xf32, #tpu.memory_space<vmem>>) attributes {dimension_semantics = [#tpu.dimension_semantics<arbitrary>], iteration_bounds = array<i64: 128>, scalar_prefetch = 0 : i64, scratch_operands = 0 : i64, tpu.core_type = #tpu.core_type<tc>, window_params = [{transform_indices = @transform_0, window_bounds = array<i64: 6144, 64>}, {transform_indices = @transform_1, window_bounds = array<i64: 256, 64>}, {pipeline_mode = #tpu.pipeline_mode<synchronous>, transform_indices = @transform_2, window_bounds = array<i64: 128, 64>}, {transform_indices = @transform_3, window_bounds = array<i64: 6144, 64>}]} {
    %get3A = arith.constant 0 : index
    %get3A_0 = arith.constant 0 : index
    %get3A_1 = vector.load %arg2[%get3A, %get3A_0] : memref<256x64xf32, #tpu.memory_space<vmem>>, vector<256x64xf32>
    %get3A_2 = arith.constant 0 : index
    %get3A_3 = arith.constant 0 : index
    %get3A_4 = vector.load %arg1[%get3A_2, %get3A_3] : memref<6144x64xf32, #tpu.memory_space<vmem>>, vector<6144x64xf32>
    %reshape3A = vector.shape_cast %get3A_4 : vector<6144x64xf32> to vector<256x24x64xf32>
    %broadcast_in_dim3A = vector.shape_cast %get3A_1 : vector<256x64xf32> to vector<256x1x64xf32>
    %broadcast_in_dim3A_5 = vector.shape_cast %broadcast_in_dim3A : vector<256x1x64xf32> to vector<256x1x64xf32>
    %broadcast_in_dim3A_6 = vector.broadcast %broadcast_in_dim3A_5 : vector<256x1x64xf32> to vector<256x24x64xf32>
    %sub3A = arith.subf %reshape3A, %broadcast_in_dim3A_6 : vector<256x24x64xf32>
    %reshape3A_7 = vector.shape_cast %sub3A : vector<256x24x64xf32> to vector<6144x64xf32>
    %reshape3A_8 = vector.shape_cast %broadcast_in_dim3A_6 : vector<256x24x64xf32> to vector<6144x64xf32>
    %concatenate3A = tpu.concatenate %reshape3A_7, %reshape3A_8 in 1 : vector<6144x64xf32>, vector<6144x64xf32> -> vector<6144x128xf32>
    %convert_element_type3A = arith.truncf %concatenate3A : vector<6144x128xf32> to vector<6144x128xbf16>
    %get3A_9 = arith.constant 0 : index
    %get3A_10 = arith.constant 0 : index
    %get3A_11 = vector.load %arg3[%get3A_9, %get3A_10] : memref<128x64xf32, #tpu.memory_space<vmem>>, vector<128x64xf32>
    %convert_element_type3A_12 = arith.truncf %get3A_11 : vector<128x64xf32> to vector<128x64xbf16>
    %dot_general3A = arith.constant dense<0.000000e+00> : vector<6144x64xf32>
    %dot_general3A_13 = tpu.matmul %convert_element_type3A, %convert_element_type3A_12, %dot_general3A {dimension_numbers = #tpu.dot_dimension_numbers<[1], [0], [0], [1], [0, 0, 1, 1], [], []>, transpose_lhs_hint = false} : vector<6144x128xbf16>, vector<128x64xbf16>, vector<6144x64xf32> -> vector<6144x64xf32>
    %reshape3A_14 = vector.shape_cast %dot_general3A_13 : vector<6144x64xf32> to vector<256x24x64xf32>
    %reshape3A_15 = vector.shape_cast %reshape3A_14 : vector<256x24x64xf32> to vector<6144x64xf32>
    %swap3A = arith.constant 0 : index
    %swap3A_16 = arith.constant 0 : index
    %swap3A_17 = vector.load %arg4[%swap3A, %swap3A_16] : memref<6144x64xf32, #tpu.memory_space<vmem>>, vector<6144x64xf32>
    tpu.vector_store %arg4[%swap3A, %swap3A_16], %reshape3A_15 {strides = array<i32>} : memref<6144x64xf32, #tpu.memory_space<vmem>>, vector<6144x64xf32>,
    return
  }
  func.func @transform_0(%arg0: i32) -> (i32, i32) {
    %c0_i32 = arith.constant 0 : i32
    %c0_i32_0 = arith.constant 0 : i32
    return %arg0, %c0_i32 : i32, i32
  }
  func.func @transform_1(%arg0: i32) -> (i32, i32) {
    %c0_i32 = arith.constant 0 : i32
    %c0_i32_0 = arith.constant 0 : i32
    return %arg0, %c0_i32 : i32, i32
  }
  func.func @transform_2(%arg0: i32) -> (i32, i32) {
    %c0_i32 = arith.constant 0 : i32
    %c0_i32_0 = arith.constant 0 : i32
    %c0_i32_1 = arith.constant 0 : i32
    return %c0_i32, %c0_i32_0 : i32, i32
  }
  func.func @transform_3(%arg0: i32) -> (i32, i32) {
    %c0_i32 = arith.constant 0 : i32
    %c0_i32_0 = arith.constant 0 : i32
    return %arg0, %c0_i32 : i32, i32
  }
}

module attributes {stable_mosaic.version = 14 : i64} {
  func.func @_zwrite2_kernel(%arg0: i32, %arg1: memref<6144x64xf32, #tpu.memory_space<vmem>>, %arg2: memref<256x64xf32, #tpu.memory_space<vmem>>, %arg3: memref<128x64xf32, #tpu.memory_space<vmem>>, %arg4: memref<2x64xf32, #tpu.memory_space<vmem>>, %arg5: memref<64x64xf32, #tpu.memory_space<vmem>>, %arg6: memref<6144x64xf32, #tpu.memory_space<vmem>>) attributes {dimension_semantics = [#tpu.dimension_semantics<arbitrary>], iteration_bounds = array<i64: 128>, scalar_prefetch = 0 : i64, scratch_operands = 0 : i64, tpu.core_type = #tpu.core_type<tc>, window_params = [{transform_indices = @transform_0, window_bounds = array<i64: 6144, 64>}, {transform_indices = @transform_1, window_bounds = array<i64: 256, 64>}, {pipeline_mode = #tpu.pipeline_mode<synchronous>, transform_indices = @transform_2, window_bounds = array<i64: 128, 64>}, {pipeline_mode = #tpu.pipeline_mode<synchronous>, transform_indices = @transform_3, window_bounds = array<i64: 2, 64>}, {pipeline_mode = #tpu.pipeline_mode<synchronous>, transform_indices = @transform_4, window_bounds = array<i64: 64, 64>}, {transform_indices = @transform_5, window_bounds = array<i64: 6144, 64>}]} {
    %get3A = arith.constant 0 : index
    %get3A_0 = arith.constant 0 : index
    %get3A_1 = vector.load %arg2[%get3A, %get3A_0] : memref<256x64xf32, #tpu.memory_space<vmem>>, vector<256x64xf32>
    %get3A_2 = arith.constant 0 : index
    %get3A_3 = arith.constant 0 : index
    %get3A_4 = vector.load %arg1[%get3A_2, %get3A_3] : memref<6144x64xf32, #tpu.memory_space<vmem>>, vector<6144x64xf32>
    %reshape3A = vector.shape_cast %get3A_4 : vector<6144x64xf32> to vector<256x24x64xf32>
    %broadcast_in_dim3A = vector.shape_cast %get3A_1 : vector<256x64xf32> to vector<256x1x64xf32>
    %broadcast_in_dim3A_5 = vector.shape_cast %broadcast_in_dim3A : vector<256x1x64xf32> to vector<256x1x64xf32>
    %broadcast_in_dim3A_6 = vector.broadcast %broadcast_in_dim3A_5 : vector<256x1x64xf32> to vector<256x24x64xf32>
    %sub3A = arith.subf %reshape3A, %broadcast_in_dim3A_6 : vector<256x24x64xf32>
    %reshape3A_7 = vector.shape_cast %sub3A : vector<256x24x64xf32> to vector<6144x64xf32>
    %reshape3A_8 = vector.shape_cast %broadcast_in_dim3A_6 : vector<256x24x64xf32> to vector<6144x64xf32>
    %concatenate3A = tpu.concatenate %reshape3A_7, %reshape3A_8 in 1 : vector<6144x64xf32>, vector<6144x64xf32> -> vector<6144x128xf32>
    %convert_element_type3A = arith.truncf %concatenate3A : vector<6144x128xf32> to vector<6144x128xbf16>
    %get3A_9 = arith.constant 0 : index
    %get3A_10 = arith.constant 0 : index
    %get3A_11 = vector.load %arg3[%get3A_9, %get3A_10] : memref<128x64xf32, #tpu.memory_space<vmem>>, vector<128x64xf32>
    %convert_element_type3A_12 = arith.truncf %get3A_11 : vector<128x64xf32> to vector<128x64xbf16>
    %dot_general3A = arith.constant dense<0.000000e+00> : vector<6144x64xf32>
    %dot_general3A_13 = tpu.matmul %convert_element_type3A, %convert_element_type3A_12, %dot_general3A {dimension_numbers = #tpu.dot_dimension_numbers<[1], [0], [0], [1], [0, 0, 1, 1], [], []>, transpose_lhs_hint = false} : vector<6144x128xbf16>, vector<128x64xbf16>, vector<6144x64xf32> -> vector<6144x64xf32>
    %reshape3A_14 = vector.shape_cast %dot_general3A_13 : vector<6144x64xf32> to vector<256x24x64xf32>
    %get3A_15 = arith.constant 0 : index
    %get3A_16 = arith.constant 0 : index
    %get3A_17 = vector.load %arg4[%get3A_15, %get3A_16] : memref<2x64xf32, #tpu.memory_space<vmem>>, vector<1x64xf32>
    %get3A_18 = arith.constant 1 : index
    %get3A_19 = arith.constant 0 : index
    %get3A_20 = vector.load %arg4[%get3A_18, %get3A_19] : memref<2x64xf32, #tpu.memory_space<vmem>>, vector<1x64xf32>
    %broadcast_in_dim3A_21 = vector.shape_cast %get3A_17 : vector<1x64xf32> to vector<1x1x64xf32>
    %sub3A_22 = vector.broadcast %broadcast_in_dim3A_21 : vector<1x1x64xf32> to vector<256x24x64xf32>
    %sub3A_23 = arith.subf %reshape3A_14, %sub3A_22 : vector<256x24x64xf32>
    %add3A = arith.constant 9.99999974E-6 : f32
    %add3A_24 = vector.broadcast %add3A : f32 to vector<1x64xf32>
    %add3A_25 = arith.addf %get3A_20, %add3A_24 : vector<1x64xf32>
    %sqrt3A = math.sqrt %add3A_25 : vector<1x64xf32>
    %broadcast_in_dim3A_26 = vector.shape_cast %sqrt3A : vector<1x64xf32> to vector<1x1x64xf32>
    %div3A = vector.broadcast %broadcast_in_dim3A_26 : vector<1x1x64xf32> to vector<256x24x64xf32>
    %div3A_27 = arith.divf %sub3A_23, %div3A : vector<256x24x64xf32>
    %custom_jvp_call3A = arith.constant 0.000000e+00 : f32
    %max3A = vector.broadcast %custom_jvp_call3A : f32 to vector<256x24x64xf32>
    %max3A_28 = arith.maximumf %div3A_27, %max3A : vector<256x24x64xf32>
    %sub3A_29 = vector.broadcast %custom_jvp_call3A : f32 to vector<256x24x64xf32>
    %sub3A_30 = arith.subf %div3A_27, %sub3A_29 : vector<256x24x64xf32>
    %ne3A = arith.cmpf one, %sub3A_30, %sub3A_30 : vector<256x24x64xf32>
    %add3A_31 = vector.broadcast %custom_jvp_call3A : f32 to vector<256x24x64xf32>
    %add3A_32 = arith.addf %div3A_27, %add3A_31 : vector<256x24x64xf32>
    %abs3A = math.absf %sub3A_30 : vector<256x24x64xf32>
    %neg3A = arith.constant 0.000000e+00 : f32
    %neg3A_33 = vector.broadcast %neg3A : f32 to vector<256x24x64xf32>
    %neg3A_34 = arith.subf %neg3A_33, %abs3A : vector<256x24x64xf32>
    %exp3A = math.exp %neg3A_34 : vector<256x24x64xf32>
    %log1p3A = math.log1p %exp3A : vector<256x24x64xf32>
    %add3A_35 = arith.addf %max3A_28, %log1p3A : vector<256x24x64xf32>
    %select_n3A = arith.select %ne3A, %add3A_32, %add3A_35 : vector<256x24x64xi1>, vector<256x24x64xf32>
    %tanh3A = math.tanh %select_n3A : vector<256x24x64xf32>
    %mul3A = arith.mulf %div3A_27, %tanh3A : vector<256x24x64xf32>
    %reshape3A_36 = vector.shape_cast %mul3A : vector<256x24x64xf32> to vector<6144x64xf32>
    %convert_element_type3A_37 = arith.truncf %reshape3A_36 : vector<6144x64xf32> to vector<6144x64xbf16>
    %get3A_38 = arith.constant 0 : index
    %get3A_39 = arith.constant 0 : index
    %get3A_40 = vector.load %arg5[%get3A_38, %get3A_39] : memref<64x64xf32, #tpu.memory_space<vmem>>, vector<64x64xf32>
    %convert_element_type3A_41 = arith.truncf %get3A_40 : vector<64x64xf32> to vector<64x64xbf16>
    %dot_general3A_42 = arith.constant dense<0.000000e+00> : vector<6144x64xf32>
    %dot_general3A_43 = tpu.matmul %convert_element_type3A_37, %convert_element_type3A_41, %dot_general3A_42 {dimension_numbers = #tpu.dot_dimension_numbers<[1], [0], [0], [1], [0, 0, 1, 1], [], []>, transpose_lhs_hint = false} : vector<6144x64xbf16>, vector<64x64xbf16>, vector<6144x64xf32> -> vector<6144x64xf32>
    %swap3A = arith.constant 0 : index
    %swap3A_44 = arith.constant 0 : index
    %swap3A_45 = vector.load %arg6[%swap3A, %swap3A_44] : memref<6144x64xf32, #tpu.memory_space<vmem>>, vector<6144x64xf32>
    tpu.vector_store %arg6[%swap3A, %swap3A_44], %dot_general3A_43 {strides = array<i32>} : memref<6144x64xf32, #tpu.memory_space<vmem>>, vector<6144x64xf32>,
    return
  }
  func.func @transform_0(%arg0: i32) -> (i32, i32) {
    %c0_i32 = arith.constant 0 : i32
    %c0_i32_0 = arith.constant 0 : i32
    return %arg0, %c0_i32 : i32, i32
  }
  func.func @transform_1(%arg0: i32) -> (i32, i32) {
    %c0_i32 = arith.constant 0 : i32
    %c0_i32_0 = arith.constant 0 : i32
    return %arg0, %c0_i32 : i32, i32
  }
  func.func @transform_2(%arg0: i32) -> (i32, i32) {
    %c0_i32 = arith.constant 0 : i32
    %c0_i32_0 = arith.constant 0 : i32
    %c0_i32_1 = arith.constant 0 : i32
    return %c0_i32, %c0_i32_0 : i32, i32
  }
  func.func @transform_3(%arg0: i32) -> (i32, i32) {
    %c0_i32 = arith.constant 0 : i32
    %c0_i32_0 = arith.constant 0 : i32
    %c0_i32_1 = arith.constant 0 : i32
    return %c0_i32, %c0_i32_0 : i32, i32
  }
  func.func @transform_4(%arg0: i32) -> (i32, i32) {
    %c0_i32 = arith.constant 0 : i32
    %c0_i32_0 = arith.constant 0 : i32
    %c0_i32_1 = arith.constant 0 : i32
    return %c0_i32, %c0_i32_0 : i32, i32
  }
  func.func @transform_5(%arg0: i32) -> (i32, i32) {
    %c0_i32 = arith.constant 0 : i32
    %c0_i32_0 = arith.constant 0 : i32
    return %arg0, %c0_i32 : i32, i32
  }
}

module attributes {stable_mosaic.version = 14 : i64} {
  func.func @_max2_kernel(%arg0: i32, %arg1: memref<6144x64xf32, #tpu.memory_space<vmem>>, %arg2: memref<256x64xf32, #tpu.memory_space<vmem>>, %arg3: memref<128x64xf32, #tpu.memory_space<vmem>>, %arg4: memref<2x64xf32, #tpu.memory_space<vmem>>, %arg5: memref<64x64xf32, #tpu.memory_space<vmem>>, %arg6: memref<2x64xf32, #tpu.memory_space<vmem>>, %arg7: memref<256x64xf32, #tpu.memory_space<vmem>>) attributes {dimension_semantics = [#tpu.dimension_semantics<arbitrary>], iteration_bounds = array<i64: 128>, scalar_prefetch = 0 : i64, scratch_operands = 0 : i64, tpu.core_type = #tpu.core_type<tc>, window_params = [{transform_indices = @transform_0, window_bounds = array<i64: 6144, 64>}, {transform_indices = @transform_1, window_bounds = array<i64: 256, 64>}, {pipeline_mode = #tpu.pipeline_mode<synchronous>, transform_indices = @transform_2, window_bounds = array<i64: 128, 64>}, {pipeline_mode = #tpu.pipeline_mode<synchronous>, transform_indices = @transform_3, window_bounds = array<i64: 2, 64>}, {pipeline_mode = #tpu.pipeline_mode<synchronous>, transform_indices = @transform_4, window_bounds = array<i64: 64, 64>}, {pipeline_mode = #tpu.pipeline_mode<synchronous>, transform_indices = @transform_5, window_bounds = array<i64: 2, 64>}, {transform_indices = @transform_6, window_bounds = array<i64: 256, 64>}]} {
    %get3A = arith.constant 0 : index
    %get3A_0 = arith.constant 0 : index
    %get3A_1 = vector.load %arg2[%get3A, %get3A_0] : memref<256x64xf32, #tpu.memory_space<vmem>>, vector<256x64xf32>
    %get3A_2 = arith.constant 0 : index
    %get3A_3 = arith.constant 0 : index
    %get3A_4 = vector.load %arg1[%get3A_2, %get3A_3] : memref<6144x64xf32, #tpu.memory_space<vmem>>, vector<6144x64xf32>
    %reshape3A = vector.shape_cast %get3A_4 : vector<6144x64xf32> to vector<256x24x64xf32>
    %broadcast_in_dim3A = vector.shape_cast %get3A_1 : vector<256x64xf32> to vector<256x1x64xf32>
    %broadcast_in_dim3A_5 = vector.shape_cast %broadcast_in_dim3A : vector<256x1x64xf32> to vector<256x1x64xf32>
    %broadcast_in_dim3A_6 = vector.broadcast %broadcast_in_dim3A_5 : vector<256x1x64xf32> to vector<256x24x64xf32>
    %sub3A = arith.subf %reshape3A, %broadcast_in_dim3A_6 : vector<256x24x64xf32>
    %reshape3A_7 = vector.shape_cast %sub3A : vector<256x24x64xf32> to vector<6144x64xf32>
    %reshape3A_8 = vector.shape_cast %broadcast_in_dim3A_6 : vector<256x24x64xf32> to vector<6144x64xf32>
    %concatenate3A = tpu.concatenate %reshape3A_7, %reshape3A_8 in 1 : vector<6144x64xf32>, vector<6144x64xf32> -> vector<6144x128xf32>
    %convert_element_type3A = arith.truncf %concatenate3A : vector<6144x128xf32> to vector<6144x128xbf16>
    %get3A_9 = arith.constant 0 : index
    %get3A_10 = arith.constant 0 : index
    %get3A_11 = vector.load %arg3[%get3A_9, %get3A_10] : memref<128x64xf32, #tpu.memory_space<vmem>>, vector<128x64xf32>
    %convert_element_type3A_12 = arith.truncf %get3A_11 : vector<128x64xf32> to vector<128x64xbf16>
    %dot_general3A = arith.constant dense<0.000000e+00> : vector<6144x64xf32>
    %dot_general3A_13 = tpu.matmul %convert_element_type3A, %convert_element_type3A_12, %dot_general3A {dimension_numbers = #tpu.dot_dimension_numbers<[1], [0], [0], [1], [0, 0, 1, 1], [], []>, transpose_lhs_hint = false} : vector<6144x128xbf16>, vector<128x64xbf16>, vector<6144x64xf32> -> vector<6144x64xf32>
    %reshape3A_14 = vector.shape_cast %dot_general3A_13 : vector<6144x64xf32> to vector<256x24x64xf32>
    %get3A_15 = arith.constant 0 : index
    %get3A_16 = arith.constant 0 : index
    %get3A_17 = vector.load %arg4[%get3A_15, %get3A_16] : memref<2x64xf32, #tpu.memory_space<vmem>>, vector<1x64xf32>
    %get3A_18 = arith.constant 1 : index
    %get3A_19 = arith.constant 0 : index
    %get3A_20 = vector.load %arg4[%get3A_18, %get3A_19] : memref<2x64xf32, #tpu.memory_space<vmem>>, vector<1x64xf32>
    %broadcast_in_dim3A_21 = vector.shape_cast %get3A_17 : vector<1x64xf32> to vector<1x1x64xf32>
    %sub3A_22 = vector.broadcast %broadcast_in_dim3A_21 : vector<1x1x64xf32> to vector<256x24x64xf32>
    %sub3A_23 = arith.subf %reshape3A_14, %sub3A_22 : vector<256x24x64xf32>
    %add3A = arith.constant 9.99999974E-6 : f32
    %add3A_24 = vector.broadcast %add3A : f32 to vector<1x64xf32>
    %add3A_25 = arith.addf %get3A_20, %add3A_24 : vector<1x64xf32>
    %sqrt3A = math.sqrt %add3A_25 : vector<1x64xf32>
    %broadcast_in_dim3A_26 = vector.shape_cast %sqrt3A : vector<1x64xf32> to vector<1x1x64xf32>
    %div3A = vector.broadcast %broadcast_in_dim3A_26 : vector<1x1x64xf32> to vector<256x24x64xf32>
    %div3A_27 = arith.divf %sub3A_23, %div3A : vector<256x24x64xf32>
    %custom_jvp_call3A = arith.constant 0.000000e+00 : f32
    %max3A = vector.broadcast %custom_jvp_call3A : f32 to vector<256x24x64xf32>
    %max3A_28 = arith.maximumf %div3A_27, %max3A : vector<256x24x64xf32>
    %sub3A_29 = vector.broadcast %custom_jvp_call3A : f32 to vector<256x24x64xf32>
    %sub3A_30 = arith.subf %div3A_27, %sub3A_29 : vector<256x24x64xf32>
    %ne3A = arith.cmpf one, %sub3A_30, %sub3A_30 : vector<256x24x64xf32>
    %add3A_31 = vector.broadcast %custom_jvp_call3A : f32 to vector<256x24x64xf32>
    %add3A_32 = arith.addf %div3A_27, %add3A_31 : vector<256x24x64xf32>
    %abs3A = math.absf %sub3A_30 : vector<256x24x64xf32>
    %neg3A = arith.constant 0.000000e+00 : f32
    %neg3A_33 = vector.broadcast %neg3A : f32 to vector<256x24x64xf32>
    %neg3A_34 = arith.subf %neg3A_33, %abs3A : vector<256x24x64xf32>
    %exp3A = math.exp %neg3A_34 : vector<256x24x64xf32>
    %log1p3A = math.log1p %exp3A : vector<256x24x64xf32>
    %add3A_35 = arith.addf %max3A_28, %log1p3A : vector<256x24x64xf32>
    %select_n3A = arith.select %ne3A, %add3A_32, %add3A_35 : vector<256x24x64xi1>, vector<256x24x64xf32>
    %tanh3A = math.tanh %select_n3A : vector<256x24x64xf32>
    %mul3A = arith.mulf %div3A_27, %tanh3A : vector<256x24x64xf32>
    %reshape3A_36 = vector.shape_cast %mul3A : vector<256x24x64xf32> to vector<6144x64xf32>
    %convert_element_type3A_37 = arith.truncf %reshape3A_36 : vector<6144x64xf32> to vector<6144x64xbf16>
    %get3A_38 = arith.constant 0 : index
    %get3A_39 = arith.constant 0 : index
    %get3A_40 = vector.load %arg5[%get3A_38, %get3A_39] : memref<64x64xf32, #tpu.memory_space<vmem>>, vector<64x64xf32>
    %convert_element_type3A_41 = arith.truncf %get3A_40 : vector<64x64xf32> to vector<64x64xbf16>
    %dot_general3A_42 = arith.constant dense<0.000000e+00> : vector<6144x64xf32>
    %dot_general3A_43 = tpu.matmul %convert_element_type3A_37, %convert_element_type3A_41, %dot_general3A_42 {dimension_numbers = #tpu.dot_dimension_numbers<[1], [0], [0], [1], [0, 0, 1, 1], [], []>, transpose_lhs_hint = false} : vector<6144x64xbf16>, vector<64x64xbf16>, vector<6144x64xf32> -> vector<6144x64xf32>
    %reshape3A_44 = vector.shape_cast %dot_general3A_43 : vector<6144x64xf32> to vector<256x24x64xf32>
    %get3A_45 = arith.constant 0 : index
    %get3A_46 = arith.constant 0 : index
    %get3A_47 = vector.load %arg6[%get3A_45, %get3A_46] : memref<2x64xf32, #tpu.memory_space<vmem>>, vector<1x64xf32>
    %get3A_48 = arith.constant 1 : index
    %get3A_49 = arith.constant 0 : index
    %get3A_50 = vector.load %arg6[%get3A_48, %get3A_49] : memref<2x64xf32, #tpu.memory_space<vmem>>, vector<1x64xf32>
    %broadcast_in_dim3A_51 = vector.shape_cast %get3A_47 : vector<1x64xf32> to vector<1x1x64xf32>
    %sub3A_52 = vector.broadcast %broadcast_in_dim3A_51 : vector<1x1x64xf32> to vector<256x24x64xf32>
    %sub3A_53 = arith.subf %reshape3A_44, %sub3A_52 : vector<256x24x64xf32>
    %add3A_54 = arith.constant 9.99999974E-6 : f32
    %add3A_55 = vector.broadcast %add3A_54 : f32 to vector<1x64xf32>
    %add3A_56 = arith.addf %get3A_50, %add3A_55 : vector<1x64xf32>
    %sqrt3A_57 = math.sqrt %add3A_56 : vector<1x64xf32>
    %broadcast_in_dim3A_58 = vector.shape_cast %sqrt3A_57 : vector<1x64xf32> to vector<1x1x64xf32>
    %div3A_59 = vector.broadcast %broadcast_in_dim3A_58 : vector<1x1x64xf32> to vector<256x24x64xf32>
    %div3A_60 = arith.divf %sub3A_53, %div3A_59 : vector<256x24x64xf32>
    %custom_jvp_call3A_61 = arith.constant 0.000000e+00 : f32
    %max3A_62 = vector.broadcast %custom_jvp_call3A_61 : f32 to vector<256x24x64xf32>
    %max3A_63 = arith.maximumf %div3A_60, %max3A_62 : vector<256x24x64xf32>
    %sub3A_64 = vector.broadcast %custom_jvp_call3A_61 : f32 to vector<256x24x64xf32>
    %sub3A_65 = arith.subf %div3A_60, %sub3A_64 : vector<256x24x64xf32>
    %ne3A_66 = arith.cmpf one, %sub3A_65, %sub3A_65 : vector<256x24x64xf32>
    %add3A_67 = vector.broadcast %custom_jvp_call3A_61 : f32 to vector<256x24x64xf32>
    %add3A_68 = arith.addf %div3A_60, %add3A_67 : vector<256x24x64xf32>
    %abs3A_69 = math.absf %sub3A_65 : vector<256x24x64xf32>
    %neg3A_70 = arith.constant 0.000000e+00 : f32
    %neg3A_71 = vector.broadcast %neg3A_70 : f32 to vector<256x24x64xf32>
    %neg3A_72 = arith.subf %neg3A_71, %abs3A_69 : vector<256x24x64xf32>
    %exp3A_73 = math.exp %neg3A_72 : vector<256x24x64xf32>
    %log1p3A_74 = math.log1p %exp3A_73 : vector<256x24x64xf32>
    %add3A_75 = arith.addf %max3A_63, %log1p3A_74 : vector<256x24x64xf32>
    %select_n3A_76 = arith.select %ne3A_66, %add3A_68, %add3A_75 : vector<256x24x64xi1>, vector<256x24x64xf32>
    %tanh3A_77 = math.tanh %select_n3A_76 : vector<256x24x64xf32>
    %mul3A_78 = arith.mulf %div3A_60, %tanh3A_77 : vector<256x24x64xf32>
    %iota3A = tpu.iota {dimensions = array<i32: 1>} : vector<256x24x1xi32>
    %lt3A = arith.constant 20 : i32
    %lt3A_79 = vector.broadcast %lt3A : i32 to vector<256x24x1xi32>
    %lt3A_80 = arith.cmpi slt, %iota3A, %lt3A_79 : vector<256x24x1xi32>
    %jit3A = arith.constant 0xFF800000 : f32
    %broadcast_in_dim3A_81 = vector.shape_cast %lt3A_80 : vector<256x24x1xi1> to vector<256x24x1xi1>
    %broadcast_in_dim3A_82 = vector.broadcast %broadcast_in_dim3A_81 : vector<256x24x1xi1> to vector<256x24x64xi1>
    %broadcast_in_dim3A_83 = vector.broadcast %jit3A : f32 to vector<256x24x64xf32>
    %select_n3A_84 = arith.select %broadcast_in_dim3A_82, %mul3A_78, %broadcast_in_dim3A_83 : vector<256x24x64xi1>, vector<256x24x64xf32>
    %reduce_max3A = arith.constant dense<0xFF800000> : vector<256x64xf32>
    %reduce_max3A_85 = vector.multi_reduction <maximumf>, %select_n3A_84, %reduce_max3A [1] : vector<256x24x64xf32> to vector<256x64xf32>
    %swap3A = arith.constant 0 : index
    %swap3A_86 = arith.constant 0 : index
    %swap3A_87 = vector.load %arg7[%swap3A, %swap3A_86] : memref<256x64xf32, #tpu.memory_space<vmem>>, vector<256x64xf32>
    tpu.vector_store %arg7[%swap3A, %swap3A_86], %reduce_max3A_85 {strides = array<i32>} : memref<256x64xf32, #tpu.memory_space<vmem>>, vector<256x64xf32>,
    return
  }
  func.func @transform_0(%arg0: i32) -> (i32, i32) {
    %c0_i32 = arith.constant 0 : i32
    %c0_i32_0 = arith.constant 0 : i32
    return %arg0, %c0_i32 : i32, i32
  }
  func.func @transform_1(%arg0: i32) -> (i32, i32) {
    %c0_i32 = arith.constant 0 : i32
    %c0_i32_0 = arith.constant 0 : i32
    return %arg0, %c0_i32 : i32, i32
  }
  func.func @transform_2(%arg0: i32) -> (i32, i32) {
    %c0_i32 = arith.constant 0 : i32
    %c0_i32_0 = arith.constant 0 : i32
    %c0_i32_1 = arith.constant 0 : i32
    return %c0_i32, %c0_i32_0 : i32, i32
  }
  func.func @transform_3(%arg0: i32) -> (i32, i32) {
    %c0_i32 = arith.constant 0 : i32
    %c0_i32_0 = arith.constant 0 : i32
    %c0_i32_1 = arith.constant 0 : i32
    return %c0_i32, %c0_i32_0 : i32, i32
  }
  func.func @transform_4(%arg0: i32) -> (i32, i32) {
    %c0_i32 = arith.constant 0 : i32
    %c0_i32_0 = arith.constant 0 : i32
    %c0_i32_1 = arith.constant 0 : i32
    return %c0_i32, %c0_i32_0 : i32, i32
  }
  func.func @transform_5(%arg0: i32) -> (i32, i32) {
    %c0_i32 = arith.constant 0 : i32
    %c0_i32_0 = arith.constant 0 : i32
    %c0_i32_1 = arith.constant 0 : i32
    return %c0_i32, %c0_i32_0 : i32, i32
  }
  func.func @transform_6(%arg0: i32) -> (i32, i32) {
    %c0_i32 = arith.constant 0 : i32
    %c0_i32_0 = arith.constant 0 : i32
    return %arg0, %c0_i32 : i32, i32
  }
}

module attributes {stable_mosaic.version = 14 : i64} {
  func.func @_max1_kernel(%arg0: i32, %arg1: memref<6144x64xf32, #tpu.memory_space<vmem>>, %arg2: memref<256x64xf32, #tpu.memory_space<vmem>>, %arg3: memref<128x64xf32, #tpu.memory_space<vmem>>, %arg4: memref<2x64xf32, #tpu.memory_space<vmem>>, %arg5: memref<256x64xf32, #tpu.memory_space<vmem>>) attributes {dimension_semantics = [#tpu.dimension_semantics<arbitrary>], iteration_bounds = array<i64: 128>, scalar_prefetch = 0 : i64, scratch_operands = 0 : i64, tpu.core_type = #tpu.core_type<tc>, window_params = [{transform_indices = @transform_0, window_bounds = array<i64: 6144, 64>}, {transform_indices = @transform_1, window_bounds = array<i64: 256, 64>}, {pipeline_mode = #tpu.pipeline_mode<synchronous>, transform_indices = @transform_2, window_bounds = array<i64: 128, 64>}, {pipeline_mode = #tpu.pipeline_mode<synchronous>, transform_indices = @transform_3, window_bounds = array<i64: 2, 64>}, {transform_indices = @transform_4, window_bounds = array<i64: 256, 64>}]} {
    %get3A = arith.constant 0 : index
    %get3A_0 = arith.constant 0 : index
    %get3A_1 = vector.load %arg2[%get3A, %get3A_0] : memref<256x64xf32, #tpu.memory_space<vmem>>, vector<256x64xf32>
    %get3A_2 = arith.constant 0 : index
    %get3A_3 = arith.constant 0 : index
    %get3A_4 = vector.load %arg1[%get3A_2, %get3A_3] : memref<6144x64xf32, #tpu.memory_space<vmem>>, vector<6144x64xf32>
    %reshape3A = vector.shape_cast %get3A_4 : vector<6144x64xf32> to vector<256x24x64xf32>
    %broadcast_in_dim3A = vector.shape_cast %get3A_1 : vector<256x64xf32> to vector<256x1x64xf32>
    %broadcast_in_dim3A_5 = vector.shape_cast %broadcast_in_dim3A : vector<256x1x64xf32> to vector<256x1x64xf32>
    %broadcast_in_dim3A_6 = vector.broadcast %broadcast_in_dim3A_5 : vector<256x1x64xf32> to vector<256x24x64xf32>
    %sub3A = arith.subf %reshape3A, %broadcast_in_dim3A_6 : vector<256x24x64xf32>
    %reshape3A_7 = vector.shape_cast %sub3A : vector<256x24x64xf32> to vector<6144x64xf32>
    %reshape3A_8 = vector.shape_cast %broadcast_in_dim3A_6 : vector<256x24x64xf32> to vector<6144x64xf32>
    %concatenate3A = tpu.concatenate %reshape3A_7, %reshape3A_8 in 1 : vector<6144x64xf32>, vector<6144x64xf32> -> vector<6144x128xf32>
    %convert_element_type3A = arith.truncf %concatenate3A : vector<6144x128xf32> to vector<6144x128xbf16>
    %get3A_9 = arith.constant 0 : index
    %get3A_10 = arith.constant 0 : index
    %get3A_11 = vector.load %arg3[%get3A_9, %get3A_10] : memref<128x64xf32, #tpu.memory_space<vmem>>, vector<128x64xf32>
    %convert_element_type3A_12 = arith.truncf %get3A_11 : vector<128x64xf32> to vector<128x64xbf16>
    %dot_general3A = arith.constant dense<0.000000e+00> : vector<6144x64xf32>
    %dot_general3A_13 = tpu.matmul %convert_element_type3A, %convert_element_type3A_12, %dot_general3A {dimension_numbers = #tpu.dot_dimension_numbers<[1], [0], [0], [1], [0, 0, 1, 1], [], []>, transpose_lhs_hint = false} : vector<6144x128xbf16>, vector<128x64xbf16>, vector<6144x64xf32> -> vector<6144x64xf32>
    %reshape3A_14 = vector.shape_cast %dot_general3A_13 : vector<6144x64xf32> to vector<256x24x64xf32>
    %get3A_15 = arith.constant 0 : index
    %get3A_16 = arith.constant 0 : index
    %get3A_17 = vector.load %arg4[%get3A_15, %get3A_16] : memref<2x64xf32, #tpu.memory_space<vmem>>, vector<1x64xf32>
    %get3A_18 = arith.constant 1 : index
    %get3A_19 = arith.constant 0 : index
    %get3A_20 = vector.load %arg4[%get3A_18, %get3A_19] : memref<2x64xf32, #tpu.memory_space<vmem>>, vector<1x64xf32>
    %broadcast_in_dim3A_21 = vector.shape_cast %get3A_17 : vector<1x64xf32> to vector<1x1x64xf32>
    %sub3A_22 = vector.broadcast %broadcast_in_dim3A_21 : vector<1x1x64xf32> to vector<256x24x64xf32>
    %sub3A_23 = arith.subf %reshape3A_14, %sub3A_22 : vector<256x24x64xf32>
    %add3A = arith.constant 9.99999974E-6 : f32
    %add3A_24 = vector.broadcast %add3A : f32 to vector<1x64xf32>
    %add3A_25 = arith.addf %get3A_20, %add3A_24 : vector<1x64xf32>
    %sqrt3A = math.sqrt %add3A_25 : vector<1x64xf32>
    %broadcast_in_dim3A_26 = vector.shape_cast %sqrt3A : vector<1x64xf32> to vector<1x1x64xf32>
    %div3A = vector.broadcast %broadcast_in_dim3A_26 : vector<1x1x64xf32> to vector<256x24x64xf32>
    %div3A_27 = arith.divf %sub3A_23, %div3A : vector<256x24x64xf32>
    %custom_jvp_call3A = arith.constant 0.000000e+00 : f32
    %max3A = vector.broadcast %custom_jvp_call3A : f32 to vector<256x24x64xf32>
    %max3A_28 = arith.maximumf %div3A_27, %max3A : vector<256x24x64xf32>
    %sub3A_29 = vector.broadcast %custom_jvp_call3A : f32 to vector<256x24x64xf32>
    %sub3A_30 = arith.subf %div3A_27, %sub3A_29 : vector<256x24x64xf32>
    %ne3A = arith.cmpf one, %sub3A_30, %sub3A_30 : vector<256x24x64xf32>
    %add3A_31 = vector.broadcast %custom_jvp_call3A : f32 to vector<256x24x64xf32>
    %add3A_32 = arith.addf %div3A_27, %add3A_31 : vector<256x24x64xf32>
    %abs3A = math.absf %sub3A_30 : vector<256x24x64xf32>
    %neg3A = arith.constant 0.000000e+00 : f32
    %neg3A_33 = vector.broadcast %neg3A : f32 to vector<256x24x64xf32>
    %neg3A_34 = arith.subf %neg3A_33, %abs3A : vector<256x24x64xf32>
    %exp3A = math.exp %neg3A_34 : vector<256x24x64xf32>
    %log1p3A = math.log1p %exp3A : vector<256x24x64xf32>
    %add3A_35 = arith.addf %max3A_28, %log1p3A : vector<256x24x64xf32>
    %select_n3A = arith.select %ne3A, %add3A_32, %add3A_35 : vector<256x24x64xi1>, vector<256x24x64xf32>
    %tanh3A = math.tanh %select_n3A : vector<256x24x64xf32>
    %mul3A = arith.mulf %div3A_27, %tanh3A : vector<256x24x64xf32>
    %iota3A = tpu.iota {dimensions = array<i32: 1>} : vector<256x24x1xi32>
    %lt3A = arith.constant 20 : i32
    %lt3A_36 = vector.broadcast %lt3A : i32 to vector<256x24x1xi32>
    %lt3A_37 = arith.cmpi slt, %iota3A, %lt3A_36 : vector<256x24x1xi32>
    %jit3A = arith.constant 0xFF800000 : f32
    %broadcast_in_dim3A_38 = vector.shape_cast %lt3A_37 : vector<256x24x1xi1> to vector<256x24x1xi1>
    %broadcast_in_dim3A_39 = vector.broadcast %broadcast_in_dim3A_38 : vector<256x24x1xi1> to vector<256x24x64xi1>
    %broadcast_in_dim3A_40 = vector.broadcast %jit3A : f32 to vector<256x24x64xf32>
    %select_n3A_41 = arith.select %broadcast_in_dim3A_39, %mul3A, %broadcast_in_dim3A_40 : vector<256x24x64xi1>, vector<256x24x64xf32>
    %reduce_max3A = arith.constant dense<0xFF800000> : vector<256x64xf32>
    %reduce_max3A_42 = vector.multi_reduction <maximumf>, %select_n3A_41, %reduce_max3A [1] : vector<256x24x64xf32> to vector<256x64xf32>
    %swap3A = arith.constant 0 : index
    %swap3A_43 = arith.constant 0 : index
    %swap3A_44 = vector.load %arg5[%swap3A, %swap3A_43] : memref<256x64xf32, #tpu.memory_space<vmem>>, vector<256x64xf32>
    tpu.vector_store %arg5[%swap3A, %swap3A_43], %reduce_max3A_42 {strides = array<i32>} : memref<256x64xf32, #tpu.memory_space<vmem>>, vector<256x64xf32>,
    return
  }
  func.func @transform_0(%arg0: i32) -> (i32, i32) {
    %c0_i32 = arith.constant 0 : i32
    %c0_i32_0 = arith.constant 0 : i32
    return %arg0, %c0_i32 : i32, i32
  }
  func.func @transform_1(%arg0: i32) -> (i32, i32) {
    %c0_i32 = arith.constant 0 : i32
    %c0_i32_0 = arith.constant 0 : i32
    return %arg0, %c0_i32 : i32, i32
  }
  func.func @transform_2(%arg0: i32) -> (i32, i32) {
    %c0_i32 = arith.constant 0 : i32
    %c0_i32_0 = arith.constant 0 : i32
    %c0_i32_1 = arith.constant 0 : i32
    return %c0_i32, %c0_i32_0 : i32, i32
  }
  func.func @transform_3(%arg0: i32) -> (i32, i32) {
    %c0_i32 = arith.constant 0 : i32
    %c0_i32_0 = arith.constant 0 : i32
    %c0_i32_1 = arith.constant 0 : i32
    return %c0_i32, %c0_i32_0 : i32, i32
  }
  func.func @transform_4(%arg0: i32) -> (i32, i32) {
    %c0_i32 = arith.constant 0 : i32
    %c0_i32_0 = arith.constant 0 : i32
    return %arg0, %c0_i32 : i32, i32
  }
}

module attributes {stable_mosaic.version = 14 : i64} {
  func.func @_moments_kernel(%arg0: i32, %arg1: memref<2048x192xf32, #tpu.memory_space<vmem>>, %arg2: memref<192x192xf32, #tpu.memory_space<vmem>>, %arg3: memref<1x192xf32, #tpu.memory_space<vmem>>) attributes {dimension_semantics = [#tpu.dimension_semantics<arbitrary>], iteration_bounds = array<i64: 16>, scalar_prefetch = 0 : i64, scratch_operands = 0 : i64, tpu.core_type = #tpu.core_type<tc>, window_params = [{transform_indices = @transform_0, window_bounds = array<i64: 2048, 192>}, {pipeline_mode = #tpu.pipeline_mode<synchronous>, transform_indices = @transform_1, window_bounds = array<i64: 192, 192>}, {pipeline_mode = #tpu.pipeline_mode<synchronous>, transform_indices = @transform_2, window_bounds = array<i64: 1, 192>}]} {
    %eq3A = arith.constant 0 : i32
    %eq3A_0 = arith.cmpi eq, %arg0, %eq3A : i32
    %convert_element_type3A = arith.extui %eq3A_0 : i1 to i32
    %cond3A = arith.constant 0 : i32
    %cond3A_1 = arith.cmpi ne, %convert_element_type3A, %cond3A : i32
    scf.if %cond3A_1 {
      %broadcast_in_dim3A_19 = arith.constant 0.000000e+00 : f32
      %broadcast_in_dim3A_20 = vector.broadcast %broadcast_in_dim3A_19 : f32 to vector<192x192xf32>
      %swap3A_21 = arith.constant 0 : index
      %swap3A_22 = arith.constant 0 : index
      %swap3A_23 = vector.load %arg2[%swap3A_21, %swap3A_22] : memref<192x192xf32, #tpu.memory_space<vmem>>, vector<192x192xf32>
      tpu.vector_store %arg2[%swap3A_21, %swap3A_22], %broadcast_in_dim3A_20 {strides = array<i32>} : memref<192x192xf32, #tpu.memory_space<vmem>>, vector<192x192xf32>,
      %broadcast_in_dim3A_24 = arith.constant 0.000000e+00 : f32
      %broadcast_in_dim3A_25 = vector.broadcast %broadcast_in_dim3A_24 : f32 to vector<1x192xf32>
      %swap3A_26 = arith.constant 0 : index
      %swap3A_27 = arith.constant 0 : index
      %swap3A_28 = vector.load %arg3[%swap3A_26, %swap3A_27] : memref<1x192xf32, #tpu.memory_space<vmem>>, vector<1x192xf32>
      tpu.vector_store %arg3[%swap3A_26, %swap3A_27], %broadcast_in_dim3A_25 {strides = array<i32>} : memref<1x192xf32, #tpu.memory_space<vmem>>, vector<1x192xf32>,
    } else {
    }
    %get3A = arith.constant 0 : index
    %get3A_2 = arith.constant 0 : index
    %get3A_3 = vector.load %arg1[%get3A, %get3A_2] : memref<2048x192xf32, #tpu.memory_space<vmem>>, vector<2048x192xf32>
    %convert_element_type3A_4 = arith.truncf %get3A_3 : vector<2048x192xf32> to vector<2048x192xbf16>
    %get3A_5 = arith.constant 0 : index
    %get3A_6 = arith.constant 0 : index
    %get3A_7 = vector.load %arg2[%get3A_5, %get3A_6] : memref<192x192xf32, #tpu.memory_space<vmem>>, vector<192x192xf32>
    %dot_general3A = arith.constant dense<0.000000e+00> : vector<192x192xf32>
    %dot_general3A_8 = tpu.matmul %convert_element_type3A_4, %convert_element_type3A_4, %dot_general3A {dimension_numbers = #tpu.dot_dimension_numbers<[0], [0], [1], [1], [0, 1, 1, 1], [], []>, transpose_lhs_hint = false} : vector<2048x192xbf16>, vector<2048x192xbf16>, vector<192x192xf32> -> vector<192x192xf32>
    %add3A = arith.addf %get3A_7, %dot_general3A_8 : vector<192x192xf32>
    %swap3A = arith.constant 0 : index
    %swap3A_9 = arith.constant 0 : index
    %swap3A_10 = vector.load %arg2[%swap3A, %swap3A_9] : memref<192x192xf32, #tpu.memory_space<vmem>>, vector<192x192xf32>
    tpu.vector_store %arg2[%swap3A, %swap3A_9], %add3A {strides = array<i32>} : memref<192x192xf32, #tpu.memory_space<vmem>>, vector<192x192xf32>,
    %get3A_11 = arith.constant 0 : index
    %get3A_12 = arith.constant 0 : index
    %get3A_13 = vector.load %arg3[%get3A_11, %get3A_12] : memref<1x192xf32, #tpu.memory_space<vmem>>, vector<1x192xf32>
    %reduce_sum3A = arith.constant dense<0.000000e+00> : vector<192xf32>
    %reduce_sum3A_14 = vector.multi_reduction <add>, %get3A_3, %reduce_sum3A [0] : vector<2048x192xf32> to vector<192xf32>
    %broadcast_in_dim3A = vector.shape_cast %reduce_sum3A_14 : vector<192xf32> to vector<1x192xf32>
    %add3A_15 = arith.addf %get3A_13, %broadcast_in_dim3A : vector<1x192xf32>
    %swap3A_16 = arith.constant 0 : index
    %swap3A_17 = arith.constant 0 : index
    %swap3A_18 = vector.load %arg3[%swap3A_16, %swap3A_17] : memref<1x192xf32, #tpu.memory_space<vmem>>, vector<1x192xf32>
    tpu.vector_store %arg3[%swap3A_16, %swap3A_17], %add3A_15 {strides = array<i32>} : memref<1x192xf32, #tpu.memory_space<vmem>>, vector<1x192xf32>,
    return
  }
  func.func @transform_0(%arg0: i32) -> (i32, i32) {
    %c0_i32 = arith.constant 0 : i32
    %c0_i32_0 = arith.constant 0 : i32
    return %arg0, %c0_i32 : i32, i32
  }
  func.func @transform_1(%arg0: i32) -> (i32, i32) {
    %c0_i32 = arith.constant 0 : i32
    %c0_i32_0 = arith.constant 0 : i32
    %c0_i32_1 = arith.constant 0 : i32
    return %c0_i32, %c0_i32_0 : i32, i32
  }
  func.func @transform_2(%arg0: i32) -> (i32, i32) {
    %c0_i32 = arith.constant 0 : i32
    %c0_i32_0 = arith.constant 0 : i32
    %c0_i32_1 = arith.constant 0 : i32
    return %c0_i32, %c0_i32_0 : i32, i32
  }
}

module attributes {stable_mosaic.version = 14 : i64} {
  func.func @_fold_kernel(%arg0: memref<192x192xf32, #tpu.memory_space<vmem>>, %arg1: memref<1x192xf32, #tpu.memory_space<vmem>>, %arg2: memref<1024x192xf32, #tpu.memory_space<vmem>>, %arg3: memref<1024x2xf32, #tpu.memory_space<vmem>>) attributes {dimension_semantics = [], scalar_prefetch = 0 : i64, scratch_operands = 0 : i64, tpu.core_type = #tpu.core_type<tc>} {
    %get3A = arith.constant 0 : index
    %get3A_0 = arith.constant 0 : index
    %get3A_1 = vector.load %arg2[%get3A, %get3A_0] : memref<1024x192xf32, #tpu.memory_space<vmem>>, vector<1024x192xf32>
    %get3A_2 = arith.constant 0 : index
    %get3A_3 = arith.constant 0 : index
    %get3A_4 = vector.load %arg1[%get3A_2, %get3A_3] : memref<1x192xf32, #tpu.memory_space<vmem>>, vector<1x192xf32>
    %div3A = arith.constant 3.276800e+04 : f32
    %div3A_5 = vector.broadcast %div3A : f32 to vector<1x192xf32>
    %div3A_6 = arith.divf %get3A_4, %div3A_5 : vector<1x192xf32>
    %dot_general3A = arith.constant dense<0.000000e+00> : vector<1024x1xf32>
    %dot_general3A_7 = tpu.matmul %get3A_1, %div3A_6, %dot_general3A {dimension_numbers = #tpu.dot_dimension_numbers<[1], [1], [0], [0], [0, 0, 1, 0], [], []>, transpose_lhs_hint = false} : vector<1024x192xf32>, vector<1x192xf32>, vector<1024x1xf32> -> vector<1024x1xf32>
    %get3A_8 = arith.constant 0 : index
    %get3A_9 = arith.constant 0 : index
    %get3A_10 = vector.load %arg0[%get3A_8, %get3A_9] : memref<192x192xf32, #tpu.memory_space<vmem>>, vector<192x192xf32>
    %dot_general3A_11 = arith.constant dense<0.000000e+00> : vector<1024x192xf32>
    %dot_general3A_12 = tpu.matmul %get3A_1, %get3A_10, %dot_general3A_11 {dimension_numbers = #tpu.dot_dimension_numbers<[1], [0], [0], [1], [0, 0, 1, 1], [], []>, transpose_lhs_hint = false} : vector<1024x192xf32>, vector<192x192xf32>, vector<1024x192xf32> -> vector<1024x192xf32>
    %mul3A = arith.mulf %dot_general3A_12, %get3A_1 : vector<1024x192xf32>
    %reduce_sum3A = arith.constant dense<0.000000e+00> : vector<1024xf32>
    %reduce_sum3A_13 = vector.multi_reduction <add>, %mul3A, %reduce_sum3A [1] : vector<1024x192xf32> to vector<1024xf32>
    %broadcast_in_dim3A = vector.shape_cast %reduce_sum3A_13 : vector<1024xf32> to vector<1024x1xf32>
    %div3A_14 = arith.constant 3.276800e+04 : f32
    %div3A_15 = vector.broadcast %div3A_14 : f32 to vector<1024x1xf32>
    %div3A_16 = arith.divf %broadcast_in_dim3A, %div3A_15 : vector<1024x1xf32>
    %mul3A_17 = arith.mulf %dot_general3A_7, %dot_general3A_7 : vector<1024x1xf32>
    %sub3A = arith.subf %div3A_16, %mul3A_17 : vector<1024x1xf32>
    %add3A = arith.constant 9.99999974E-6 : f32
    %add3A_18 = vector.broadcast %add3A : f32 to vector<1024x1xf32>
    %add3A_19 = arith.addf %sub3A, %add3A_18 : vector<1024x1xf32>
    %sqrt3A = math.sqrt %add3A_19 : vector<1024x1xf32>
    %div3A_20 = arith.constant 1.000000e+00 : f32
    %div3A_21 = vector.broadcast %div3A_20 : f32 to vector<1024x1xf32>
    %div3A_22 = arith.divf %div3A_21, %sqrt3A : vector<1024x1xf32>
    %concatenate3A = tpu.concatenate %dot_general3A_7, %div3A_22 in 1 : vector<1024x1xf32>, vector<1024x1xf32> -> vector<1024x2xf32>
    %swap3A = arith.constant 0 : index
    %swap3A_23 = arith.constant 0 : index
    %swap3A_24 = vector.load %arg3[%swap3A, %swap3A_23] : memref<1024x2xf32, #tpu.memory_space<vmem>>, vector<1024x2xf32>
    tpu.vector_store %arg3[%swap3A, %swap3A_23], %concatenate3A {strides = array<i32>} : memref<1024x2xf32, #tpu.memory_space<vmem>>, vector<1024x2xf32>,
    return
  }
}

module attributes {stable_mosaic.version = 14 : i64} {
  func.func @_final_conv_kernel(%arg0: i32, %arg1: memref<512x192xf32, #tpu.memory_space<vmem>>, %arg2: memref<1024x192xf32, #tpu.memory_space<vmem>>, %arg3: memref<1024x2xf32, #tpu.memory_space<vmem>>, %arg4: memref<1x1024x512xf32, #tpu.memory_space<vmem>>) attributes {dimension_semantics = [#tpu.dimension_semantics<arbitrary>], iteration_bounds = array<i64: 64>, scalar_prefetch = 0 : i64, scratch_operands = 0 : i64, tpu.core_type = #tpu.core_type<tc>, window_params = [{transform_indices = @transform_0, window_bounds = array<i64: 512, 192>}, {pipeline_mode = #tpu.pipeline_mode<synchronous>, transform_indices = @transform_1, window_bounds = array<i64: 1024, 192>}, {pipeline_mode = #tpu.pipeline_mode<synchronous>, transform_indices = @transform_2, window_bounds = array<i64: 1024, 2>}, {transform_indices = @transform_3, window_bounds = array<i64: 1, 1024, 512>}]} {
    %get3A = arith.constant 0 : index
    %get3A_0 = arith.constant 0 : index
    %get3A_1 = vector.load %arg2[%get3A, %get3A_0] : memref<1024x192xf32, #tpu.memory_space<vmem>>, vector<1024x192xf32>
    %convert_element_type3A = arith.truncf %get3A_1 : vector<1024x192xf32> to vector<1024x192xbf16>
    %get3A_2 = arith.constant 0 : index
    %get3A_3 = arith.constant 0 : index
    %get3A_4 = vector.load %arg1[%get3A_2, %get3A_3] : memref<512x192xf32, #tpu.memory_space<vmem>>, vector<512x192xf32>
    %convert_element_type3A_5 = arith.truncf %get3A_4 : vector<512x192xf32> to vector<512x192xbf16>
    %dot_general3A = arith.constant dense<0.000000e+00> : vector<1024x512xf32>
    %dot_general3A_6 = tpu.matmul %convert_element_type3A, %convert_element_type3A_5, %dot_general3A {dimension_numbers = #tpu.dot_dimension_numbers<[1], [1], [0], [0], [0, 0, 1, 0], [], []>, transpose_lhs_hint = false} : vector<1024x192xbf16>, vector<512x192xbf16>, vector<1024x512xf32> -> vector<1024x512xf32>
    %get3A_7 = arith.constant 0 : index
    %get3A_8 = arith.constant 0 : index
    %get3A_9 = vector.load %arg3[%get3A_7, %get3A_8] : memref<1024x2xf32, #tpu.memory_space<vmem>>, vector<1024x1xf32>
    %get3A_10 = arith.constant 0 : index
    %get3A_11 = arith.constant 1 : index
    %get3A_12 = vector.load %arg3[%get3A_10, %get3A_11] : memref<1024x2xf32, #tpu.memory_space<vmem>>, vector<1024x1xf32>
    %sub3A = vector.broadcast %get3A_9 : vector<1024x1xf32> to vector<1024x512xf32>
    %sub3A_13 = arith.subf %dot_general3A_6, %sub3A : vector<1024x512xf32>
    %mul3A = vector.broadcast %get3A_12 : vector<1024x1xf32> to vector<1024x512xf32>
    %mul3A_14 = arith.mulf %sub3A_13, %mul3A : vector<1024x512xf32>
    %custom_jvp_call3A = arith.constant 0.000000e+00 : f32
    %max3A = vector.broadcast %custom_jvp_call3A : f32 to vector<1024x512xf32>
    %max3A_15 = arith.maximumf %mul3A_14, %max3A : vector<1024x512xf32>
    %sub3A_16 = vector.broadcast %custom_jvp_call3A : f32 to vector<1024x512xf32>
    %sub3A_17 = arith.subf %mul3A_14, %sub3A_16 : vector<1024x512xf32>
    %ne3A = arith.cmpf one, %sub3A_17, %sub3A_17 : vector<1024x512xf32>
    %add3A = vector.broadcast %custom_jvp_call3A : f32 to vector<1024x512xf32>
    %add3A_18 = arith.addf %mul3A_14, %add3A : vector<1024x512xf32>
    %abs3A = math.absf %sub3A_17 : vector<1024x512xf32>
    %neg3A = arith.constant 0.000000e+00 : f32
    %neg3A_19 = vector.broadcast %neg3A : f32 to vector<1024x512xf32>
    %neg3A_20 = arith.subf %neg3A_19, %abs3A : vector<1024x512xf32>
    %exp3A = math.exp %neg3A_20 : vector<1024x512xf32>
    %log1p3A = math.log1p %exp3A : vector<1024x512xf32>
    %add3A_21 = arith.addf %max3A_15, %log1p3A : vector<1024x512xf32>
    %select_n3A = arith.select %ne3A, %add3A_18, %add3A_21 : vector<1024x512xi1>, vector<1024x512xf32>
    %tanh3A = math.tanh %select_n3A : vector<1024x512xf32>
    %mul3A_22 = arith.mulf %mul3A_14, %tanh3A : vector<1024x512xf32>
    %swap3A = arith.constant 0 : index
    %swap3A_23 = arith.constant 0 : index
    %swap3A_24 = arith.constant 0 : index
    %swap3A_25 = vector.load %arg4[%swap3A, %swap3A_23, %swap3A_24] : memref<1x1024x512xf32, #tpu.memory_space<vmem>>, vector<1x1024x512xf32>
    %swap3A_26 = vector.shape_cast %swap3A_25 : vector<1x1024x512xf32> to vector<1024x512xf32>
    %swap3A_27 = vector.shape_cast %mul3A_22 : vector<1024x512xf32> to vector<1x1024x512xf32>
    tpu.vector_store %arg4[%swap3A, %swap3A_23, %swap3A_24], %swap3A_27 {strides = array<i32>} : memref<1x1024x512xf32, #tpu.memory_space<vmem>>, vector<1x1024x512xf32>,
    return
  }
  func.func @transform_0(%arg0: i32) -> (i32, i32) {
    %c0_i32 = arith.constant 0 : i32
    %c0_i32_0 = arith.constant 0 : i32
    return %arg0, %c0_i32 : i32, i32
  }
  func.func @transform_1(%arg0: i32) -> (i32, i32) {
    %c0_i32 = arith.constant 0 : i32
    %c0_i32_0 = arith.constant 0 : i32
    %c0_i32_1 = arith.constant 0 : i32
    return %c0_i32, %c0_i32_0 : i32, i32
  }
  func.func @transform_2(%arg0: i32) -> (i32, i32) {
    %c0_i32 = arith.constant 0 : i32
    %c0_i32_0 = arith.constant 0 : i32
    %c0_i32_1 = arith.constant 0 : i32
    return %c0_i32, %c0_i32_0 : i32, i32
  }
  func.func @transform_3(%arg0: i32) -> (i32, i32, i32) {
    %jit3A = arith.constant 8 : i32
    %div3A = arith.divsi %arg0, %jit3A : i32
    %sign3A = arith.constant 0 : i32
    %sign3A_0 = arith.cmpi sgt, %arg0, %sign3A : i32
    %sign3A_1 = arith.extui %sign3A_0 : i1 to i32
    %sign3A_2 = arith.constant 0 : i32
    %sign3A_3 = arith.cmpi slt, %arg0, %sign3A_2 : i32
    %sign3A_4 = arith.extui %sign3A_3 : i1 to i32
    %sign3A_5 = arith.subi %sign3A_1, %sign3A_4 : i32
    %sign3A_6 = arith.constant 0 : i32
    %sign3A_7 = arith.cmpi sgt, %jit3A, %sign3A_6 : i32
    %sign3A_8 = arith.extui %sign3A_7 : i1 to i32
    %sign3A_9 = arith.constant 0 : i32
    %sign3A_10 = arith.cmpi slt, %jit3A, %sign3A_9 : i32
    %sign3A_11 = arith.extui %sign3A_10 : i1 to i32
    %sign3A_12 = arith.subi %sign3A_8, %sign3A_11 : i32
    %ne3A = arith.cmpi ne, %sign3A_5, %sign3A_12 : i32
    %rem3A = arith.remsi %arg0, %jit3A : i32
    %ne3A_13 = arith.constant 0 : i32
    %ne3A_14 = arith.cmpi ne, %rem3A, %ne3A_13 : i32
    %and3A = arith.andi %ne3A, %ne3A_14 : i1
    %sub3A = arith.constant 1 : i32
    %sub3A_15 = arith.subi %div3A, %sub3A : i32
    %select_n3A = arith.select %and3A, %sub3A_15, %div3A : i32
    %jit3A_16 = arith.constant 8 : i32
    %eq3A = arith.constant 0 : i32
    %eq3A_17 = arith.cmpi eq, %jit3A_16, %eq3A : i32
    %jit3A_18 = arith.constant 1 : i32
    %select_n3A_19 = arith.select %eq3A_17, %jit3A_18, %jit3A_16 : i32
    %rem3A_20 = arith.remsi %arg0, %select_n3A_19 : i32
    %ne3A_21 = arith.constant 0 : i32
    %ne3A_22 = arith.cmpi ne, %rem3A_20, %ne3A_21 : i32
    %lt3A = arith.constant 0 : i32
    %lt3A_23 = arith.cmpi slt, %rem3A_20, %lt3A : i32
    %lt3A_24 = arith.constant 0 : i32
    %lt3A_25 = arith.cmpi slt, %select_n3A_19, %lt3A_24 : i32
    %ne3A_26 = arith.xori %lt3A_23, %lt3A_25 : i1
    %and3A_27 = arith.andi %ne3A_26, %ne3A_22 : i1
    %add3A = arith.addi %rem3A_20, %select_n3A_19 : i32
    %select_n3A_28 = arith.select %and3A_27, %add3A, %rem3A_20 : i32
    %c0_i32 = arith.constant 0 : i32
    %c0_i32_29 = arith.constant 0 : i32
    return %select_n3A, %c0_i32, %select_n3A_28 : i32, i32, i32
  }
}

</mosaic_0001>

<sc_bundles>
// kernel: kernel.19.cloned.1.call-start
scs
__scs_entry_jumppad:
0x0: {  	(pc) =	sbr.rel $0x88, $3  }
0x1: {  	(tag) =	ssettag $0x0;
	lr =	simm.s32 $0x1  }
0x2: {  	[smem:$0x3F9A] =	sst lr;
	_ =	strace $0xD0000000  }
0x3: {  	_ = 	snop  }
0x4: {  	_ = 	snop  }
0x5: {  	_ = 	snop  }
0x6: {  	_ = 	snop  }
0x7: {  	_ = 	snop  }
__scs_overlays_trampoline_lowered:
0x8: {  	[smem:$0x3FA9] =	sst s0  }
0x9: {  	[smem:$0x3FAA] =	sst s1  }
0xa: {  	[smem:$0x3FAB] =	sst s2  }
0xb: {  	[smem:$0x3FAC] =	sst s3  }
0xc: {  	[smem:$0x3FAD] =	sst s4  }
0xd: {  	[smem:$0x3FAE] =	sst s5  }
0xe: {  	[smem:$0x3FAF] =	sst s6  }
0xf: {  	[smem:$0x3FB0] =	sst s7  }
0x10: {  	[smem:$0x3FB1] =	sst s8  }
0x11: {  	[smem:$0x3FB2] =	sst s9;
	s0 =	simm.s32 @!p0 $0x0  }
0x12: {  	s1 =	sld [smem:$0x3F98];
	s0 =	simm.s32 @p0 $0x1  }
0x13: {  	[smem:$0x3FB3] =	sst s0;
	s0 =	simm.s32 @!p1 $0x0  }
0x14: {  	s2 =	sld [smem:$0x3F97];
	s0 =	simm.s32 @p1 $0x1  }
0x15: {  	[smem:$0x3FB4] =	sst s0;
	s0 =	simm.s32 @!p2 $0x0  }
0x16: {  	s3 =	sld [smem:$0x3FDB];
	s0 =	simm.s32 @p2 $0x1  }
0x17: {  	s4 =	simm.s32 $0x1BF5;
	[smem:$0x3FB6] =	sst s0  }
0x18: {  	s0 =	sld [smem:$0x3F99];
	_ =	swait.ge [sflag:s4], $0x0  }
0x19: {  	s7 =	sld [smem:$0x3F9A]  }
0x1a: {  	s8 =	sadd.s32 $0xFFFFE003, lr  }
0x1b: {  	s9 =	sadd.s32 $0xFFFFFEF7, lr;
	s5 =	simm.s32 $0xFFFFFFFF;
	p2 =	slt.u32 s8, $0xFFFFF086  }
0x1c: {  	p1 =	slt.u32 s9, $0xF7A;
	s5 =	simm.s32 @!p2 $0x0  }
0x1d: {  	s5 =	simm.s32 @p1 $0x1;
	p0 =	seq.s32 s7, s2  }
0x1e: {  	s7 =	smul.u32 @!p0 $0xF7A, s2;
	p2 =	seq.s32 @!p0 s5, $0x0  }
0x1f: {  	s9 =	smul.u32 $0xF7A, s1;
	s8 =	simm.s32 @!p0 $0x1BF5;
	p2 =	por !p2, p0  }
0x20: {  	[sflag:s8] =	ssyncset.s32 @!p0 $0xFFFFF086;
	s6 =	sadd.s32 @!p0 s3, s7;
	s7 =	simm.s32 @!p0 $0x108  }
0x21: {  	s3 =	sadd.s32 s3, s9;
	s6 =	sadd.s32 @!p0 $0x88, s6;
	s7 =	simm.s32 @p2 $0x1082  }
0x22: {  	[simem:s7], [sflag:s8] =	dma.local @!p0 [hbm:s6], $0xF7A  }
0x23: {  	s9 =	sor.u32 $0xD0000000, s2;
	s6 =	simm.s32 $0x108;
	_ =	swait.ge @!p0 [sflag:s8], $0x0  }
0x24: {  	s3 =	sadd.s32 $0x88, s3;
	s6 =	simm.s32 @!p1 $0x1082;
	[sflag:s4] =	ssyncset.s32 $0xFFFFF086  }
0x25: {  	[simem:s6], [sflag:s4] =	dma.local [hbm:s3], $0xF7A  }
0x26: {  	[smem:$0x3F9A] =	sst s1;
	(tag) =	ssettag s2;
	_ =	strace s9  }
0x27: {  	s1 =	sld [smem:$0x3FAA]  }
0x28: {  	s2 =	sld [smem:$0x3FAB]  }
0x29: {  	s4 =	sld [smem:$0x3FAD]  }
0x2a: {  	p0 =	seq.s32 s5, $0x0;
	s5 =	sld [smem:$0x3FAE]  }
0x2b: {  	s6 =	sld [smem:$0x3FAF]  }
0x2c: {  	s7 =	sld [smem:$0x3FB0]  }
0x2d: {  	s3 =	simm.s32 $0x108;
	s8 =	sld [smem:$0x3FB1]  }
0x2e: {  	s3 =	simm.s32 @!p0 $0x1082;
	s9 =	sld [smem:$0x3FB2]  }
0x2f: {  	lr =	sadd.s32 s0, s3;
	s0 =	sld [smem:$0x3FA9]  }
0x30: {  	s3 =	sld [smem:$0x3FAC]  }
0x31: {  	[smem:$0x3FB5] =	sst s10  }
0x32: {  	s10 =	sld [smem:$0x3FB3];
	_ =	sdelay $0x3  }
0x33: {  	p0 =	seq.s32 s10, $0x1;
	s10 =	sld [smem:$0x3FB5];
	_ =	sdelay $0x3  }
0x34: {  	[smem:$0x3FB5] =	sst s10  }
0x35: {  	s10 =	sld [smem:$0x3FB4];
	_ =	sdelay $0x3  }
0x36: {  	p1 =	seq.s32 s10, $0x1;
	s10 =	sld [smem:$0x3FB5];
	_ =	sdelay $0x3  }
0x37: {  	[smem:$0x3FB5] =	sst s10  }
0x38: {  	s10 =	sld [smem:$0x3FB6]  }
0x39: {  	_ = 	snop;
	(pc) =	sbr.ind lr, $3  }
0x3a: {  	_ = 	snop  }
0x3b: {  	_ = 	snop  }
0x3c: {  	p2 =	seq.s32 s10, $0x1;
	s10 =	sld [smem:$0x3FB5]  }
0x3d: {  	_ =	shalt  }
0x3e: {  	_ =	shalt  }
0x3f: {  	_ =	shalt  }
0x40: {  	_ =	shalt  }
0x41: {  	_ =	shalt  }
0x42: {  	_ =	shalt  }
0x43: {  	_ =	shalt  }
0x44: {  	_ =	shalt  }
0x45: {  	_ =	shalt  }
0x46: {  	_ =	shalt  }
0x47: {  	_ =	shalt  }
0x48: {  	_ =	shalt  }
0x49: {  	_ =	shalt  }
0x4a: {  	_ =	shalt  }
0x4b: {  	_ =	shalt  }
0x4c: {  	_ =	shalt  }
0x4d: {  	_ =	shalt  }
0x4e: {  	_ =	shalt  }
0x4f: {  	_ =	shalt  }
0x50: {  	_ =	shalt  }
0x51: {  	_ =	shalt  }
0x52: {  	_ =	shalt  }
0x53: {  	_ =	shalt  }
0x54: {  	_ =	shalt  }
0x55: {  	_ =	shalt  }
0x56: {  	_ =	shalt  }
0x57: {  	_ =	shalt  }
0x58: {  	_ =	shalt  }
0x59: {  	_ =	shalt  }
0x5a: {  	_ =	shalt  }
0x5b: {  	_ =	shalt  }
0x5c: {  	_ =	shalt  }
0x5d: {  	_ =	shalt  }
0x5e: {  	_ =	shalt  }
0x5f: {  	_ =	shalt  }
0x60: {  	_ =	shalt  }
0x61: {  	_ =	shalt  }
0x62: {  	_ =	shalt  }
0x63: {  	_ =	shalt  }
0x64: {  	_ =	shalt  }
0x65: {  	_ =	shalt  }
0x66: {  	_ =	shalt  }
0x67: {  	_ =	shalt  }
0x68: {  	_ =	shalt  }
0x69: {  	_ =	shalt  }
0x6a: {  	_ =	shalt  }
0x6b: {  	_ =	shalt  }
0x6c: {  	_ =	shalt  }
0x6d: {  	_ =	shalt  }
0x6e: {  	_ =	shalt  }
0x6f: {  	_ =	shalt  }
0x70: {  	_ =	shalt  }
0x71: {  	_ =	shalt  }
0x72: {  	_ =	shalt  }
0x73: {  	_ =	shalt  }
0x74: {  	_ =	shalt  }
0x75: {  	_ =	shalt  }
0x76: {  	_ =	shalt  }
0x77: {  	_ =	shalt  }
0x78: {  	_ =	shalt  }
0x79: {  	_ =	shalt  }
0x7a: {  	_ =	shalt  }
0x7b: {  	_ =	shalt  }
0x7c: {  	_ =	shalt  }
0x7d: {  	_ =	shalt  }
0x7e: {  	_ =	shalt  }
0x7f: {  	_ =	shalt  }
0x80: {  	_ =	shalt  }
0x81: {  	_ =	shalt  }
0x82: {  	_ =	shalt  }
0x83: {  	_ =	shalt  }
0x84: {  	_ =	shalt  }
0x85: {  	_ =	shalt  }
0x86: {  	_ =	shalt  }
0x87: {  	_ =	shalt  }
.Lfunc_end0:
.L_simem_size_0:
called_computation_lowered:
.L_overlay_start_0:
0x88: {  	s2 =	sld [smem:$0x3FD9]  }
0x89: {  	s3 =	sld [smem:$0x3FFE];
	_ =	sdelay $0x1  }
0x8a: {  	s1 =	srdreg.scid  }
0x8b: {  	s0 =	sand.u32 $0x1, s1  }
0x8c: {  	s17 =	sshll.u32 s0, $0xA;
	s2 =	sadd.s32 s3, s2  }
0x8d: {  	s2 =	sadd.s32 s2, s17  }
0x8e: {  	[smem:$0x3FC1] =	sst s2  }
0x8f: {  	_ = 	snop  }
0x90: {  	s2 =	sld [smem:$0x3FD0];
	(tm) =	ssettm $0x1  }
0x91: {  	s18 =	sld [smem:$0x3FFB];
	_ =	sdelay $0x3  }
0x92: {  	_ =	strace s18  }
0x93: {  	s3 =	sld [smem:$0x3FFC];
	_ =	sdelay $0x3  }
0x94: {  	_ =	strace s3  }
0x95: {  	s3 =	sld [smem:$0x3FFD];
	_ =	sdelay $0x3  }
0x96: {  	_ =	strace s3  }
0x97: {  	_ =	strace $0x8FFFFFFF  }
0x98: {  	s19 =	sld [smem:$0x3FDB];
	_ =	sdelay $0x1  }
0x99: {  	s4 =	simm.s32 $_scs_section_size  }
0x9a: {  	s5 =	simm.s32 $_size__tile_overlayer_lowered;
	s6 =	simm.s32 $_tile_overlayer_lowered  }
0x9b: {  	s22 =	simm.s32 $0x1BFF;
	s21 =	sshll.u32 s6, $0x1;
	s3 =	sadd.s32 s4, s19  }
0x9c: {  	s7 =	simm.s32 $0x0;
	s20 =	sshll.u32 s5, $0x1;
	s5 =	sadd.s32 s21, s3  }
0x9d: {  	[timem:s7], [sflag:s22] =	dma.local [hbm:s5], s20  }
0x9e: {  	_ =	swait.ge [sflag:s22], s20  }
0x9f: {  	s4 =	ssub.s32 $0x0, s20;
	[sflag:s22] =	ssyncset.done $0x0  }
0xa0: {  	[sflag:s22] =	ssyncadd.s32 s4;
	_ =	sdelay $0x1  }
0xa1: {  	s23 =	simm.s32 $0x1B8B  }
0xa2: {  	_ =	swait.ge [sflag:s23], $0x1  }
0xa3: {  	[sflag:s23] =	ssyncset.done $0x0  }
0xa4: {  	s25 =	simm.s32 $0x1B8E;
	s24 =	sld [smem:$0x3FFE];
	[sflag:s23] =	ssyncadd.s32 $0xFFFFFFFF  }
0xa5: {  	s26 =	simm.s32 $execute0_lowered;
	[smem:$0x3FD2] =	sst s25  }
0xa6: {  	s5 =	sshll.u32 s26, $0x1;
	_ =	strace $0x80000046;
	[dreg:$0x1] =	wrdreg $0xFFFFFFFF  }
0xa7: {  	s28 =	simm.s32 $_size_execute0_lowered;
	s3 =	sadd.s32 s3, s5;
	[dreg:$0x0] =	wrdreg $0x0  }
0xa8: {  	s5 =	sshll.u32 s28, $0x1;
	[dreg:$0x2] =	wrdreg s3  }
0xa9: {  	[dreg:$0x3] =	wrdreg s5  }
0xaa: {  	[dreg:$0x4] =	wrdreg $0xC0  }
0xab: {  	_ =	task [dreg:s7], $0x5FFFF  }
0xac: {  	[dreg:$0x1] =	wrdreg $0xFFFFFFFF  }
0xad: {  	[dreg:$0x0] =	wrdreg $0x60  }
0xae: {  	[dreg:$0x2] =	wrdreg s24  }
0xaf: {  	[dreg:$0x3] =	wrdreg s2  }
0xb0: {  	[dreg:$0x4] =	wrdreg $0x9  }
0xb1: {  	_ =	task.clear_ibuf [dreg:s7], $0x5FFFF;
	_ =	strace $0x90000046  }
0xb2: {  	s29 =	simm.s32 $0x9;
	_ =	strace $0x80000048  }
0xb3: {  	_ =	swait.ge [sflag:s29], $0x1  }
0xb4: {  	[sflag:s29] =	ssyncadd.s32 $0xFFFFFFFF  }
0xb5: {  	_ =	strace $0x90000048  }
0xb6: {  	_ =	sfence  }
0xb7: {  	s30 =	sld [smem:$0x0];
	_ =	sdelay $0x2  }
0xb8: {  	s31 =	sshll.u32 s1, $0xD;
	s1 =	sshrl.u32 s1, $0x2  }
0xb9: {  	s3 =	sand.u32 $0x4000, s31;
	s1 =	sadd.s32 s1, s30  }
0xba: {  	s0 =	sor.u32 s3, s0;
	s1 =	sshll.u32 s1, $0x11  }
0xbb: {  	s0 =	sor.u32 s1, s0  }
0xbc: {  	s0 =	sadd.s32 $0x8F2B, s0  }
0xbd: {  	[sflag:s0] =	ssyncadd.remote.s32 $0x1  }
0xbe: {  	_ =	sfence.sel $0xFFFF  }
0xbf: {  	[dreg:$0x0] =	wrdreg $0xFFFFFFFF;
	(pc) =	sbr.abs _section_cstart, $3  }
0xc0: {  	[dreg:$0x1] =	wrdreg $0xFFFFFFFF  }
0xc1: {  	_ =	task.clear_ibuf [dreg:s7], $0x2FFFF;
	_ =	strace $0x9FFFFFFF  }
0xc2: {  	(tm) =	ssettm $0x7FFFFFFF  }
0xc3: {  	_ =	shalt  }
tec
execute0_lowered:
.L_overlay_start_1:
0x0: {  	(tag) =	ssettag $0x1  }
0x1: {  	s4 =	rddreg [dreg:$0x0]  }
0x2: {  	s5 =	rddreg [dreg:$0x1]  }
0x3: {  	s0 =	rddreg [dreg:$0x2];
	s1 =	stileid.u32  }
0x4: {  	s3 =	srdreg.scid;
	s2 =	simm.s32 $0x0;
	s7 =	smul.u32 $0xC000, s1  }
0x5: {  	s6 =	sand.u32 $0x1, s3;
	[smem:$0x7FF] =	sst s2;
	s10 =	smul.u32 $0x18000, s1  }
0x6: {  	s3 =	sadd.s32 $0x100A00, s4;
	s8 =	smul.u32 $0x6000, s6;
	s9 =	ssub.s32 $0x2, s6  }
0x7: {  	_ =	strace $0x80000047;
	s6 =	smul.u32 $0xC000, s6;
	s31 =	sshrl.u32 s9, $0x1  }
0x8: {  	s5 =	sadd.s32 s10, s5;
	s10 =	simm.s32 $0x0;
	s7 =	sadd.s32 s8, s7  }
0x9: {  	s8 =	ssub.s32 s9, s31;
	s5 =	sadd.s32 s6, s5;
	s7 =	sshrl.u32 s7, $0x3  }
0xa: {  	s9 =	simm.s32 $0x1;
	s7 =	sadd.s32 s7, s4;
	s4 =	smax.u32 s8, $0x1  }
0xb: {  	s8 =	simm.s32 $0x80;
	s6 =	sadd.s32 $0xA00, s7;
	s7 =	simm.s32 $0x2  }
.LBB2_1:
0xc: {  	s11 =	sadd.s32 $0x0, s6  }
0xd: {  	[tilespmem:s2], [sflag:$0x2] =	stream.linear.gather [hbm4b:s11+s2], $0x80, $0x38;
	[tilespmem:$0x880] =	vst v63  }
0xe: {  	_ =	swait.ge [sflag:s7], $0x80  }
0xf: {  	[sflag:s7] =	ssyncset.done $0x0  }
0x10: {  	[sflag:s7] =	ssyncadd.s32 $0xFFFFFF80  }
0x11: {  	[tilespmem:s8], [sflag:$0x1] =	stream.indirect.gather [hbm4b:s3+s8], $0x10, s2, s8, $0xb8;
	[tilespmem:$0x880] =	vst v63  }
0x12: {  	_ =	swait.ge [sflag:s9], $0x800  }
0x13: {  	[sflag:s9] =	ssyncset.done $0x0  }
0x14: {  	[sflag:s9] =	ssyncadd.s32 $0xFFFFF800  }
0x15: {  	[hbm4b:s5+s2] =	stream.linear.scatter [tilespmem:s8], [sflag:$0x2], $0x800, $0x38;
	[tilespmem:$0x880] =	vst v63  }
0x16: {  	s12 =	simm.s32 $0x10;
	_ =	swait.ge [sflag:s7], $0x800  }
0x17: {  	s13 =	simm.s32 $0x20;
	s11 =	sadd.s32 $0x100, s5;
	[sflag:s7] =	ssyncset.done $0x0  }
.LBB2_2:
0x18: {  	s14 =	sadd.s32 s12, s6  }
0x19: {  	[sflag:s7] =	ssyncadd.s32 $0xFFFFF800;
	s12 =	smov.u32 s13;
	s15 =	sadd.s32 $0x10, s13  }
0x1a: {  	[tilespmem:s2], [sflag:$0x2] =	stream.linear.gather [hbm4b:s14+s2], $0x80, $0x38;
	[tilespmem:$0x880] =	vst v63  }
0x1b: {  	p0 =	sne.s32 s13, $0xBF0;
	_ =	swait.ge [sflag:s7], $0x80  }
0x1c: {  	[sflag:s7] =	ssyncset.done $0x0  }
0x1d: {  	[sflag:s7] =	ssyncadd.s32 $0xFFFFFF80  }
0x1e: {  	[tilespmem:s8], [sflag:$0x1] =	stream.indirect.gather [hbm4b:s3+s8], $0x10, s2, s8, $0xb8;
	[tilespmem:$0x880] =	vst v63  }
0x1f: {  	_ =	swait.ge [sflag:s9], $0x800  }
.Ltmp0:
0x20: {  	[sflag:s9] =	ssyncset.done $0x0;
	(pc) =	sbr.rel @p0 .LBB2_2-.Ltmp0, $4  }
0x21: {  	[sflag:s9] =	ssyncadd.s32 $0xFFFFF800  }
0x22: {  	[hbm4b:s11+s2] =	stream.linear.scatter [tilespmem:s8], [sflag:$0x2], $0x800, $0x38;
	[tilespmem:$0x880] =	vst v63  }
0x23: {  	_ =	swait.ge [sflag:s7], $0x800  }
0x24: {  	s13 =	smov.u32 s15;
	s11 =	sadd.s32 $0x100, s11;
	[sflag:s7] =	ssyncset.done $0x0  }
0x25: {  	s12 =	sadd.s32 s12, s6;
	[sflag:s7] =	ssyncadd.s32 $0xFFFFF800  }
0x26: {  	[tilespmem:s2], [sflag:$0x2] =	stream.linear.gather [hbm4b:s12+s2], $0x80, $0x38;
	[tilespmem:$0x880] =	vst v63  }
0x27: {  	_ =	swait.ge [sflag:s7], $0x80  }
0x28: {  	[sflag:s7] =	ssyncset.done $0x0  }
0x29: {  	[sflag:s7] =	ssyncadd.s32 $0xFFFFFF80  }
0x2a: {  	[tilespmem:s8], [sflag:$0x1] =	stream.indirect.gather [hbm4b:s3+s8], $0x10, s2, s8, $0xb8;
	[tilespmem:$0x880] =	vst v63  }
0x2b: {  	s10 =	sadd.s32 $0x1, s10;
	_ =	swait.ge [sflag:s9], $0x800  }
0x2c: {  	p0 =	sne.s32 s10, s4;
	[sflag:s9] =	ssyncset.done $0x0  }
.Ltmp1:
0x2d: {  	[sflag:s9] =	ssyncadd.s32 $0xFFFFF800;
	(pc) =	sbr.rel @p0 .LBB2_1-.Ltmp1, $4  }
0x2e: {  	[hbm4b:s11+s2] =	stream.linear.scatter [tilespmem:s8], [sflag:$0x2], $0x800, $0x38;
	[tilespmem:$0x880] =	vst v63  }
0x2f: {  	_ =	swait.ge [sflag:s7], $0x800  }
0x30: {  	[sflag:s7] =	ssyncset.done $0x0  }
0x31: {  	[sflag:s7] =	ssyncadd.s32 $0xFFFFF800  }
0x32: {  	_ =	sfence.sel $0x180000  }
0x33: {  	[bflag:$0x0] =	sbarrier.arrive $0xFFFF  }
0x34: {  	p0 =	sne.s32 s1, $0x0;
	_ =	strace $0x90000047  }
0x35: {  	s0 =	sadd.s32 @!p0 $0x100000, s0;
	[bflag:$0x2] =	sbarrier.arrive $0xFFFF  }
0x36: {  	[sflag:s0] =	ssyncadd.tile.s32 @!p0 $0x1;
	_ =	shalt  }
.Lfunc_end2:
_tile_overlayer_lowered:
.L_overlay_start_2:
0x37: {  	(tag) =	ssettag $0x2  }
0x38: {  	s0 =	rddreg [dreg:$0x0];
	s2 =	stileid.u32  }
0x39: {  	s1 =	rddreg [dreg:$0x1];
	p0 =	sne.s32 s2, $0x0  }
0x3a: {  	s3 =	rddreg [dreg:$0x2];
	[bflag:$0x3] =	sbarrier.arrive $0xFFFF;
	s2 =	simm.s32 @!p0 $0x1C02  }
0x3b: {  	[timem:s3], [sflag:s2] =	dma.local @!p0 [hbm:s0], s1  }
0x3c: {  	s0 =	simm.s32 @!p0 $0x2  }
0x3d: {  	_ =	swait.ge @!p0 [sflag:s0], s1  }
0x3e: {  	s1 =	ssub.s32 @!p0 $0x0, s1;
	[sflag:s0] =	ssyncset.done @!p0 $0x0  }
0x3f: {  	[sflag:s0] =	ssyncadd.s32 @!p0 s1  }
0x40: {  	[bflag:$0x3] =	sbarrier.arrive $0xFFFF  }
0x41: {  	_ =	shalt  }

// kernel: kernel.22.cloned.1.call-start
scs
__scs_entry_jumppad:
0x0: {  	(pc) =	sbr.rel $0x88, $3  }
0x1: {  	(tag) =	ssettag $0x0;
	lr =	simm.s32 $0x1  }
0x2: {  	[smem:$0x3F9A] =	sst lr;
	_ =	strace $0xD0000000  }
0x3: {  	_ = 	snop  }
0x4: {  	_ = 	snop  }
0x5: {  	_ = 	snop  }
0x6: {  	_ = 	snop  }
0x7: {  	_ = 	snop  }
__scs_overlays_trampoline_lowered:
0x8: {  	[smem:$0x3FA9] =	sst s0  }
0x9: {  	[smem:$0x3FAA] =	sst s1  }
0xa: {  	[smem:$0x3FAB] =	sst s2  }
0xb: {  	[smem:$0x3FAC] =	sst s3  }
0xc: {  	[smem:$0x3FAD] =	sst s4  }
0xd: {  	[smem:$0x3FAE] =	sst s5  }
0xe: {  	[smem:$0x3FAF] =	sst s6  }
0xf: {  	[smem:$0x3FB0] =	sst s7  }
0x10: {  	[smem:$0x3FB1] =	sst s8  }
0x11: {  	[smem:$0x3FB2] =	sst s9;
	s0 =	simm.s32 @!p0 $0x0  }
0x12: {  	s1 =	sld [smem:$0x3F98];
	s0 =	simm.s32 @p0 $0x1  }
0x13: {  	[smem:$0x3FB3] =	sst s0;
	s0 =	simm.s32 @!p1 $0x0  }
0x14: {  	s2 =	sld [smem:$0x3F97];
	s0 =	simm.s32 @p1 $0x1  }
0x15: {  	[smem:$0x3FB4] =	sst s0;
	s0 =	simm.s32 @!p2 $0x0  }
0x16: {  	s3 =	sld [smem:$0x3FDB];
	s0 =	simm.s32 @p2 $0x1  }
0x17: {  	s4 =	simm.s32 $0x1BF5;
	[smem:$0x3FB6] =	sst s0  }
0x18: {  	s0 =	sld [smem:$0x3F99];
	_ =	swait.ge [sflag:s4], $0x0  }
0x19: {  	s7 =	sld [smem:$0x3F9A]  }
0x1a: {  	s8 =	sadd.s32 $0xFFFFE003, lr  }
0x1b: {  	s9 =	sadd.s32 $0xFFFFFEF7, lr;
	s5 =	simm.s32 $0xFFFFFFFF;
	p2 =	slt.u32 s8, $0xFFFFF086  }
0x1c: {  	p1 =	slt.u32 s9, $0xF7A;
	s5 =	simm.s32 @!p2 $0x0  }
0x1d: {  	s5 =	simm.s32 @p1 $0x1;
	p0 =	seq.s32 s7, s2  }
0x1e: {  	s7 =	smul.u32 @!p0 $0xF7A, s2;
	p2 =	seq.s32 @!p0 s5, $0x0  }
0x1f: {  	s9 =	smul.u32 $0xF7A, s1;
	s8 =	simm.s32 @!p0 $0x1BF5;
	p2 =	por !p2, p0  }
0x20: {  	[sflag:s8] =	ssyncset.s32 @!p0 $0xFFFFF086;
	s6 =	sadd.s32 @!p0 s3, s7;
	s7 =	simm.s32 @!p0 $0x108  }
0x21: {  	s3 =	sadd.s32 s3, s9;
	s6 =	sadd.s32 @!p0 $0x88, s6;
	s7 =	simm.s32 @p2 $0x1082  }
0x22: {  	[simem:s7], [sflag:s8] =	dma.local @!p0 [hbm:s6], $0xF7A  }
0x23: {  	s9 =	sor.u32 $0xD0000000, s2;
	s6 =	simm.s32 $0x108;
	_ =	swait.ge @!p0 [sflag:s8], $0x0  }
0x24: {  	s3 =	sadd.s32 $0x88, s3;
	s6 =	simm.s32 @!p1 $0x1082;
	[sflag:s4] =	ssyncset.s32 $0xFFFFF086  }
0x25: {  	[simem:s6], [sflag:s4] =	dma.local [hbm:s3], $0xF7A  }
0x26: {  	[smem:$0x3F9A] =	sst s1;
	(tag) =	ssettag s2;
	_ =	strace s9  }
0x27: {  	s1 =	sld [smem:$0x3FAA]  }
0x28: {  	s2 =	sld [smem:$0x3FAB]  }
0x29: {  	s4 =	sld [smem:$0x3FAD]  }
0x2a: {  	p0 =	seq.s32 s5, $0x0;
	s5 =	sld [smem:$0x3FAE]  }
0x2b: {  	s6 =	sld [smem:$0x3FAF]  }
0x2c: {  	s7 =	sld [smem:$0x3FB0]  }
0x2d: {  	s3 =	simm.s32 $0x108;
	s8 =	sld [smem:$0x3FB1]  }
0x2e: {  	s3 =	simm.s32 @!p0 $0x1082;
	s9 =	sld [smem:$0x3FB2]  }
0x2f: {  	lr =	sadd.s32 s0, s3;
	s0 =	sld [smem:$0x3FA9]  }
0x30: {  	s3 =	sld [smem:$0x3FAC]  }
0x31: {  	[smem:$0x3FB5] =	sst s10  }
0x32: {  	s10 =	sld [smem:$0x3FB3];
	_ =	sdelay $0x3  }
0x33: {  	p0 =	seq.s32 s10, $0x1;
	s10 =	sld [smem:$0x3FB5];
	_ =	sdelay $0x3  }
0x34: {  	[smem:$0x3FB5] =	sst s10  }
0x35: {  	s10 =	sld [smem:$0x3FB4];
	_ =	sdelay $0x3  }
0x36: {  	p1 =	seq.s32 s10, $0x1;
	s10 =	sld [smem:$0x3FB5];
	_ =	sdelay $0x3  }
0x37: {  	[smem:$0x3FB5] =	sst s10  }
0x38: {  	s10 =	sld [smem:$0x3FB6]  }
0x39: {  	_ = 	snop;
	(pc) =	sbr.ind lr, $3  }
0x3a: {  	_ = 	snop  }
0x3b: {  	_ = 	snop  }
0x3c: {  	p2 =	seq.s32 s10, $0x1;
	s10 =	sld [smem:$0x3FB5]  }
0x3d: {  	_ =	shalt  }
0x3e: {  	_ =	shalt  }
0x3f: {  	_ =	shalt  }
0x40: {  	_ =	shalt  }
0x41: {  	_ =	shalt  }
0x42: {  	_ =	shalt  }
0x43: {  	_ =	shalt  }
0x44: {  	_ =	shalt  }
0x45: {  	_ =	shalt  }
0x46: {  	_ =	shalt  }
0x47: {  	_ =	shalt  }
0x48: {  	_ =	shalt  }
0x49: {  	_ =	shalt  }
0x4a: {  	_ =	shalt  }
0x4b: {  	_ =	shalt  }
0x4c: {  	_ =	shalt  }
0x4d: {  	_ =	shalt  }
0x4e: {  	_ =	shalt  }
0x4f: {  	_ =	shalt  }
0x50: {  	_ =	shalt  }
0x51: {  	_ =	shalt  }
0x52: {  	_ =	shalt  }
0x53: {  	_ =	shalt  }
0x54: {  	_ =	shalt  }
0x55: {  	_ =	shalt  }
0x56: {  	_ =	shalt  }
0x57: {  	_ =	shalt  }
0x58: {  	_ =	shalt  }
0x59: {  	_ =	shalt  }
0x5a: {  	_ =	shalt  }
0x5b: {  	_ =	shalt  }
0x5c: {  	_ =	shalt  }
0x5d: {  	_ =	shalt  }
0x5e: {  	_ =	shalt  }
0x5f: {  	_ =	shalt  }
0x60: {  	_ =	shalt  }
0x61: {  	_ =	shalt  }
0x62: {  	_ =	shalt  }
0x63: {  	_ =	shalt  }
0x64: {  	_ =	shalt  }
0x65: {  	_ =	shalt  }
0x66: {  	_ =	shalt  }
0x67: {  	_ =	shalt  }
0x68: {  	_ =	shalt  }
0x69: {  	_ =	shalt  }
0x6a: {  	_ =	shalt  }
0x6b: {  	_ =	shalt  }
0x6c: {  	_ =	shalt  }
0x6d: {  	_ =	shalt  }
0x6e: {  	_ =	shalt  }
0x6f: {  	_ =	shalt  }
0x70: {  	_ =	shalt  }
0x71: {  	_ =	shalt  }
0x72: {  	_ =	shalt  }
0x73: {  	_ =	shalt  }
0x74: {  	_ =	shalt  }
0x75: {  	_ =	shalt  }
0x76: {  	_ =	shalt  }
0x77: {  	_ =	shalt  }
0x78: {  	_ =	shalt  }
0x79: {  	_ =	shalt  }
0x7a: {  	_ =	shalt  }
0x7b: {  	_ =	shalt  }
0x7c: {  	_ =	shalt  }
0x7d: {  	_ =	shalt  }
0x7e: {  	_ =	shalt  }
0x7f: {  	_ =	shalt  }
0x80: {  	_ =	shalt  }
0x81: {  	_ =	shalt  }
0x82: {  	_ =	shalt  }
0x83: {  	_ =	shalt  }
0x84: {  	_ =	shalt  }
0x85: {  	_ =	shalt  }
0x86: {  	_ =	shalt  }
0x87: {  	_ =	shalt  }
.Lfunc_end0:
.L_simem_size_0:
called_computation.1_lowered:
.L_overlay_start_0:
0x88: {  	s2 =	sld [smem:$0x3FD9]  }
0x89: {  	s3 =	sld [smem:$0x3FFE];
	_ =	sdelay $0x1  }
0x8a: {  	s1 =	srdreg.scid  }
0x8b: {  	s0 =	sand.u32 $0x1, s1  }
0x8c: {  	s16 =	sshll.u32 s0, $0xA;
	s2 =	sadd.s32 s3, s2  }
0x8d: {  	s2 =	sadd.s32 s2, s16  }
0x8e: {  	[smem:$0x3FC1] =	sst s2  }
0x8f: {  	_ = 	snop  }
0x90: {  	(tm) =	ssettm $0x1  }
0x91: {  	s17 =	sld [smem:$0x3FFB];
	_ =	sdelay $0x3  }
0x92: {  	_ =	strace s17  }
0x93: {  	s2 =	sld [smem:$0x3FFC];
	_ =	sdelay $0x3  }
0x94: {  	_ =	strace s2  }
0x95: {  	s2 =	sld [smem:$0x3FFD];
	_ =	sdelay $0x3  }
0x96: {  	_ =	strace s2  }
0x97: {  	_ =	strace $0x8FFFFFFF  }
0x98: {  	s18 =	sld [smem:$0x3FDB];
	_ =	sdelay $0x1  }
0x99: {  	s19 =	simm.s32 $_scs_section_size  }
0x9a: {  	s4 =	simm.s32 $_size__tile_overlayer_lowered;
	s5 =	simm.s32 $_tile_overlayer_lowered  }
0x9b: {  	s22 =	simm.s32 $0x1BFF;
	s21 =	sshll.u32 s5, $0x1;
	s2 =	sadd.s32 s19, s18  }
0x9c: {  	s6 =	simm.s32 $0x0;
	s20 =	sshll.u32 s4, $0x1;
	s4 =	sadd.s32 s21, s2  }
0x9d: {  	[timem:s6], [sflag:s22] =	dma.local [hbm:s4], s20  }
0x9e: {  	_ =	swait.ge [sflag:s22], s20  }
0x9f: {  	s3 =	ssub.s32 $0x0, s20;
	[sflag:s22] =	ssyncset.done $0x0  }
0xa0: {  	[sflag:s22] =	ssyncadd.s32 s3;
	_ =	sdelay $0x1  }
0xa1: {  	s23 =	simm.s32 $0x1B8B  }
0xa2: {  	_ =	swait.ge [sflag:s23], $0x1  }
0xa3: {  	[sflag:s23] =	ssyncset.done $0x0  }
0xa4: {  	s25 =	simm.s32 $0x1B8E;
	s24 =	sld [smem:$0x3FFE];
	[sflag:s23] =	ssyncadd.s32 $0xFFFFFFFF  }
0xa5: {  	s26 =	simm.s32 $execute0_lowered;
	[smem:$0x3FD2] =	sst s25  }
0xa6: {  	s4 =	sshll.u32 s26, $0x1;
	_ =	strace $0x80000049;
	[dreg:$0x1] =	wrdreg $0xFFFFFFFF  }
0xa7: {  	s28 =	simm.s32 $_size_execute0_lowered;
	s2 =	sadd.s32 s2, s4;
	[dreg:$0x0] =	wrdreg $0x0  }
0xa8: {  	s4 =	sshll.u32 s28, $0x1;
	[dreg:$0x2] =	wrdreg s2  }
0xa9: {  	[dreg:$0x3] =	wrdreg s4  }
0xaa: {  	[dreg:$0x4] =	wrdreg $0xC0  }
0xab: {  	_ =	task [dreg:s6], $0x5FFFF  }
0xac: {  	[dreg:$0x1] =	wrdreg $0xFFFFFFFF  }
0xad: {  	[dreg:$0x0] =	wrdreg $0x60  }
0xae: {  	[dreg:$0x2] =	wrdreg s24  }
0xaf: {  	[dreg:$0x3] =	wrdreg $0x9  }
0xb0: {  	_ =	task.clear_ibuf [dreg:s6], $0x4FFFF;
	_ =	strace $0x90000049  }
0xb1: {  	s29 =	simm.s32 $0x9;
	_ =	strace $0x8000004B  }
0xb2: {  	_ =	swait.ge [sflag:s29], $0x1  }
0xb3: {  	[sflag:s29] =	ssyncadd.s32 $0xFFFFFFFF  }
0xb4: {  	_ =	strace $0x9000004B  }
0xb5: {  	_ =	sfence  }
0xb6: {  	s30 =	sld [smem:$0x0];
	_ =	sdelay $0x2  }
0xb7: {  	s31 =	sshll.u32 s1, $0xD;
	s1 =	sshrl.u32 s1, $0x2  }
0xb8: {  	s3 =	sand.u32 $0x4000, s31;
	s1 =	sadd.s32 s1, s30  }
0xb9: {  	s0 =	sor.u32 s3, s0;
	s1 =	sshll.u32 s1, $0x11  }
0xba: {  	s0 =	sor.u32 s1, s0  }
0xbb: {  	s0 =	sadd.s32 $0x8F2B, s0  }
0xbc: {  	[sflag:s0] =	ssyncadd.remote.s32 $0x1  }
0xbd: {  	_ =	sfence.sel $0xFFFF  }
0xbe: {  	[dreg:$0x0] =	wrdreg $0xFFFFFFFF;
	(pc) =	sbr.abs _section_cstart, $3  }
0xbf: {  	[dreg:$0x1] =	wrdreg $0xFFFFFFFF  }
0xc0: {  	_ =	task.clear_ibuf [dreg:s6], $0x2FFFF;
	_ =	strace $0x9FFFFFFF  }
0xc1: {  	(tm) =	ssettm $0x7FFFFFFF  }
tec
execute0_lowered:
.L_overlay_start_1:
0x0: {  	(tag) =	ssettag $0x1  }
0x1: {  	s4 =	rddreg [dreg:$0x0]  }
0x2: {  	s0 =	rddreg [dreg:$0x1];
	s2 =	simm.s32 $0x0;
	s1 =	stileid.u32  }
0x3: {  	s3 =	srdreg.scid;
	s10 =	simm.s32 $0x0;
	s6 =	smul.u32 $0xC000, s1  }
0x4: {  	[smem:$0x7FF] =	sst s2;
	s5 =	sand.u32 $0x1, s3;
	s8 =	smul.u32 $0x60000, s1  }
0x5: {  	s3 =	sadd.s32 $0xA00, s4;
	s7 =	smul.u32 $0x6000, s5;
	s9 =	ssub.s32 $0x2, s5  }
0x6: {  	_ =	strace $0x8000004A;
	s5 =	smul.u32 $0x30000, s5;
	s31 =	sshrl.u32 s9, $0x1  }
0x7: {  	s8 =	sadd.s32 s8, s4;
	s6 =	sadd.s32 s7, s6;
	s7 =	ssub.s32 s9, s31  }
0x8: {  	s5 =	sadd.s32 s5, s8;
	s8 =	simm.s32 $0x80;
	s6 =	sshrl.u32 s6, $0x3  }
0x9: {  	s9 =	simm.s32 $0x1;
	s5 =	sadd.s32 $0x58A00, s5;
	s6 =	sadd.s32 s6, s4  }
0xa: {  	s4 =	smax.u32 s7, $0x1;
	s7 =	simm.s32 $0x2;
	s6 =	sadd.s32 $0x40A00, s6  }
.LBB2_1:
0xb: {  	s11 =	sadd.s32 $0x0, s6  }
0xc: {  	[tilespmem:s2], [sflag:$0x2] =	stream.linear.gather [hbm4b:s11+s2], $0x80, $0x38;
	[tilespmem:$0x2080] =	vst v63  }
0xd: {  	_ =	swait.ge [sflag:s7], $0x80  }
0xe: {  	[sflag:s7] =	ssyncset.done $0x0  }
0xf: {  	[sflag:s7] =	ssyncadd.s32 $0xFFFFFF80  }
0x10: {  	[tilespmem:s8], [sflag:$0x1] =	stream.indirect.gather [hbm4b:s3+s8], $0x40, s2, s8, $0xb8;
	[tilespmem:$0x2080] =	vst v63  }
0x11: {  	_ =	swait.ge [sflag:s9], $0x2000  }
0x12: {  	[sflag:s9] =	ssyncset.done $0x0  }
0x13: {  	[sflag:s9] =	ssyncadd.s32 $0xFFFFE000  }
0x14: {  	[hbm4b:s5+s2] =	stream.linear.scatter [tilespmem:s8], [sflag:$0x2], $0x2000, $0x38;
	[tilespmem:$0x2080] =	vst v63  }
0x15: {  	s12 =	simm.s32 $0x10;
	_ =	swait.ge [sflag:s7], $0x2000  }
0x16: {  	s13 =	simm.s32 $0x20;
	s11 =	sadd.s32 $0x400, s5;
	[sflag:s7] =	ssyncset.done $0x0  }
.LBB2_2:
0x17: {  	s14 =	sadd.s32 s12, s6  }
0x18: {  	[sflag:s7] =	ssyncadd.s32 $0xFFFFE000;
	s12 =	smov.u32 s13;
	s15 =	sadd.s32 $0x10, s13  }
0x19: {  	[tilespmem:s2], [sflag:$0x2] =	stream.linear.gather [hbm4b:s14+s2], $0x80, $0x38;
	[tilespmem:$0x2080] =	vst v63  }
0x1a: {  	p0 =	sne.s32 s13, $0xBF0;
	_ =	swait.ge [sflag:s7], $0x80  }
0x1b: {  	[sflag:s7] =	ssyncset.done $0x0  }
0x1c: {  	[sflag:s7] =	ssyncadd.s32 $0xFFFFFF80  }
0x1d: {  	[tilespmem:s8], [sflag:$0x1] =	stream.indirect.gather [hbm4b:s3+s8], $0x40, s2, s8, $0xb8;
	[tilespmem:$0x2080] =	vst v63  }
0x1e: {  	_ =	swait.ge [sflag:s9], $0x2000  }
.Ltmp0:
0x1f: {  	[sflag:s9] =	ssyncset.done $0x0;
	(pc) =	sbr.rel @p0 .LBB2_2-.Ltmp0, $4  }
0x20: {  	[sflag:s9] =	ssyncadd.s32 $0xFFFFE000  }
0x21: {  	[hbm4b:s11+s2] =	stream.linear.scatter [tilespmem:s8], [sflag:$0x2], $0x2000, $0x38;
	[tilespmem:$0x2080] =	vst v63  }
0x22: {  	_ =	swait.ge [sflag:s7], $0x2000  }
0x23: {  	s13 =	smov.u32 s15;
	s11 =	sadd.s32 $0x400, s11;
	[sflag:s7] =	ssyncset.done $0x0  }
0x24: {  	s12 =	sadd.s32 s12, s6;
	[sflag:s7] =	ssyncadd.s32 $0xFFFFE000  }
0x25: {  	[tilespmem:s2], [sflag:$0x2] =	stream.linear.gather [hbm4b:s12+s2], $0x80, $0x38;
	[tilespmem:$0x2080] =	vst v63  }
0x26: {  	_ =	swait.ge [sflag:s7], $0x80  }
0x27: {  	[sflag:s7] =	ssyncset.done $0x0  }
0x28: {  	[sflag:s7] =	ssyncadd.s32 $0xFFFFFF80  }
0x29: {  	[tilespmem:s8], [sflag:$0x1] =	stream.indirect.gather [hbm4b:s3+s8], $0x40, s2, s8, $0xb8;
	[tilespmem:$0x2080] =	vst v63  }
0x2a: {  	s10 =	sadd.s32 $0x1, s10;
	_ =	swait.ge [sflag:s9], $0x2000  }
0x2b: {  	p0 =	sne.s32 s10, s4;
	[sflag:s9] =	ssyncset.done $0x0  }
.Ltmp1:
0x2c: {  	[sflag:s9] =	ssyncadd.s32 $0xFFFFE000;
	(pc) =	sbr.rel @p0 .LBB2_1-.Ltmp1, $4  }
0x2d: {  	[hbm4b:s11+s2] =	stream.linear.scatter [tilespmem:s8], [sflag:$0x2], $0x2000, $0x38;
	[tilespmem:$0x2080] =	vst v63  }
0x2e: {  	_ =	swait.ge [sflag:s7], $0x2000  }
0x2f: {  	[sflag:s7] =	ssyncset.done $0x0  }
0x30: {  	[sflag:s7] =	ssyncadd.s32 $0xFFFFE000  }
0x31: {  	_ =	sfence.sel $0x180000  }
0x32: {  	[bflag:$0x0] =	sbarrier.arrive $0xFFFF  }
0x33: {  	p0 =	sne.s32 s1, $0x0;
	_ =	strace $0x9000004A  }
0x34: {  	s0 =	sadd.s32 @!p0 $0x100000, s0;
	[bflag:$0x2] =	sbarrier.arrive $0xFFFF  }
0x35: {  	[sflag:s0] =	ssyncadd.tile.s32 @!p0 $0x1;
	_ =	shalt  }
.Lfunc_end2:
_tile_overlayer_lowered:
.L_overlay_start_2:
0x36: {  	(tag) =	ssettag $0x2  }
0x37: {  	s0 =	rddreg [dreg:$0x0];
	s2 =	stileid.u32  }
0x38: {  	s1 =	rddreg [dreg:$0x1];
	p0 =	sne.s32 s2, $0x0  }
0x39: {  	s3 =	rddreg [dreg:$0x2];
	[bflag:$0x3] =	sbarrier.arrive $0xFFFF;
	s2 =	simm.s32 @!p0 $0x1C02  }
0x3a: {  	[timem:s3], [sflag:s2] =	dma.local @!p0 [hbm:s0], s1  }
0x3b: {  	s0 =	simm.s32 @!p0 $0x2  }
0x3c: {  	_ =	swait.ge @!p0 [sflag:s0], s1  }
0x3d: {  	s1 =	ssub.s32 @!p0 $0x0, s1;
	[sflag:s0] =	ssyncset.done @!p0 $0x0  }
0x3e: {  	[sflag:s0] =	ssyncadd.s32 @!p0 s1  }
0x3f: {  	[bflag:$0x3] =	sbarrier.arrive $0xFFFF  }
0x40: {  	_ =	shalt  }

// kernel: kernel.25.cloned.1.call-start
scs
__scs_entry_jumppad:
0x0: {  	(pc) =	sbr.rel $0x88, $3  }
0x1: {  	(tag) =	ssettag $0x0;
	lr =	simm.s32 $0x1  }
0x2: {  	[smem:$0x3F9A] =	sst lr;
	_ =	strace $0xD0000000  }
0x3: {  	_ = 	snop  }
0x4: {  	_ = 	snop  }
0x5: {  	_ = 	snop  }
0x6: {  	_ = 	snop  }
0x7: {  	_ = 	snop  }
__scs_overlays_trampoline_lowered:
0x8: {  	[smem:$0x3FA9] =	sst s0  }
0x9: {  	[smem:$0x3FAA] =	sst s1  }
0xa: {  	[smem:$0x3FAB] =	sst s2  }
0xb: {  	[smem:$0x3FAC] =	sst s3  }
0xc: {  	[smem:$0x3FAD] =	sst s4  }
0xd: {  	[smem:$0x3FAE] =	sst s5  }
0xe: {  	[smem:$0x3FAF] =	sst s6  }
0xf: {  	[smem:$0x3FB0] =	sst s7  }
0x10: {  	[smem:$0x3FB1] =	sst s8  }
0x11: {  	[smem:$0x3FB2] =	sst s9;
	s0 =	simm.s32 @!p0 $0x0  }
0x12: {  	s1 =	sld [smem:$0x3F98];
	s0 =	simm.s32 @p0 $0x1  }
0x13: {  	[smem:$0x3FB3] =	sst s0;
	s0 =	simm.s32 @!p1 $0x0  }
0x14: {  	s2 =	sld [smem:$0x3F97];
	s0 =	simm.s32 @p1 $0x1  }
0x15: {  	[smem:$0x3FB4] =	sst s0;
	s0 =	simm.s32 @!p2 $0x0  }
0x16: {  	s3 =	sld [smem:$0x3FDB];
	s0 =	simm.s32 @p2 $0x1  }
0x17: {  	s4 =	simm.s32 $0x1BF5;
	[smem:$0x3FB6] =	sst s0  }
0x18: {  	s0 =	sld [smem:$0x3F99];
	_ =	swait.ge [sflag:s4], $0x0  }
0x19: {  	s7 =	sld [smem:$0x3F9A]  }
0x1a: {  	s8 =	sadd.s32 $0xFFFFE003, lr  }
0x1b: {  	s9 =	sadd.s32 $0xFFFFFEF7, lr;
	s5 =	simm.s32 $0xFFFFFFFF;
	p2 =	slt.u32 s8, $0xFFFFF086  }
0x1c: {  	p1 =	slt.u32 s9, $0xF7A;
	s5 =	simm.s32 @!p2 $0x0  }
0x1d: {  	s5 =	simm.s32 @p1 $0x1;
	p0 =	seq.s32 s7, s2  }
0x1e: {  	s7 =	smul.u32 @!p0 $0xF7A, s2;
	p2 =	seq.s32 @!p0 s5, $0x0  }
0x1f: {  	s9 =	smul.u32 $0xF7A, s1;
	s8 =	simm.s32 @!p0 $0x1BF5;
	p2 =	por !p2, p0  }
0x20: {  	[sflag:s8] =	ssyncset.s32 @!p0 $0xFFFFF086;
	s6 =	sadd.s32 @!p0 s3, s7;
	s7 =	simm.s32 @!p0 $0x108  }
0x21: {  	s3 =	sadd.s32 s3, s9;
	s6 =	sadd.s32 @!p0 $0x88, s6;
	s7 =	simm.s32 @p2 $0x1082  }
0x22: {  	[simem:s7], [sflag:s8] =	dma.local @!p0 [hbm:s6], $0xF7A  }
0x23: {  	s9 =	sor.u32 $0xD0000000, s2;
	s6 =	simm.s32 $0x108;
	_ =	swait.ge @!p0 [sflag:s8], $0x0  }
0x24: {  	s3 =	sadd.s32 $0x88, s3;
	s6 =	simm.s32 @!p1 $0x1082;
	[sflag:s4] =	ssyncset.s32 $0xFFFFF086  }
0x25: {  	[simem:s6], [sflag:s4] =	dma.local [hbm:s3], $0xF7A  }
0x26: {  	[smem:$0x3F9A] =	sst s1;
	(tag) =	ssettag s2;
	_ =	strace s9  }
0x27: {  	s1 =	sld [smem:$0x3FAA]  }
0x28: {  	s2 =	sld [smem:$0x3FAB]  }
0x29: {  	s4 =	sld [smem:$0x3FAD]  }
0x2a: {  	p0 =	seq.s32 s5, $0x0;
	s5 =	sld [smem:$0x3FAE]  }
0x2b: {  	s6 =	sld [smem:$0x3FAF]  }
0x2c: {  	s7 =	sld [smem:$0x3FB0]  }
0x2d: {  	s3 =	simm.s32 $0x108;
	s8 =	sld [smem:$0x3FB1]  }
0x2e: {  	s3 =	simm.s32 @!p0 $0x1082;
	s9 =	sld [smem:$0x3FB2]  }
0x2f: {  	lr =	sadd.s32 s0, s3;
	s0 =	sld [smem:$0x3FA9]  }
0x30: {  	s3 =	sld [smem:$0x3FAC]  }
0x31: {  	[smem:$0x3FB5] =	sst s10  }
0x32: {  	s10 =	sld [smem:$0x3FB3];
	_ =	sdelay $0x3  }
0x33: {  	p0 =	seq.s32 s10, $0x1;
	s10 =	sld [smem:$0x3FB5];
	_ =	sdelay $0x3  }
0x34: {  	[smem:$0x3FB5] =	sst s10  }
0x35: {  	s10 =	sld [smem:$0x3FB4];
	_ =	sdelay $0x3  }
0x36: {  	p1 =	seq.s32 s10, $0x1;
	s10 =	sld [smem:$0x3FB5];
	_ =	sdelay $0x3  }
0x37: {  	[smem:$0x3FB5] =	sst s10  }
0x38: {  	s10 =	sld [smem:$0x3FB6]  }
0x39: {  	_ = 	snop;
	(pc) =	sbr.ind lr, $3  }
0x3a: {  	_ = 	snop  }
0x3b: {  	_ = 	snop  }
0x3c: {  	p2 =	seq.s32 s10, $0x1;
	s10 =	sld [smem:$0x3FB5]  }
0x3d: {  	_ =	shalt  }
0x3e: {  	_ =	shalt  }
0x3f: {  	_ =	shalt  }
0x40: {  	_ =	shalt  }
0x41: {  	_ =	shalt  }
0x42: {  	_ =	shalt  }
0x43: {  	_ =	shalt  }
0x44: {  	_ =	shalt  }
0x45: {  	_ =	shalt  }
0x46: {  	_ =	shalt  }
0x47: {  	_ =	shalt  }
0x48: {  	_ =	shalt  }
0x49: {  	_ =	shalt  }
0x4a: {  	_ =	shalt  }
0x4b: {  	_ =	shalt  }
0x4c: {  	_ =	shalt  }
0x4d: {  	_ =	shalt  }
0x4e: {  	_ =	shalt  }
0x4f: {  	_ =	shalt  }
0x50: {  	_ =	shalt  }
0x51: {  	_ =	shalt  }
0x52: {  	_ =	shalt  }
0x53: {  	_ =	shalt  }
0x54: {  	_ =	shalt  }
0x55: {  	_ =	shalt  }
0x56: {  	_ =	shalt  }
0x57: {  	_ =	shalt  }
0x58: {  	_ =	shalt  }
0x59: {  	_ =	shalt  }
0x5a: {  	_ =	shalt  }
0x5b: {  	_ =	shalt  }
0x5c: {  	_ =	shalt  }
0x5d: {  	_ =	shalt  }
0x5e: {  	_ =	shalt  }
0x5f: {  	_ =	shalt  }
0x60: {  	_ =	shalt  }
0x61: {  	_ =	shalt  }
0x62: {  	_ =	shalt  }
0x63: {  	_ =	shalt  }
0x64: {  	_ =	shalt  }
0x65: {  	_ =	shalt  }
0x66: {  	_ =	shalt  }
0x67: {  	_ =	shalt  }
0x68: {  	_ =	shalt  }
0x69: {  	_ =	shalt  }
0x6a: {  	_ =	shalt  }
0x6b: {  	_ =	shalt  }
0x6c: {  	_ =	shalt  }
0x6d: {  	_ =	shalt  }
0x6e: {  	_ =	shalt  }
0x6f: {  	_ =	shalt  }
0x70: {  	_ =	shalt  }
0x71: {  	_ =	shalt  }
0x72: {  	_ =	shalt  }
0x73: {  	_ =	shalt  }
0x74: {  	_ =	shalt  }
0x75: {  	_ =	shalt  }
0x76: {  	_ =	shalt  }
0x77: {  	_ =	shalt  }
0x78: {  	_ =	shalt  }
0x79: {  	_ =	shalt  }
0x7a: {  	_ =	shalt  }
0x7b: {  	_ =	shalt  }
0x7c: {  	_ =	shalt  }
0x7d: {  	_ =	shalt  }
0x7e: {  	_ =	shalt  }
0x7f: {  	_ =	shalt  }
0x80: {  	_ =	shalt  }
0x81: {  	_ =	shalt  }
0x82: {  	_ =	shalt  }
0x83: {  	_ =	shalt  }
0x84: {  	_ =	shalt  }
0x85: {  	_ =	shalt  }
0x86: {  	_ =	shalt  }
0x87: {  	_ =	shalt  }
.Lfunc_end0:
.L_simem_size_0:
called_computation.2_lowered:
.L_overlay_start_0:
0x88: {  	s2 =	sld [smem:$0x3FD9]  }
0x89: {  	s3 =	sld [smem:$0x3FFE];
	_ =	sdelay $0x1  }
0x8a: {  	s1 =	srdreg.scid  }
0x8b: {  	s0 =	sand.u32 $0x1, s1  }
0x8c: {  	s16 =	sshll.u32 s0, $0xA;
	s2 =	sadd.s32 s3, s2  }
0x8d: {  	s2 =	sadd.s32 s2, s16  }
0x8e: {  	[smem:$0x3FC1] =	sst s2  }
0x8f: {  	_ = 	snop  }
0x90: {  	(tm) =	ssettm $0x1  }
0x91: {  	s17 =	sld [smem:$0x3FFB];
	_ =	sdelay $0x3  }
0x92: {  	_ =	strace s17  }
0x93: {  	s2 =	sld [smem:$0x3FFC];
	_ =	sdelay $0x3  }
0x94: {  	_ =	strace s2  }
0x95: {  	s2 =	sld [smem:$0x3FFD];
	_ =	sdelay $0x3  }
0x96: {  	_ =	strace s2  }
0x97: {  	_ =	strace $0x8FFFFFFF  }
0x98: {  	s18 =	sld [smem:$0x3FDB];
	_ =	sdelay $0x1  }
0x99: {  	s19 =	simm.s32 $_scs_section_size  }
0x9a: {  	s4 =	simm.s32 $_size__tile_overlayer_lowered;
	s5 =	simm.s32 $_tile_overlayer_lowered  }
0x9b: {  	s22 =	simm.s32 $0x1BFF;
	s21 =	sshll.u32 s5, $0x1;
	s2 =	sadd.s32 s19, s18  }
0x9c: {  	s6 =	simm.s32 $0x0;
	s20 =	sshll.u32 s4, $0x1;
	s4 =	sadd.s32 s21, s2  }
0x9d: {  	[timem:s6], [sflag:s22] =	dma.local [hbm:s4], s20  }
0x9e: {  	_ =	swait.ge [sflag:s22], s20  }
0x9f: {  	s3 =	ssub.s32 $0x0, s20;
	[sflag:s22] =	ssyncset.done $0x0  }
0xa0: {  	[sflag:s22] =	ssyncadd.s32 s3;
	_ =	sdelay $0x1  }
0xa1: {  	s23 =	simm.s32 $0x1B8B  }
0xa2: {  	_ =	swait.ge [sflag:s23], $0x1  }
0xa3: {  	[sflag:s23] =	ssyncset.done $0x0  }
0xa4: {  	s25 =	simm.s32 $0x1B8E;
	s24 =	sld [smem:$0x3FFE];
	[sflag:s23] =	ssyncadd.s32 $0xFFFFFFFF  }
0xa5: {  	s26 =	simm.s32 $execute0_lowered;
	[smem:$0x3FD2] =	sst s25  }
0xa6: {  	s4 =	sshll.u32 s26, $0x1;
	_ =	strace $0x8000004C;
	[dreg:$0x1] =	wrdreg $0xFFFFFFFF  }
0xa7: {  	s28 =	simm.s32 $_size_execute0_lowered;
	s2 =	sadd.s32 s2, s4;
	[dreg:$0x0] =	wrdreg $0x0  }
0xa8: {  	s4 =	sshll.u32 s28, $0x1;
	[dreg:$0x2] =	wrdreg s2  }
0xa9: {  	[dreg:$0x3] =	wrdreg s4  }
0xaa: {  	[dreg:$0x4] =	wrdreg $0xC0  }
0xab: {  	_ =	task [dreg:s6], $0x5FFFF  }
0xac: {  	[dreg:$0x1] =	wrdreg $0xFFFFFFFF  }
0xad: {  	[dreg:$0x0] =	wrdreg $0x60  }
0xae: {  	[dreg:$0x2] =	wrdreg s24  }
0xaf: {  	[dreg:$0x3] =	wrdreg $0x9  }
0xb0: {  	_ =	task.clear_ibuf [dreg:s6], $0x4FFFF;
	_ =	strace $0x9000004C  }
0xb1: {  	s29 =	simm.s32 $0x9;
	_ =	strace $0x8000004E  }
0xb2: {  	_ =	swait.ge [sflag:s29], $0x1  }
0xb3: {  	[sflag:s29] =	ssyncadd.s32 $0xFFFFFFFF  }
0xb4: {  	_ =	strace $0x9000004E  }
0xb5: {  	_ =	sfence  }
0xb6: {  	s30 =	sld [smem:$0x0];
	_ =	sdelay $0x2  }
0xb7: {  	s31 =	sshll.u32 s1, $0xD;
	s1 =	sshrl.u32 s1, $0x2  }
0xb8: {  	s3 =	sand.u32 $0x4000, s31;
	s1 =	sadd.s32 s1, s30  }
0xb9: {  	s0 =	sor.u32 s3, s0;
	s1 =	sshll.u32 s1, $0x11  }
0xba: {  	s0 =	sor.u32 s1, s0  }
0xbb: {  	s0 =	sadd.s32 $0x8F2B, s0  }
0xbc: {  	[sflag:s0] =	ssyncadd.remote.s32 $0x1  }
0xbd: {  	_ =	sfence.sel $0xFFFF  }
0xbe: {  	[dreg:$0x0] =	wrdreg $0xFFFFFFFF;
	(pc) =	sbr.abs _section_cstart, $3  }
0xbf: {  	[dreg:$0x1] =	wrdreg $0xFFFFFFFF  }
0xc0: {  	_ =	task.clear_ibuf [dreg:s6], $0x2FFFF;
	_ =	strace $0x9FFFFFFF  }
0xc1: {  	(tm) =	ssettm $0x7FFFFFFF  }
tec
execute0_lowered:
.L_overlay_start_1:
0x0: {  	(tag) =	ssettag $0x1  }
0x1: {  	s4 =	rddreg [dreg:$0x0]  }
0x2: {  	s0 =	rddreg [dreg:$0x1];
	s2 =	simm.s32 $0x0;
	s1 =	stileid.u32  }
0x3: {  	s3 =	srdreg.scid;
	s10 =	simm.s32 $0x0;
	s6 =	smul.u32 $0xC000, s1  }
0x4: {  	[smem:$0x7FF] =	sst s2;
	s5 =	sand.u32 $0x1, s3;
	s8 =	smul.u32 $0x60000, s1  }
0x5: {  	s3 =	sadd.s32 $0x80A00, s4;
	s7 =	smul.u32 $0x6000, s5;
	s9 =	ssub.s32 $0x2, s5  }
0x6: {  	_ =	strace $0x8000004D;
	s5 =	smul.u32 $0x30000, s5;
	s31 =	sshrl.u32 s9, $0x1  }
0x7: {  	s8 =	sadd.s32 s8, s4;
	s6 =	sadd.s32 s7, s6;
	s7 =	ssub.s32 s9, s31  }
0x8: {  	s5 =	sadd.s32 s5, s8;
	s8 =	simm.s32 $0x80;
	s6 =	sshrl.u32 s6, $0x3  }
0x9: {  	s9 =	simm.s32 $0x1;
	s5 =	sadd.s32 $0xD8A00, s5;
	s6 =	sadd.s32 s6, s4  }
0xa: {  	s4 =	smax.u32 s7, $0x1;
	s7 =	simm.s32 $0x2;
	s6 =	sadd.s32 $0xC0A00, s6  }
.LBB2_1:
0xb: {  	s11 =	sadd.s32 $0x0, s6  }
0xc: {  	[tilespmem:s2], [sflag:$0x2] =	stream.linear.gather [hbm4b:s11+s2], $0x80, $0x38;
	[tilespmem:$0x2080] =	vst v63  }
0xd: {  	_ =	swait.ge [sflag:s7], $0x80  }
0xe: {  	[sflag:s7] =	ssyncset.done $0x0  }
0xf: {  	[sflag:s7] =	ssyncadd.s32 $0xFFFFFF80  }
0x10: {  	[tilespmem:s8], [sflag:$0x1] =	stream.indirect.gather [hbm4b:s3+s8], $0x40, s2, s8, $0xb8;
	[tilespmem:$0x2080] =	vst v63  }
0x11: {  	_ =	swait.ge [sflag:s9], $0x2000  }
0x12: {  	[sflag:s9] =	ssyncset.done $0x0  }
0x13: {  	[sflag:s9] =	ssyncadd.s32 $0xFFFFE000  }
0x14: {  	[hbm4b:s5+s2] =	stream.linear.scatter [tilespmem:s8], [sflag:$0x2], $0x2000, $0x38;
	[tilespmem:$0x2080] =	vst v63  }
0x15: {  	s12 =	simm.s32 $0x10;
	_ =	swait.ge [sflag:s7], $0x2000  }
0x16: {  	s13 =	simm.s32 $0x20;
	s11 =	sadd.s32 $0x400, s5;
	[sflag:s7] =	ssyncset.done $0x0  }
.LBB2_2:
0x17: {  	s14 =	sadd.s32 s12, s6  }
0x18: {  	[sflag:s7] =	ssyncadd.s32 $0xFFFFE000;
	s12 =	smov.u32 s13;
	s15 =	sadd.s32 $0x10, s13  }
0x19: {  	[tilespmem:s2], [sflag:$0x2] =	stream.linear.gather [hbm4b:s14+s2], $0x80, $0x38;
	[tilespmem:$0x2080] =	vst v63  }
0x1a: {  	p0 =	sne.s32 s13, $0xBF0;
	_ =	swait.ge [sflag:s7], $0x80  }
0x1b: {  	[sflag:s7] =	ssyncset.done $0x0  }
0x1c: {  	[sflag:s7] =	ssyncadd.s32 $0xFFFFFF80  }
0x1d: {  	[tilespmem:s8], [sflag:$0x1] =	stream.indirect.gather [hbm4b:s3+s8], $0x40, s2, s8, $0xb8;
	[tilespmem:$0x2080] =	vst v63  }
0x1e: {  	_ =	swait.ge [sflag:s9], $0x2000  }
.Ltmp0:
0x1f: {  	[sflag:s9] =	ssyncset.done $0x0;
	(pc) =	sbr.rel @p0 .LBB2_2-.Ltmp0, $4  }
0x20: {  	[sflag:s9] =	ssyncadd.s32 $0xFFFFE000  }
0x21: {  	[hbm4b:s11+s2] =	stream.linear.scatter [tilespmem:s8], [sflag:$0x2], $0x2000, $0x38;
	[tilespmem:$0x2080] =	vst v63  }
0x22: {  	_ =	swait.ge [sflag:s7], $0x2000  }
0x23: {  	s13 =	smov.u32 s15;
	s11 =	sadd.s32 $0x400, s11;
	[sflag:s7] =	ssyncset.done $0x0  }
0x24: {  	s12 =	sadd.s32 s12, s6;
	[sflag:s7] =	ssyncadd.s32 $0xFFFFE000  }
0x25: {  	[tilespmem:s2], [sflag:$0x2] =	stream.linear.gather [hbm4b:s12+s2], $0x80, $0x38;
	[tilespmem:$0x2080] =	vst v63  }
0x26: {  	_ =	swait.ge [sflag:s7], $0x80  }
0x27: {  	[sflag:s7] =	ssyncset.done $0x0  }
0x28: {  	[sflag:s7] =	ssyncadd.s32 $0xFFFFFF80  }
0x29: {  	[tilespmem:s8], [sflag:$0x1] =	stream.indirect.gather [hbm4b:s3+s8], $0x40, s2, s8, $0xb8;
	[tilespmem:$0x2080] =	vst v63  }
0x2a: {  	s10 =	sadd.s32 $0x1, s10;
	_ =	swait.ge [sflag:s9], $0x2000  }
0x2b: {  	p0 =	sne.s32 s10, s4;
	[sflag:s9] =	ssyncset.done $0x0  }
.Ltmp1:
0x2c: {  	[sflag:s9] =	ssyncadd.s32 $0xFFFFE000;
	(pc) =	sbr.rel @p0 .LBB2_1-.Ltmp1, $4  }
0x2d: {  	[hbm4b:s11+s2] =	stream.linear.scatter [tilespmem:s8], [sflag:$0x2], $0x2000, $0x38;
	[tilespmem:$0x2080] =	vst v63  }
0x2e: {  	_ =	swait.ge [sflag:s7], $0x2000  }
0x2f: {  	[sflag:s7] =	ssyncset.done $0x0  }
0x30: {  	[sflag:s7] =	ssyncadd.s32 $0xFFFFE000  }
0x31: {  	_ =	sfence.sel $0x180000  }
0x32: {  	[bflag:$0x0] =	sbarrier.arrive $0xFFFF  }
0x33: {  	p0 =	sne.s32 s1, $0x0;
	_ =	strace $0x9000004D  }
0x34: {  	s0 =	sadd.s32 @!p0 $0x100000, s0;
	[bflag:$0x2] =	sbarrier.arrive $0xFFFF  }
0x35: {  	[sflag:s0] =	ssyncadd.tile.s32 @!p0 $0x1;
	_ =	shalt  }
.Lfunc_end2:
_tile_overlayer_lowered:
.L_overlay_start_2:
0x36: {  	(tag) =	ssettag $0x2  }
0x37: {  	s0 =	rddreg [dreg:$0x0];
	s2 =	stileid.u32  }
0x38: {  	s1 =	rddreg [dreg:$0x1];
	p0 =	sne.s32 s2, $0x0  }
0x39: {  	s3 =	rddreg [dreg:$0x2];
	[bflag:$0x3] =	sbarrier.arrive $0xFFFF;
	s2 =	simm.s32 @!p0 $0x1C02  }
0x3a: {  	[timem:s3], [sflag:s2] =	dma.local @!p0 [hbm:s0], s1  }
0x3b: {  	s0 =	simm.s32 @!p0 $0x2  }
0x3c: {  	_ =	swait.ge @!p0 [sflag:s0], s1  }
0x3d: {  	s1 =	ssub.s32 @!p0 $0x0, s1;
	[sflag:s0] =	ssyncset.done @!p0 $0x0  }
0x3e: {  	[sflag:s0] =	ssyncadd.s32 @!p0 s1  }
0x3f: {  	[bflag:$0x3] =	sbarrier.arrive $0xFFFF  }
0x40: {  	_ =	shalt  }

</sc_bundles>
